<compile_context>
chip_gen: v7x
topology: tpu7x:2x2x1
jax: 0.10.2.dev20260603
libtpu: 0.0.44.dev20260713+nightly
codegen_flags: <defaults>
</compile_context>

<pallas_src>
import functools

import jax
import jax.numpy as jnp
from jax import lax
from jax.experimental import pallas as pl
from jax.experimental.pallas import tpu as pltpu
from jax.experimental.pallas import tpu_sc as plsc

_B = 1024
_F0 = 25
_F1 = 10
_D = 128

_NC = 2
_NS = 16
_NW = _NC * _NS

_G = _B * _F0
_GPW = _G // _NW
_CH = 40
_NCHUNK = _GPW // _CH


def _sc_segmean_body(x_hbm, out_hbm, inbuf, outbuf, sem_in, sem_out):
    wid = lax.axis_index("s") * _NC + lax.axis_index("c")
    in_base = wid * (_GPW * _F1)
    out_base = wid * _GPW

    def in_copy(g, slot):
        return pltpu.make_async_copy(
            x_hbm.at[pl.ds(in_base + g * (_CH * _F1), _CH * _F1)],
            inbuf.at[slot], sem_in)

    def out_copy(g, slot):
        return pltpu.make_async_copy(
            outbuf.at[slot],
            out_hbm.at[pl.ds(out_base + g * _CH, _CH)], sem_out)

    in_copy(0, 0).start()
    in_copy(1, 1).start()

    def chunk(g, slot):
        in_copy(g, slot).wait()

        def row(i, carry):
            for c in range(_D // 16):
                sl = pl.ds(c * 16, 16)
                acc = inbuf[slot, i * _F1, sl]
                for r in range(1, _F1):
                    acc = acc + inbuf[slot, i * _F1 + r, sl]
                outbuf[slot, i, sl] = acc * (1.0 / _F1)
            return carry

        lax.fori_loop(0, _CH, row, 0)
        out_copy(g, slot).start()

    def outer(t, carry):
        for b in range(2):
            g = t * 2 + b

            @pl.when(g >= 2)
            def _wait_out():
                out_copy(g - 2, b).wait()

            chunk(g, b)

            @pl.when(g + 2 < _NCHUNK)
            def _next_in():
                in_copy(g + 2, b).start()

        return carry

    lax.fori_loop(0, _NCHUNK // 2, outer, 0)
    out_copy(_NCHUNK - 2, 0).wait()
    out_copy(_NCHUNK - 1, 1).wait()


@functools.cache
def _sc_segmean():
    return pl.kernel(
        _sc_segmean_body,
        out_type=jax.ShapeDtypeStruct((_G, _D), jnp.float32),
        mesh=plsc.VectorSubcoreMesh(core_axis_name="c", subcore_axis_name="s",
                                    num_cores=_NC, num_subcores=_NS),
        scratch_types=[
            pltpu.VMEM((2, _CH * _F1, _D), jnp.float32),
            pltpu.VMEM((2, _CH, _D), jnp.float32),
            pltpu.SemaphoreType.DMA,
            pltpu.SemaphoreType.DMA,
        ],
    )


_NBLK = 8
_RPB = _G // _NBLK
_GPB = _B // _NBLK


def _tc_fused_body(b0_ref, x1_ref, m2_ref, ws0_ref, wn0_ref, bias0_ref,
                   ws1_ref, wn1_ref, bias1_ref, out_ref, m1h_ref, m1_ref):
    k = pl.program_id(0)
    x1 = x1_ref[...]
    act = jnp.maximum(
        jnp.dot(x1, ws0_ref[...], preferred_element_type=jnp.float32)
        + jnp.dot(m2_ref[...], wn0_ref[...], preferred_element_type=jnp.float32)
        + bias0_ref[...], 0.0)
    m1h_ref[pl.ds(k * _GPB, _GPB), :] = jnp.mean(
        act.reshape(_GPB, _F0, _D), axis=1)
    m1_ref[pl.ds(k * _GPB, _GPB), :] = jnp.mean(
        x1.reshape(_GPB, _F0, _D), axis=1)

    @pl.when(k == _NBLK - 1)
    def _finish():
        h0 = jnp.maximum(
            jnp.dot(b0_ref[...], ws0_ref[...], preferred_element_type=jnp.float32)
            + jnp.dot(m1_ref[...], wn0_ref[...], preferred_element_type=jnp.float32)
            + bias0_ref[...], 0.0)
        out_ref[...] = (
            jnp.dot(h0, ws1_ref[...], preferred_element_type=jnp.float32)
            + jnp.dot(m1h_ref[...], wn1_ref[...], preferred_element_type=jnp.float32)
            + bias1_ref[...])


def _tc_fused(bert_0, bert_1, m2, ws0, wn0, b0, ws1, wn1, b1):
    wspec = pl.BlockSpec((_D, _D), lambda k: (0, 0))
    bspec = pl.BlockSpec((1, _D), lambda k: (0, 0))
    return pl.pallas_call(
        _tc_fused_body,
        grid=(_NBLK,),
        in_specs=[
            pl.BlockSpec((_B, _D), lambda k: (0, 0)),
            pl.BlockSpec((_RPB, _D), lambda k: (k, 0)),
            pl.BlockSpec((_RPB, _D), lambda k: (k, 0)),
            wspec, wspec, bspec, wspec, wspec, bspec,
        ],
        out_specs=pl.BlockSpec((_B, _D), lambda k: (0, 0)),
        out_shape=jax.ShapeDtypeStruct((_B, _D), jnp.float32),
        scratch_shapes=[
            pltpu.VMEM((_B, _D), jnp.float32),
            pltpu.VMEM((_B, _D), jnp.float32),
        ],
    )(bert_0, bert_1, m2, ws0, wn0, b0.reshape(1, _D), ws1, wn1,
      b1.reshape(1, _D))


def kernel(bert_0, bert_1, bert_2, W_self_0, W_neigh_0, b_0,
           W_self_1, W_neigh_1, b_1):
    m2 = _sc_segmean()(bert_2)
    return _tc_fused(bert_0, bert_1, m2, W_self_0, W_neigh_0, b_0,
                     W_self_1, W_neigh_1, b_1)

# --- scband reference (transcript-rebuilt; emitter-appended) ---
"""Pipeline reference for scband-graph-sage-80178449482513 (READ-ONLY COPY).

The authoritative reference and input builder live on the scoring server;
editing this copy changes nothing except your own understanding.
"""

import jax, jax.numpy as jnp
import numpy as np

B = 1024
F0, F1 = 25, 10
D = 128
H = [128, 128]


def setup_inputs(seed: int = 0) -> dict:
    key = jax.random.key(seed)
    ks = jax.random.split(key, 7)
    s = 1.0 / np.sqrt(D)
    inp = {}
    inp["bert_0"] = jax.random.normal(ks[0], (B, D), dtype=jnp.float32)
    inp["bert_1"] = jax.random.normal(ks[1], (B * F0, D), dtype=jnp.float32)
    inp["bert_2"] = jax.random.normal(ks[2], (B * F0 * F1, D), dtype=jnp.float32)
    # mean-aggregator parameters (self / neighbor weight matrices + bias) per layer
    inp["W_self_0"] = jax.random.normal(ks[3], (D, H[0]), dtype=jnp.float32) * s
    inp["W_neigh_0"] = jax.random.normal(ks[4], (D, H[0]), dtype=jnp.float32) * s
    inp["b_0"] = jnp.zeros((H[0],), dtype=jnp.float32)
    inp["W_self_1"] = jax.random.normal(ks[5], (H[0], H[1]), dtype=jnp.float32) * (1.0 / np.sqrt(H[0]))
    inp["W_neigh_1"] = jax.random.normal(ks[6], (H[0], H[1]), dtype=jnp.float32) * (1.0 / np.sqrt(H[0]))
    inp["b_1"] = jnp.zeros((H[1],), dtype=jnp.float32)
    return inp


def _mean_agg(self_vecs, neigh_vecs, Ws, Wn, b, act):
    neigh_mean = jnp.mean(neigh_vecs, axis=1)
    out = self_vecs @ Ws + neigh_mean @ Wn + b
    return act(out)


def reference(bert_0, bert_1, bert_2, W_self_0, W_neigh_0, b_0, W_self_1, W_neigh_1, b_1):
    fanouts = [F0, F1]
    dims = [D, H[0], H[1]]
    params = [(W_self_0, W_neigh_0, b_0), (W_self_1, W_neigh_1, b_1)]
    acts = [jax.nn.relu, lambda x: x]  # last layer identity_act=True
    num_layers = 2
    hidden = [bert_0, bert_1, bert_2]
    for layer in range(num_layers):
        Ws, Wn, b = params[layer]
        act = acts[layer]
        next_hidden = []
        for hop in range(num_layers - layer):
            self_vecs = hidden[hop]
            neigh = hidden[hop + 1].reshape(-1, fanouts[hop], dims[layer])
            next_hidden.append(_mean_agg(self_vecs, neigh, Ws, Wn, b, act))
        hidden = next_hidden
    return hidden[0]

if __name__ == "__main__":
    import jax
    _d = setup_inputs()
    print(jax.jit(kernel)(*tuple(_d.values())))

</pallas_src>

<mosaic_0001>
#map = affine_map<(d0, d1) -> (0, 0)>
module attributes {stable_mosaic.version = 14 : i64} {
  func.func @_sc_segmean_body(%arg0: i32, %arg1: i32, %arg2: memref<256000x128xf32, #tpu.memory_space<hbm>>, %arg3: memref<25600x128xf32, #tpu.memory_space<hbm>>, %arg4: memref<2x400x128xf32, #tpu.memory_space<vmem>>, %arg5: memref<2x40x128xf32, #tpu.memory_space<vmem>>, %arg6: memref<!tpu.dma_semaphore, #tpu.memory_space<semaphore_mem>>, %arg7: memref<!tpu.dma_semaphore, #tpu.memory_space<semaphore_mem>>) attributes {dimension_semantics = [#tpu.dimension_semantics<core_parallel>, #tpu.dimension_semantics<subcore_parallel>], iteration_bounds = array<i64: 2, 16>, scalar_prefetch = 0 : i64, scratch_operands = 4 : i64, tpu.core_type = #tpu.core_type<sc_vector_subcore>, window_params = [{transform_indices = #map}, {transform_indices = #map}]} {
    %mul3A = arith.constant 2 : i32
    %mul3A_0 = arith.muli %arg1, %mul3A : i32
    %add3A = arith.addi %mul3A_0, %arg0 : i32
    %mul3A_1 = arith.constant 8000 : i32
    %mul3A_2 = arith.muli %add3A, %mul3A_1 : i32
    %mul3A_3 = arith.constant 800 : i32
    %mul3A_4 = arith.muli %add3A, %mul3A_3 : i32
    %add3A_5 = arith.constant 0 : i32
    %add3A_6 = arith.addi %mul3A_2, %add3A_5 : i32
    %dma_start3A = arith.constant 0 : i32
    %dma_start3A_7 = arith.constant 0 : i32
    %dma_start3A_8 = arith.constant 0 : i32
    %dma_start3A_9 = tpu.memref_slice %arg4[%dma_start3A, %dma_start3A_7, %dma_start3A_8] : memref<2x400x128xf32, #tpu.memory_space<vmem>> -> memref<1x400x128xf32, #tpu.memory_space<vmem>>
    %dma_start3A_10 = tpu.memref_squeeze %dma_start3A_9 : memref<1x400x128xf32, #tpu.memory_space<vmem>> -> memref<400x128xf32, #tpu.memory_space<vmem>>
    %dma_start3A_11 = arith.constant 0 : i32
    %dma_start3A_12 = tpu.memref_slice %arg2[%add3A_6, %dma_start3A_11] : memref<256000x128xf32, #tpu.memory_space<hbm>> -> memref<400x128xf32, #tpu.memory_space<hbm>>
    %dma_start3A_13 = arith.constant 0 : i32
    %dma_start3A_14 = arith.constant 0 : i32
    %dma_start3A_15 = tpu.memref_slice %arg4[%dma_start3A, %dma_start3A_13, %dma_start3A_14] : memref<2x400x128xf32, #tpu.memory_space<vmem>> -> memref<1x400x128xf32, #tpu.memory_space<vmem>>
    %dma_start3A_16 = tpu.memref_squeeze %dma_start3A_15 : memref<1x400x128xf32, #tpu.memory_space<vmem>> -> memref<400x128xf32, #tpu.memory_space<vmem>>
    %dma_start3A_17 = arith.constant 0 : i32
    %dma_start3A_18 = tpu.memref_slice %arg2[%add3A_6, %dma_start3A_17] : memref<256000x128xf32, #tpu.memory_space<hbm>> -> memref<400x128xf32, #tpu.memory_space<hbm>>
    tpu.enqueue_dma source(%dma_start3A_18 : memref<400x128xf32, #tpu.memory_space<hbm>>) target(%dma_start3A_16 : memref<400x128xf32, #tpu.memory_space<vmem>>) target_semaphore(%arg6 : memref<!tpu.dma_semaphore, #tpu.memory_space<semaphore_mem>>)
    %add3A_19 = arith.constant 400 : i32
    %add3A_20 = arith.addi %mul3A_2, %add3A_19 : i32
    %dma_start3A_21 = arith.constant 1 : i32
    %dma_start3A_22 = arith.constant 0 : i32
    %dma_start3A_23 = arith.constant 0 : i32
    %dma_start3A_24 = tpu.memref_slice %arg4[%dma_start3A_21, %dma_start3A_22, %dma_start3A_23] : memref<2x400x128xf32, #tpu.memory_space<vmem>> -> memref<1x400x128xf32, #tpu.memory_space<vmem>>
    %dma_start3A_25 = tpu.memref_squeeze %dma_start3A_24 : memref<1x400x128xf32, #tpu.memory_space<vmem>> -> memref<400x128xf32, #tpu.memory_space<vmem>>
    %dma_start3A_26 = arith.constant 0 : i32
    %dma_start3A_27 = tpu.memref_slice %arg2[%add3A_20, %dma_start3A_26] : memref<256000x128xf32, #tpu.memory_space<hbm>> -> memref<400x128xf32, #tpu.memory_space<hbm>>
    %dma_start3A_28 = arith.constant 0 : i32
    %dma_start3A_29 = arith.constant 0 : i32
    %dma_start3A_30 = tpu.memref_slice %arg4[%dma_start3A_21, %dma_start3A_28, %dma_start3A_29] : memref<2x400x128xf32, #tpu.memory_space<vmem>> -> memref<1x400x128xf32, #tpu.memory_space<vmem>>
    %dma_start3A_31 = tpu.memref_squeeze %dma_start3A_30 : memref<1x400x128xf32, #tpu.memory_space<vmem>> -> memref<400x128xf32, #tpu.memory_space<vmem>>
    %dma_start3A_32 = arith.constant 0 : i32
    %dma_start3A_33 = tpu.memref_slice %arg2[%add3A_20, %dma_start3A_32] : memref<256000x128xf32, #tpu.memory_space<hbm>> -> memref<400x128xf32, #tpu.memory_space<hbm>>
    tpu.enqueue_dma source(%dma_start3A_33 : memref<400x128xf32, #tpu.memory_space<hbm>>) target(%dma_start3A_31 : memref<400x128xf32, #tpu.memory_space<vmem>>) target_semaphore(%arg6 : memref<!tpu.dma_semaphore, #tpu.memory_space<semaphore_mem>>)
    %scan3A = arith.constant 0 : i32
    %scan3A_34 = arith.constant 0 : i32
    %scan3A_35 = arith.constant 10 : i32
    %scan3A_36 = arith.addi %scan3A_34, %scan3A_35 : i32
    %scan3A_37 = arith.constant 1 : i32
    scf.for %scan3A_68 = %scan3A_34 to %scan3A_36 step %scan3A_37  : i32 {
      %mul3A_69 = arith.constant 2 : i32
      %mul3A_70 = arith.muli %scan3A_68, %mul3A_69 : i32
      %add3A_71 = arith.constant 0 : i32
      %add3A_72 = arith.addi %mul3A_70, %add3A_71 : i32
      %ge3A = arith.constant 2 : i32
      %ge3A_73 = arith.cmpi sge, %add3A_72, %ge3A : i32
      %convert_element_type3A = arith.extui %ge3A_73 : i1 to i32
      %cond3A = arith.constant 0 : i32
      %cond3A_74 = arith.cmpi ne, %convert_element_type3A, %cond3A : i32
      scf.if %cond3A_74 {
        %sub3A = arith.constant 2 : i32
        %sub3A_173 = arith.subi %add3A_72, %sub3A : i32
        %mul3A_174 = arith.constant 40 : i32
        %mul3A_175 = arith.muli %sub3A_173, %mul3A_174 : i32
        %add3A_176 = arith.addi %mul3A_4, %mul3A_175 : i32
        %dma_wait3A_177 = arith.constant 0 : i32
        %dma_wait3A_178 = arith.constant 0 : i32
        %dma_wait3A_179 = arith.constant 0 : i32
        %dma_wait3A_180 = tpu.memref_slice %arg5[%dma_wait3A_177, %dma_wait3A_178, %dma_wait3A_179] : memref<2x40x128xf32, #tpu.memory_space<vmem>> -> memref<1x40x128xf32, #tpu.memory_space<vmem>>
        %dma_wait3A_181 = tpu.memref_squeeze %dma_wait3A_180 : memref<1x40x128xf32, #tpu.memory_space<vmem>> -> memref<40x128xf32, #tpu.memory_space<vmem>>
        %dma_wait3A_182 = arith.constant 0 : i32
        %dma_wait3A_183 = tpu.memref_slice %arg3[%add3A_176, %dma_wait3A_182] : memref<25600x128xf32, #tpu.memory_space<hbm>> -> memref<40x128xf32, #tpu.memory_space<hbm>>
        %dma_wait3A_184 = arith.constant 0 : i32
        %dma_wait3A_185 = tpu.memref_slice %arg3[%add3A_176, %dma_wait3A_184] : memref<25600x128xf32, #tpu.memory_space<hbm>> -> memref<40x128xf32, #tpu.memory_space<hbm>>
        %dma_wait3A_186 = arith.constant 0 : i32
        %dma_wait3A_187 = arith.constant 0 : i32
        %dma_wait3A_188 = tpu.memref_slice %arg5[%dma_wait3A_177, %dma_wait3A_186, %dma_wait3A_187] : memref<2x40x128xf32, #tpu.memory_space<vmem>> -> memref<1x40x128xf32, #tpu.memory_space<vmem>>
        %dma_wait3A_189 = tpu.memref_squeeze %dma_wait3A_188 : memref<1x40x128xf32, #tpu.memory_space<vmem>> -> memref<40x128xf32, #tpu.memory_space<vmem>>
        tpu.wait_dma2 semaphore(%arg7 : memref<!tpu.dma_semaphore, #tpu.memory_space<semaphore_mem>>) src(%dma_wait3A_189 : memref<40x128xf32, #tpu.memory_space<vmem>>) dst(%dma_wait3A_185 : memref<40x128xf32, #tpu.memory_space<hbm>>)
      } else {
      }
      %mul3A_75 = arith.constant 400 : i32
      %mul3A_76 = arith.muli %add3A_72, %mul3A_75 : i32
      %add3A_77 = arith.addi %mul3A_2, %mul3A_76 : i32
      %dma_wait3A_78 = arith.constant 0 : i32
      %dma_wait3A_79 = arith.constant 0 : i32
      %dma_wait3A_80 = arith.constant 0 : i32
      %dma_wait3A_81 = tpu.memref_slice %arg4[%dma_wait3A_78, %dma_wait3A_79, %dma_wait3A_80] : memref<2x400x128xf32, #tpu.memory_space<vmem>> -> memref<1x400x128xf32, #tpu.memory_space<vmem>>
      %dma_wait3A_82 = tpu.memref_squeeze %dma_wait3A_81 : memref<1x400x128xf32, #tpu.memory_space<vmem>> -> memref<400x128xf32, #tpu.memory_space<vmem>>
      %dma_wait3A_83 = arith.constant 0 : i32
      %dma_wait3A_84 = tpu.memref_slice %arg2[%add3A_77, %dma_wait3A_83] : memref<256000x128xf32, #tpu.memory_space<hbm>> -> memref<400x128xf32, #tpu.memory_space<hbm>>
      %dma_wait3A_85 = arith.constant 0 : i32
      %dma_wait3A_86 = arith.constant 0 : i32
      %dma_wait3A_87 = tpu.memref_slice %arg4[%dma_wait3A_78, %dma_wait3A_85, %dma_wait3A_86] : memref<2x400x128xf32, #tpu.memory_space<vmem>> -> memref<1x400x128xf32, #tpu.memory_space<vmem>>
      %dma_wait3A_88 = tpu.memref_squeeze %dma_wait3A_87 : memref<1x400x128xf32, #tpu.memory_space<vmem>> -> memref<400x128xf32, #tpu.memory_space<vmem>>
      %dma_wait3A_89 = arith.constant 0 : i32
      %dma_wait3A_90 = tpu.memref_slice %arg2[%add3A_77, %dma_wait3A_89] : memref<256000x128xf32, #tpu.memory_space<hbm>> -> memref<400x128xf32, #tpu.memory_space<hbm>>
      tpu.wait_dma2 semaphore(%arg6 : memref<!tpu.dma_semaphore, #tpu.memory_space<semaphore_mem>>) src(%dma_wait3A_90 : memref<400x128xf32, #tpu.memory_space<hbm>>) dst(%dma_wait3A_88 : memref<400x128xf32, #tpu.memory_space<vmem>>)
      %scan3A_91 = arith.constant 0 : i32
      %scan3A_92 = arith.constant 0 : i32
      %scan3A_93 = arith.constant 40 : i32
      %scan3A_94 = arith.addi %scan3A_92, %scan3A_93 : i32
      %scan3A_95 = arith.constant 1 : i32
      scf.for %scan3A_173 = %scan3A_92 to %scan3A_94 step %scan3A_95  : i32 {
        %mul3A_174 = arith.constant 10 : i32
        %mul3A_175 = arith.muli %scan3A_173, %mul3A_174 : i32
        %get3A = arith.constant 0 : i32
        %get3A_176 = arith.index_cast %get3A : i32 to index
        %get3A_177 = arith.index_cast %mul3A_175 : i32 to index
        %get3A_178 = arith.constant 0 : index
        %get3A_179 = tpu.vector_load %arg4[%get3A_176, %get3A_177, %get3A_178] {strides = array<i32>} : memref<2x400x128xf32, #tpu.memory_space<vmem>>, vector<1x1x16xf32>,
        %get3A_180 = vector.shape_cast %get3A_179 : vector<1x1x16xf32> to vector<16xf32>
        %mul3A_181 = arith.constant 10 : i32
        %mul3A_182 = arith.muli %scan3A_173, %mul3A_181 : i32
        %add3A_183 = arith.constant 1 : i32
        %add3A_184 = arith.addi %mul3A_182, %add3A_183 : i32
        %get3A_185 = arith.constant 0 : i32
        %get3A_186 = arith.index_cast %get3A_185 : i32 to index
        %get3A_187 = arith.index_cast %add3A_184 : i32 to index
        %get3A_188 = arith.constant 0 : index
        %get3A_189 = tpu.vector_load %arg4[%get3A_186, %get3A_187, %get3A_188] {strides = array<i32>} : memref<2x400x128xf32, #tpu.memory_space<vmem>>, vector<1x1x16xf32>,
        %get3A_190 = vector.shape_cast %get3A_189 : vector<1x1x16xf32> to vector<16xf32>
        %add3A_191 = arith.addf %get3A_180, %get3A_190 : vector<16xf32>
        %mul3A_192 = arith.constant 10 : i32
        %mul3A_193 = arith.muli %scan3A_173, %mul3A_192 : i32
        %add3A_194 = arith.constant 2 : i32
        %add3A_195 = arith.addi %mul3A_193, %add3A_194 : i32
        %get3A_196 = arith.constant 0 : i32
        %get3A_197 = arith.index_cast %get3A_196 : i32 to index
        %get3A_198 = arith.index_cast %add3A_195 : i32 to index
        %get3A_199 = arith.constant 0 : index
        %get3A_200 = tpu.vector_load %arg4[%get3A_197, %get3A_198, %get3A_199] {strides = array<i32>} : memref<2x400x128xf32, #tpu.memory_space<vmem>>, vector<1x1x16xf32>,
        %get3A_201 = vector.shape_cast %get3A_200 : vector<1x1x16xf32> to vector<16xf32>
        %add3A_202 = arith.addf %add3A_191, %get3A_201 : vector<16xf32>
        %mul3A_203 = arith.constant 10 : i32
        %mul3A_204 = arith.muli %scan3A_173, %mul3A_203 : i32
        %add3A_205 = arith.constant 3 : i32
        %add3A_206 = arith.addi %mul3A_204, %add3A_205 : i32
        %get3A_207 = arith.constant 0 : i32
        %get3A_208 = arith.index_cast %get3A_207 : i32 to index
        %get3A_209 = arith.index_cast %add3A_206 : i32 to index
        %get3A_210 = arith.constant 0 : index
        %get3A_211 = tpu.vector_load %arg4[%get3A_208, %get3A_209, %get3A_210] {strides = array<i32>} : memref<2x400x128xf32, #tpu.memory_space<vmem>>, vector<1x1x16xf32>,
        %get3A_212 = vector.shape_cast %get3A_211 : vector<1x1x16xf32> to vector<16xf32>
        %add3A_213 = arith.addf %add3A_202, %get3A_212 : vector<16xf32>
        %mul3A_214 = arith.constant 10 : i32
        %mul3A_215 = arith.muli %scan3A_173, %mul3A_214 : i32
        %add3A_216 = arith.constant 4 : i32
        %add3A_217 = arith.addi %mul3A_215, %add3A_216 : i32
        %get3A_218 = arith.constant 0 : i32
        %get3A_219 = arith.index_cast %get3A_218 : i32 to index
        %get3A_220 = arith.index_cast %add3A_217 : i32 to index
        %get3A_221 = arith.constant 0 : index
        %get3A_222 = tpu.vector_load %arg4[%get3A_219, %get3A_220, %get3A_221] {strides = array<i32>} : memref<2x400x128xf32, #tpu.memory_space<vmem>>, vector<1x1x16xf32>,
        %get3A_223 = vector.shape_cast %get3A_222 : vector<1x1x16xf32> to vector<16xf32>
        %add3A_224 = arith.addf %add3A_213, %get3A_223 : vector<16xf32>
        %mul3A_225 = arith.constant 10 : i32
        %mul3A_226 = arith.muli %scan3A_173, %mul3A_225 : i32
        %add3A_227 = arith.constant 5 : i32
        %add3A_228 = arith.addi %mul3A_226, %add3A_227 : i32
        %get3A_229 = arith.constant 0 : i32
        %get3A_230 = arith.index_cast %get3A_229 : i32 to index
        %get3A_231 = arith.index_cast %add3A_228 : i32 to index
        %get3A_232 = arith.constant 0 : index
        %get3A_233 = tpu.vector_load %arg4[%get3A_230, %get3A_231, %get3A_232] {strides = array<i32>} : memref<2x400x128xf32, #tpu.memory_space<vmem>>, vector<1x1x16xf32>,
        %get3A_234 = vector.shape_cast %get3A_233 : vector<1x1x16xf32> to vector<16xf32>
        %add3A_235 = arith.addf %add3A_224, %get3A_234 : vector<16xf32>
        %mul3A_236 = arith.constant 10 : i32
        %mul3A_237 = arith.muli %scan3A_173, %mul3A_236 : i32
        %add3A_238 = arith.constant 6 : i32
        %add3A_239 = arith.addi %mul3A_237, %add3A_238 : i32
        %get3A_240 = arith.constant 0 : i32
        %get3A_241 = arith.index_cast %get3A_240 : i32 to index
        %get3A_242 = arith.index_cast %add3A_239 : i32 to index
        %get3A_243 = arith.constant 0 : index
        %get3A_244 = tpu.vector_load %arg4[%get3A_241, %get3A_242, %get3A_243] {strides = array<i32>} : memref<2x400x128xf32, #tpu.memory_space<vmem>>, vector<1x1x16xf32>,
        %get3A_245 = vector.shape_cast %get3A_244 : vector<1x1x16xf32> to vector<16xf32>
        %add3A_246 = arith.addf %add3A_235, %get3A_245 : vector<16xf32>
        %mul3A_247 = arith.constant 10 : i32
        %mul3A_248 = arith.muli %scan3A_173, %mul3A_247 : i32
        %add3A_249 = arith.constant 7 : i32
        %add3A_250 = arith.addi %mul3A_248, %add3A_249 : i32
        %get3A_251 = arith.constant 0 : i32
        %get3A_252 = arith.index_cast %get3A_251 : i32 to index
        %get3A_253 = arith.index_cast %add3A_250 : i32 to index
        %get3A_254 = arith.constant 0 : index
        %get3A_255 = tpu.vector_load %arg4[%get3A_252, %get3A_253, %get3A_254] {strides = array<i32>} : memref<2x400x128xf32, #tpu.memory_space<vmem>>, vector<1x1x16xf32>,
        %get3A_256 = vector.shape_cast %get3A_255 : vector<1x1x16xf32> to vector<16xf32>
        %add3A_257 = arith.addf %add3A_246, %get3A_256 : vector<16xf32>
        %mul3A_258 = arith.constant 10 : i32
        %mul3A_259 = arith.muli %scan3A_173, %mul3A_258 : i32
        %add3A_260 = arith.constant 8 : i32
        %add3A_261 = arith.addi %mul3A_259, %add3A_260 : i32
        %get3A_262 = arith.constant 0 : i32
        %get3A_263 = arith.index_cast %get3A_262 : i32 to index
        %get3A_264 = arith.index_cast %add3A_261 : i32 to index
        %get3A_265 = arith.constant 0 : index
        %get3A_266 = tpu.vector_load %arg4[%get3A_263, %get3A_264, %get3A_265] {strides = array<i32>} : memref<2x400x128xf32, #tpu.memory_space<vmem>>, vector<1x1x16xf32>,
        %get3A_267 = vector.shape_cast %get3A_266 : vector<1x1x16xf32> to vector<16xf32>
        %add3A_268 = arith.addf %add3A_257, %get3A_267 : vector<16xf32>
        %mul3A_269 = arith.constant 10 : i32
        %mul3A_270 = arith.muli %scan3A_173, %mul3A_269 : i32
        %add3A_271 = arith.constant 9 : i32
        %add3A_272 = arith.addi %mul3A_270, %add3A_271 : i32
        %get3A_273 = arith.constant 0 : i32
        %get3A_274 = arith.index_cast %get3A_273 : i32 to index
        %get3A_275 = arith.index_cast %add3A_272 : i32 to index
        %get3A_276 = arith.constant 0 : index
        %get3A_277 = tpu.vector_load %arg4[%get3A_274, %get3A_275, %get3A_276] {strides = array<i32>} : memref<2x400x128xf32, #tpu.memory_space<vmem>>, vector<1x1x16xf32>,
        %get3A_278 = vector.shape_cast %get3A_277 : vector<1x1x16xf32> to vector<16xf32>
        %add3A_279 = arith.addf %add3A_268, %get3A_278 : vector<16xf32>
        %mul3A_280 = arith.constant 1.000000e-01 : f32
        %mul3A_281 = vector.broadcast %mul3A_280 : f32 to vector<16xf32>
        %mul3A_282 = arith.mulf %add3A_279, %mul3A_281 : vector<16xf32>
        %swap3A = arith.constant 0 : i32
        %swap3A_283 = arith.index_cast %swap3A : i32 to index
        %swap3A_284 = arith.index_cast %scan3A_173 : i32 to index
        %swap3A_285 = arith.constant 0 : index
        %swap3A_286 = tpu.vector_load %arg5[%swap3A_283, %swap3A_284, %swap3A_285] {strides = array<i32>} : memref<2x40x128xf32, #tpu.memory_space<vmem>>, vector<1x1x16xf32>,
        %swap3A_287 = vector.shape_cast %swap3A_286 : vector<1x1x16xf32> to vector<16xf32>
        %swap3A_288 = vector.shape_cast %mul3A_282 : vector<16xf32> to vector<1x1x16xf32>
        tpu.vector_store %arg5[%swap3A_283, %swap3A_284, %swap3A_285], %swap3A_288 {strides = array<i32>} : memref<2x40x128xf32, #tpu.memory_space<vmem>>, vector<1x1x16xf32>,
        %mul3A_289 = arith.constant 10 : i32
        %mul3A_290 = arith.muli %scan3A_173, %mul3A_289 : i32
        %get3A_291 = arith.constant 0 : i32
        %get3A_292 = arith.index_cast %get3A_291 : i32 to index
        %get3A_293 = arith.index_cast %mul3A_290 : i32 to index
        %get3A_294 = arith.constant 16 : index
        %get3A_295 = tpu.vector_load %arg4[%get3A_292, %get3A_293, %get3A_294] {strides = array<i32>} : memref<2x400x128xf32, #tpu.memory_space<vmem>>, vector<1x1x16xf32>,
        %get3A_296 = vector.shape_cast %get3A_295 : vector<1x1x16xf32> to vector<16xf32>
        %mul3A_297 = arith.constant 10 : i32
        %mul3A_298 = arith.muli %scan3A_173, %mul3A_297 : i32
        %add3A_299 = arith.constant 1 : i32
        %add3A_300 = arith.addi %mul3A_298, %add3A_299 : i32
        %get3A_301 = arith.constant 0 : i32
        %get3A_302 = arith.index_cast %get3A_301 : i32 to index
        %get3A_303 = arith.index_cast %add3A_300 : i32 to index
        %get3A_304 = arith.constant 16 : index
        %get3A_305 = tpu.vector_load %arg4[%get3A_302, %get3A_303, %get3A_304] {strides = array<i32>} : memref<2x400x128xf32, #tpu.memory_space<vmem>>, vector<1x1x16xf32>,
        %get3A_306 = vector.shape_cast %get3A_305 : vector<1x1x16xf32> to vector<16xf32>
        %add3A_307 = arith.addf %get3A_296, %get3A_306 : vector<16xf32>
        %mul3A_308 = arith.constant 10 : i32
        %mul3A_309 = arith.muli %scan3A_173, %mul3A_308 : i32
        %add3A_310 = arith.constant 2 : i32
        %add3A_311 = arith.addi %mul3A_309, %add3A_310 : i32
        %get3A_312 = arith.constant 0 : i32
        %get3A_313 = arith.index_cast %get3A_312 : i32 to index
        %get3A_314 = arith.index_cast %add3A_311 : i32 to index
        %get3A_315 = arith.constant 16 : index
        %get3A_316 = tpu.vector_load %arg4[%get3A_313, %get3A_314, %get3A_315] {strides = array<i32>} : memref<2x400x128xf32, #tpu.memory_space<vmem>>, vector<1x1x16xf32>,
        %get3A_317 = vector.shape_cast %get3A_316 : vector<1x1x16xf32> to vector<16xf32>
        %add3A_318 = arith.addf %add3A_307, %get3A_317 : vector<16xf32>
        %mul3A_319 = arith.constant 10 : i32
        %mul3A_320 = arith.muli %scan3A_173, %mul3A_319 : i32
        %add3A_321 = arith.constant 3 : i32
        %add3A_322 = arith.addi %mul3A_320, %add3A_321 : i32
        %get3A_323 = arith.constant 0 : i32
        %get3A_324 = arith.index_cast %get3A_323 : i32 to index
        %get3A_325 = arith.index_cast %add3A_322 : i32 to index
        %get3A_326 = arith.constant 16 : index
        %get3A_327 = tpu.vector_load %arg4[%get3A_324, %get3A_325, %get3A_326] {strides = array<i32>} : memref<2x400x128xf32, #tpu.memory_space<vmem>>, vector<1x1x16xf32>,
        %get3A_328 = vector.shape_cast %get3A_327 : vector<1x1x16xf32> to vector<16xf32>
        %add3A_329 = arith.addf %add3A_318, %get3A_328 : vector<16xf32>
        %mul3A_330 = arith.constant 10 : i32
        %mul3A_331 = arith.muli %scan3A_173, %mul3A_330 : i32
        %add3A_332 = arith.constant 4 : i32
        %add3A_333 = arith.addi %mul3A_331, %add3A_332 : i32
        %get3A_334 = arith.constant 0 : i32
        %get3A_335 = arith.index_cast %get3A_334 : i32 to index
        %get3A_336 = arith.index_cast %add3A_333 : i32 to index
        %get3A_337 = arith.constant 16 : index
        %get3A_338 = tpu.vector_load %arg4[%get3A_335, %get3A_336, %get3A_337] {strides = array<i32>} : memref<2x400x128xf32, #tpu.memory_space<vmem>>, vector<1x1x16xf32>,
        %get3A_339 = vector.shape_cast %get3A_338 : vector<1x1x16xf32> to vector<16xf32>
        %add3A_340 = arith.addf %add3A_329, %get3A_339 : vector<16xf32>
        %mul3A_341 = arith.constant 10 : i32
        %mul3A_342 = arith.muli %scan3A_173, %mul3A_341 : i32
        %add3A_343 = arith.constant 5 : i32
        %add3A_344 = arith.addi %mul3A_342, %add3A_343 : i32
        %get3A_345 = arith.constant 0 : i32
        %get3A_346 = arith.index_cast %get3A_345 : i32 to index
        %get3A_347 = arith.index_cast %add3A_344 : i32 to index
        %get3A_348 = arith.constant 16 : index
        %get3A_349 = tpu.vector_load %arg4[%get3A_346, %get3A_347, %get3A_348] {strides = array<i32>} : memref<2x400x128xf32, #tpu.memory_space<vmem>>, vector<1x1x16xf32>,
        %get3A_350 = vector.shape_cast %get3A_349 : vector<1x1x16xf32> to vector<16xf32>
        %add3A_351 = arith.addf %add3A_340, %get3A_350 : vector<16xf32>
        %mul3A_352 = arith.constant 10 : i32
        %mul3A_353 = arith.muli %scan3A_173, %mul3A_352 : i32
        %add3A_354 = arith.constant 6 : i32
        %add3A_355 = arith.addi %mul3A_353, %add3A_354 : i32
        %get3A_356 = arith.constant 0 : i32
        %get3A_357 = arith.index_cast %get3A_356 : i32 to index
        %get3A_358 = arith.index_cast %add3A_355 : i32 to index
        %get3A_359 = arith.constant 16 : index
        %get3A_360 = tpu.vector_load %arg4[%get3A_357, %get3A_358, %get3A_359] {strides = array<i32>} : memref<2x400x128xf32, #tpu.memory_space<vmem>>, vector<1x1x16xf32>,
        %get3A_361 = vector.shape_cast %get3A_360 : vector<1x1x16xf32> to vector<16xf32>
        %add3A_362 = arith.addf %add3A_351, %get3A_361 : vector<16xf32>
        %mul3A_363 = arith.constant 10 : i32
        %mul3A_364 = arith.muli %scan3A_173, %mul3A_363 : i32
        %add3A_365 = arith.constant 7 : i32
        %add3A_366 = arith.addi %mul3A_364, %add3A_365 : i32
        %get3A_367 = arith.constant 0 : i32
        %get3A_368 = arith.index_cast %get3A_367 : i32 to index
        %get3A_369 = arith.index_cast %add3A_366 : i32 to index
        %get3A_370 = arith.constant 16 : index
        %get3A_371 = tpu.vector_load %arg4[%get3A_368, %get3A_369, %get3A_370] {strides = array<i32>} : memref<2x400x128xf32, #tpu.memory_space<vmem>>, vector<1x1x16xf32>,
        %get3A_372 = vector.shape_cast %get3A_371 : vector<1x1x16xf32> to vector<16xf32>
        %add3A_373 = arith.addf %add3A_362, %get3A_372 : vector<16xf32>
        %mul3A_374 = arith.constant 10 : i32
        %mul3A_375 = arith.muli %scan3A_173, %mul3A_374 : i32
        %add3A_376 = arith.constant 8 : i32
        %add3A_377 = arith.addi %mul3A_375, %add3A_376 : i32
        %get3A_378 = arith.constant 0 : i32
        %get3A_379 = arith.index_cast %get3A_378 : i32 to index
        %get3A_380 = arith.index_cast %add3A_377 : i32 to index
        %get3A_381 = arith.constant 16 : index
        %get3A_382 = tpu.vector_load %arg4[%get3A_379, %get3A_380, %get3A_381] {strides = array<i32>} : memref<2x400x128xf32, #tpu.memory_space<vmem>>, vector<1x1x16xf32>,
        %get3A_383 = vector.shape_cast %get3A_382 : vector<1x1x16xf32> to vector<16xf32>
        %add3A_384 = arith.addf %add3A_373, %get3A_383 : vector<16xf32>
        %mul3A_385 = arith.constant 10 : i32
        %mul3A_386 = arith.muli %scan3A_173, %mul3A_385 : i32
        %add3A_387 = arith.constant 9 : i32
        %add3A_388 = arith.addi %mul3A_386, %add3A_387 : i32
        %get3A_389 = arith.constant 0 : i32
        %get3A_390 = arith.index_cast %get3A_389 : i32 to index
        %get3A_391 = arith.index_cast %add3A_388 : i32 to index
        %get3A_392 = arith.constant 16 : index
        %get3A_393 = tpu.vector_load %arg4[%get3A_390, %get3A_391, %get3A_392] {strides = array<i32>} : memref<2x400x128xf32, #tpu.memory_space<vmem>>, vector<1x1x16xf32>,
        %get3A_394 = vector.shape_cast %get3A_393 : vector<1x1x16xf32> to vector<16xf32>
        %add3A_395 = arith.addf %add3A_384, %get3A_394 : vector<16xf32>
        %mul3A_396 = arith.constant 1.000000e-01 : f32
        %mul3A_397 = vector.broadcast %mul3A_396 : f32 to vector<16xf32>
        %mul3A_398 = arith.mulf %add3A_395, %mul3A_397 : vector<16xf32>
        %swap3A_399 = arith.constant 0 : i32
        %swap3A_400 = arith.index_cast %swap3A_399 : i32 to index
        %swap3A_401 = arith.index_cast %scan3A_173 : i32 to index
        %swap3A_402 = arith.constant 16 : index
        %swap3A_403 = tpu.vector_load %arg5[%swap3A_400, %swap3A_401, %swap3A_402] {strides = array<i32>} : memref<2x40x128xf32, #tpu.memory_space<vmem>>, vector<1x1x16xf32>,
        %swap3A_404 = vector.shape_cast %swap3A_403 : vector<1x1x16xf32> to vector<16xf32>
        %swap3A_405 = vector.shape_cast %mul3A_398 : vector<16xf32> to vector<1x1x16xf32>
        tpu.vector_store %arg5[%swap3A_400, %swap3A_401, %swap3A_402], %swap3A_405 {strides = array<i32>} : memref<2x40x128xf32, #tpu.memory_space<vmem>>, vector<1x1x16xf32>,
        %mul3A_406 = arith.constant 10 : i32
        %mul3A_407 = arith.muli %scan3A_173, %mul3A_406 : i32
        %get3A_408 = arith.constant 0 : i32
        %get3A_409 = arith.index_cast %get3A_408 : i32 to index
        %get3A_410 = arith.index_cast %mul3A_407 : i32 to index
        %get3A_411 = arith.constant 32 : index
        %get3A_412 = tpu.vector_load %arg4[%get3A_409, %get3A_410, %get3A_411] {strides = array<i32>} : memref<2x400x128xf32, #tpu.memory_space<vmem>>, vector<1x1x16xf32>,
        %get3A_413 = vector.shape_cast %get3A_412 : vector<1x1x16xf32> to vector<16xf32>
        %mul3A_414 = arith.constant 10 : i32
        %mul3A_415 = arith.muli %scan3A_173, %mul3A_414 : i32
        %add3A_416 = arith.constant 1 : i32
        %add3A_417 = arith.addi %mul3A_415, %add3A_416 : i32
        %get3A_418 = arith.constant 0 : i32
        %get3A_419 = arith.index_cast %get3A_418 : i32 to index
        %get3A_420 = arith.index_cast %add3A_417 : i32 to index
        %get3A_421 = arith.constant 32 : index
        %get3A_422 = tpu.vector_load %arg4[%get3A_419, %get3A_420, %get3A_421] {strides = array<i32>} : memref<2x400x128xf32, #tpu.memory_space<vmem>>, vector<1x1x16xf32>,
        %get3A_423 = vector.shape_cast %get3A_422 : vector<1x1x16xf32> to vector<16xf32>
        %add3A_424 = arith.addf %get3A_413, %get3A_423 : vector<16xf32>
        %mul3A_425 = arith.constant 10 : i32
        %mul3A_426 = arith.muli %scan3A_173, %mul3A_425 : i32
        %add3A_427 = arith.constant 2 : i32
        %add3A_428 = arith.addi %mul3A_426, %add3A_427 : i32
        %get3A_429 = arith.constant 0 : i32
        %get3A_430 = arith.index_cast %get3A_429 : i32 to index
        %get3A_431 = arith.index_cast %add3A_428 : i32 to index
        %get3A_432 = arith.constant 32 : index
        %get3A_433 = tpu.vector_load %arg4[%get3A_430, %get3A_431, %get3A_432] {strides = array<i32>} : memref<2x400x128xf32, #tpu.memory_space<vmem>>, vector<1x1x16xf32>,
        %get3A_434 = vector.shape_cast %get3A_433 : vector<1x1x16xf32> to vector<16xf32>
        %add3A_435 = arith.addf %add3A_424, %get3A_434 : vector<16xf32>
        %mul3A_436 = arith.constant 10 : i32
        %mul3A_437 = arith.muli %scan3A_173, %mul3A_436 : i32
        %add3A_438 = arith.constant 3 : i32
        %add3A_439 = arith.addi %mul3A_437, %add3A_438 : i32
        %get3A_440 = arith.constant 0 : i32
        %get3A_441 = arith.index_cast %get3A_440 : i32 to index
        %get3A_442 = arith.index_cast %add3A_439 : i32 to index
        %get3A_443 = arith.constant 32 : index
        %get3A_444 = tpu.vector_load %arg4[%get3A_441, %get3A_442, %get3A_443] {strides = array<i32>} : memref<2x400x128xf32, #tpu.memory_space<vmem>>, vector<1x1x16xf32>,
        %get3A_445 = vector.shape_cast %get3A_444 : vector<1x1x16xf32> to vector<16xf32>
        %add3A_446 = arith.addf %add3A_435, %get3A_445 : vector<16xf32>
        %mul3A_447 = arith.constant 10 : i32
        %mul3A_448 = arith.muli %scan3A_173, %mul3A_447 : i32
        %add3A_449 = arith.constant 4 : i32
        %add3A_450 = arith.addi %mul3A_448, %add3A_449 : i32
        %get3A_451 = arith.constant 0 : i32
        %get3A_452 = arith.index_cast %get3A_451 : i32 to index
        %get3A_453 = arith.index_cast %add3A_450 : i32 to index
        %get3A_454 = arith.constant 32 : index
        %get3A_455 = tpu.vector_load %arg4[%get3A_452, %get3A_453, %get3A_454] {strides = array<i32>} : memref<2x400x128xf32, #tpu.memory_space<vmem>>, vector<1x1x16xf32>,
        %get3A_456 = vector.shape_cast %get3A_455 : vector<1x1x16xf32> to vector<16xf32>
        %add3A_457 = arith.addf %add3A_446, %get3A_456 : vector<16xf32>
        %mul3A_458 = arith.constant 10 : i32
        %mul3A_459 = arith.muli %scan3A_173, %mul3A_458 : i32
        %add3A_460 = arith.constant 5 : i32
        %add3A_461 = arith.addi %mul3A_459, %add3A_460 : i32
        %get3A_462 = arith.constant 0 : i32
        %get3A_463 = arith.index_cast %get3A_462 : i32 to index
        %get3A_464 = arith.index_cast %add3A_461 : i32 to index
        %get3A_465 = arith.constant 32 : index
        %get3A_466 = tpu.vector_load %arg4[%get3A_463, %get3A_464, %get3A_465] {strides = array<i32>} : memref<2x400x128xf32, #tpu.memory_space<vmem>>, vector<1x1x16xf32>,
        %get3A_467 = vector.shape_cast %get3A_466 : vector<1x1x16xf32> to vector<16xf32>
        %add3A_468 = arith.addf %add3A_457, %get3A_467 : vector<16xf32>
        %mul3A_469 = arith.constant 10 : i32
        %mul3A_470 = arith.muli %scan3A_173, %mul3A_469 : i32
        %add3A_471 = arith.constant 6 : i32
        %add3A_472 = arith.addi %mul3A_470, %add3A_471 : i32
        %get3A_473 = arith.constant 0 : i32
        %get3A_474 = arith.index_cast %get3A_473 : i32 to index
        %get3A_475 = arith.index_cast %add3A_472 : i32 to index
        %get3A_476 = arith.constant 32 : index
        %get3A_477 = tpu.vector_load %arg4[%get3A_474, %get3A_475, %get3A_476] {strides = array<i32>} : memref<2x400x128xf32, #tpu.memory_space<vmem>>, vector<1x1x16xf32>,
        %get3A_478 = vector.shape_cast %get3A_477 : vector<1x1x16xf32> to vector<16xf32>
        %add3A_479 = arith.addf %add3A_468, %get3A_478 : vector<16xf32>
        %mul3A_480 = arith.constant 10 : i32
        %mul3A_481 = arith.muli %scan3A_173, %mul3A_480 : i32
        %add3A_482 = arith.constant 7 : i32
        %add3A_483 = arith.addi %mul3A_481, %add3A_482 : i32
        %get3A_484 = arith.constant 0 : i32
        %get3A_485 = arith.index_cast %get3A_484 : i32 to index
        %get3A_486 = arith.index_cast %add3A_483 : i32 to index
        %get3A_487 = arith.constant 32 : index
        %get3A_488 = tpu.vector_load %arg4[%get3A_485, %get3A_486, %get3A_487] {strides = array<i32>} : memref<2x400x128xf32, #tpu.memory_space<vmem>>, vector<1x1x16xf32>,
        %get3A_489 = vector.shape_cast %get3A_488 : vector<1x1x16xf32> to vector<16xf32>
        %add3A_490 = arith.addf %add3A_479, %get3A_489 : vector<16xf32>
        %mul3A_491 = arith.constant 10 : i32
        %mul3A_492 = arith.muli %scan3A_173, %mul3A_491 : i32
        %add3A_493 = arith.constant 8 : i32
        %add3A_494 = arith.addi %mul3A_492, %add3A_493 : i32
        %get3A_495 = arith.constant 0 : i32
        %get3A_496 = arith.index_cast %get3A_495 : i32 to index
        %get3A_497 = arith.index_cast %add3A_494 : i32 to index
        %get3A_498 = arith.constant 32 : index
        %get3A_499 = tpu.vector_load %arg4[%get3A_496, %get3A_497, %get3A_498] {strides = array<i32>} : memref<2x400x128xf32, #tpu.memory_space<vmem>>, vector<1x1x16xf32>,
        %get3A_500 = vector.shape_cast %get3A_499 : vector<1x1x16xf32> to vector<16xf32>
        %add3A_501 = arith.addf %add3A_490, %get3A_500 : vector<16xf32>
        %mul3A_502 = arith.constant 10 : i32
        %mul3A_503 = arith.muli %scan3A_173, %mul3A_502 : i32
        %add3A_504 = arith.constant 9 : i32
        %add3A_505 = arith.addi %mul3A_503, %add3A_504 : i32
        %get3A_506 = arith.constant 0 : i32
        %get3A_507 = arith.index_cast %get3A_506 : i32 to index
        %get3A_508 = arith.index_cast %add3A_505 : i32 to index
        %get3A_509 = arith.constant 32 : index
        %get3A_510 = tpu.vector_load %arg4[%get3A_507, %get3A_508, %get3A_509] {strides = array<i32>} : memref<2x400x128xf32, #tpu.memory_space<vmem>>, vector<1x1x16xf32>,
        %get3A_511 = vector.shape_cast %get3A_510 : vector<1x1x16xf32> to vector<16xf32>
        %add3A_512 = arith.addf %add3A_501, %get3A_511 : vector<16xf32>
        %mul3A_513 = arith.constant 1.000000e-01 : f32
        %mul3A_514 = vector.broadcast %mul3A_513 : f32 to vector<16xf32>
        %mul3A_515 = arith.mulf %add3A_512, %mul3A_514 : vector<16xf32>
        %swap3A_516 = arith.constant 0 : i32
        %swap3A_517 = arith.index_cast %swap3A_516 : i32 to index
        %swap3A_518 = arith.index_cast %scan3A_173 : i32 to index
        %swap3A_519 = arith.constant 32 : index
        %swap3A_520 = tpu.vector_load %arg5[%swap3A_517, %swap3A_518, %swap3A_519] {strides = array<i32>} : memref<2x40x128xf32, #tpu.memory_space<vmem>>, vector<1x1x16xf32>,
        %swap3A_521 = vector.shape_cast %swap3A_520 : vector<1x1x16xf32> to vector<16xf32>
        %swap3A_522 = vector.shape_cast %mul3A_515 : vector<16xf32> to vector<1x1x16xf32>
        tpu.vector_store %arg5[%swap3A_517, %swap3A_518, %swap3A_519], %swap3A_522 {strides = array<i32>} : memref<2x40x128xf32, #tpu.memory_space<vmem>>, vector<1x1x16xf32>,
        %mul3A_523 = arith.constant 10 : i32
        %mul3A_524 = arith.muli %scan3A_173, %mul3A_523 : i32
        %get3A_525 = arith.constant 0 : i32
        %get3A_526 = arith.index_cast %get3A_525 : i32 to index
        %get3A_527 = arith.index_cast %mul3A_524 : i32 to index
        %get3A_528 = arith.constant 48 : index
        %get3A_529 = tpu.vector_load %arg4[%get3A_526, %get3A_527, %get3A_528] {strides = array<i32>} : memref<2x400x128xf32, #tpu.memory_space<vmem>>, vector<1x1x16xf32>,
        %get3A_530 = vector.shape_cast %get3A_529 : vector<1x1x16xf32> to vector<16xf32>
        %mul3A_531 = arith.constant 10 : i32
        %mul3A_532 = arith.muli %scan3A_173, %mul3A_531 : i32
        %add3A_533 = arith.constant 1 : i32
        %add3A_534 = arith.addi %mul3A_532, %add3A_533 : i32
        %get3A_535 = arith.constant 0 : i32
        %get3A_536 = arith.index_cast %get3A_535 : i32 to index
        %get3A_537 = arith.index_cast %add3A_534 : i32 to index
        %get3A_538 = arith.constant 48 : index
        %get3A_539 = tpu.vector_load %arg4[%get3A_536, %get3A_537, %get3A_538] {strides = array<i32>} : memref<2x400x128xf32, #tpu.memory_space<vmem>>, vector<1x1x16xf32>,
        %get3A_540 = vector.shape_cast %get3A_539 : vector<1x1x16xf32> to vector<16xf32>
        %add3A_541 = arith.addf %get3A_530, %get3A_540 : vector<16xf32>
        %mul3A_542 = arith.constant 10 : i32
        %mul3A_543 = arith.muli %scan3A_173, %mul3A_542 : i32
        %add3A_544 = arith.constant 2 : i32
        %add3A_545 = arith.addi %mul3A_543, %add3A_544 : i32
        %get3A_546 = arith.constant 0 : i32
        %get3A_547 = arith.index_cast %get3A_546 : i32 to index
        %get3A_548 = arith.index_cast %add3A_545 : i32 to index
        %get3A_549 = arith.constant 48 : index
        %get3A_550 = tpu.vector_load %arg4[%get3A_547, %get3A_548, %get3A_549] {strides = array<i32>} : memref<2x400x128xf32, #tpu.memory_space<vmem>>, vector<1x1x16xf32>,
        %get3A_551 = vector.shape_cast %get3A_550 : vector<1x1x16xf32> to vector<16xf32>
        %add3A_552 = arith.addf %add3A_541, %get3A_551 : vector<16xf32>
        %mul3A_553 = arith.constant 10 : i32
        %mul3A_554 = arith.muli %scan3A_173, %mul3A_553 : i32
        %add3A_555 = arith.constant 3 : i32
        %add3A_556 = arith.addi %mul3A_554, %add3A_555 : i32
        %get3A_557 = arith.constant 0 : i32
        %get3A_558 = arith.index_cast %get3A_557 : i32 to index
        %get3A_559 = arith.index_cast %add3A_556 : i32 to index
        %get3A_560 = arith.constant 48 : index
        %get3A_561 = tpu.vector_load %arg4[%get3A_558, %get3A_559, %get3A_560] {strides = array<i32>} : memref<2x400x128xf32, #tpu.memory_space<vmem>>, vector<1x1x16xf32>,
        %get3A_562 = vector.shape_cast %get3A_561 : vector<1x1x16xf32> to vector<16xf32>
        %add3A_563 = arith.addf %add3A_552, %get3A_562 : vector<16xf32>
        %mul3A_564 = arith.constant 10 : i32
        %mul3A_565 = arith.muli %scan3A_173, %mul3A_564 : i32
        %add3A_566 = arith.constant 4 : i32
        %add3A_567 = arith.addi %mul3A_565, %add3A_566 : i32
        %get3A_568 = arith.constant 0 : i32
        %get3A_569 = arith.index_cast %get3A_568 : i32 to index
        %get3A_570 = arith.index_cast %add3A_567 : i32 to index
        %get3A_571 = arith.constant 48 : index
        %get3A_572 = tpu.vector_load %arg4[%get3A_569, %get3A_570, %get3A_571] {strides = array<i32>} : memref<2x400x128xf32, #tpu.memory_space<vmem>>, vector<1x1x16xf32>,
        %get3A_573 = vector.shape_cast %get3A_572 : vector<1x1x16xf32> to vector<16xf32>
        %add3A_574 = arith.addf %add3A_563, %get3A_573 : vector<16xf32>
        %mul3A_575 = arith.constant 10 : i32
        %mul3A_576 = arith.muli %scan3A_173, %mul3A_575 : i32
        %add3A_577 = arith.constant 5 : i32
        %add3A_578 = arith.addi %mul3A_576, %add3A_577 : i32
        %get3A_579 = arith.constant 0 : i32
        %get3A_580 = arith.index_cast %get3A_579 : i32 to index
        %get3A_581 = arith.index_cast %add3A_578 : i32 to index
        %get3A_582 = arith.constant 48 : index
        %get3A_583 = tpu.vector_load %arg4[%get3A_580, %get3A_581, %get3A_582] {strides = array<i32>} : memref<2x400x128xf32, #tpu.memory_space<vmem>>, vector<1x1x16xf32>,
        %get3A_584 = vector.shape_cast %get3A_583 : vector<1x1x16xf32> to vector<16xf32>
        %add3A_585 = arith.addf %add3A_574, %get3A_584 : vector<16xf32>
        %mul3A_586 = arith.constant 10 : i32
        %mul3A_587 = arith.muli %scan3A_173, %mul3A_586 : i32
        %add3A_588 = arith.constant 6 : i32
        %add3A_589 = arith.addi %mul3A_587, %add3A_588 : i32
        %get3A_590 = arith.constant 0 : i32
        %get3A_591 = arith.index_cast %get3A_590 : i32 to index
        %get3A_592 = arith.index_cast %add3A_589 : i32 to index
        %get3A_593 = arith.constant 48 : index
        %get3A_594 = tpu.vector_load %arg4[%get3A_591, %get3A_592, %get3A_593] {strides = array<i32>} : memref<2x400x128xf32, #tpu.memory_space<vmem>>, vector<1x1x16xf32>,
        %get3A_595 = vector.shape_cast %get3A_594 : vector<1x1x16xf32> to vector<16xf32>
        %add3A_596 = arith.addf %add3A_585, %get3A_595 : vector<16xf32>
        %mul3A_597 = arith.constant 10 : i32
        %mul3A_598 = arith.muli %scan3A_173, %mul3A_597 : i32
        %add3A_599 = arith.constant 7 : i32
        %add3A_600 = arith.addi %mul3A_598, %add3A_599 : i32
        %get3A_601 = arith.constant 0 : i32
        %get3A_602 = arith.index_cast %get3A_601 : i32 to index
        %get3A_603 = arith.index_cast %add3A_600 : i32 to index
        %get3A_604 = arith.constant 48 : index
        %get3A_605 = tpu.vector_load %arg4[%get3A_602, %get3A_603, %get3A_604] {strides = array<i32>} : memref<2x400x128xf32, #tpu.memory_space<vmem>>, vector<1x1x16xf32>,
        %get3A_606 = vector.shape_cast %get3A_605 : vector<1x1x16xf32> to vector<16xf32>
        %add3A_607 = arith.addf %add3A_596, %get3A_606 : vector<16xf32>
        %mul3A_608 = arith.constant 10 : i32
        %mul3A_609 = arith.muli %scan3A_173, %mul3A_608 : i32
        %add3A_610 = arith.constant 8 : i32
        %add3A_611 = arith.addi %mul3A_609, %add3A_610 : i32
        %get3A_612 = arith.constant 0 : i32
        %get3A_613 = arith.index_cast %get3A_612 : i32 to index
        %get3A_614 = arith.index_cast %add3A_611 : i32 to index
        %get3A_615 = arith.constant 48 : index
        %get3A_616 = tpu.vector_load %arg4[%get3A_613, %get3A_614, %get3A_615] {strides = array<i32>} : memref<2x400x128xf32, #tpu.memory_space<vmem>>, vector<1x1x16xf32>,
        %get3A_617 = vector.shape_cast %get3A_616 : vector<1x1x16xf32> to vector<16xf32>
        %add3A_618 = arith.addf %add3A_607, %get3A_617 : vector<16xf32>
        %mul3A_619 = arith.constant 10 : i32
        %mul3A_620 = arith.muli %scan3A_173, %mul3A_619 : i32
        %add3A_621 = arith.constant 9 : i32
        %add3A_622 = arith.addi %mul3A_620, %add3A_621 : i32
        %get3A_623 = arith.constant 0 : i32
        %get3A_624 = arith.index_cast %get3A_623 : i32 to index
        %get3A_625 = arith.index_cast %add3A_622 : i32 to index
        %get3A_626 = arith.constant 48 : index
        %get3A_627 = tpu.vector_load %arg4[%get3A_624, %get3A_625, %get3A_626] {strides = array<i32>} : memref<2x400x128xf32, #tpu.memory_space<vmem>>, vector<1x1x16xf32>,
        %get3A_628 = vector.shape_cast %get3A_627 : vector<1x1x16xf32> to vector<16xf32>
        %add3A_629 = arith.addf %add3A_618, %get3A_628 : vector<16xf32>
        %mul3A_630 = arith.constant 1.000000e-01 : f32
        %mul3A_631 = vector.broadcast %mul3A_630 : f32 to vector<16xf32>
        %mul3A_632 = arith.mulf %add3A_629, %mul3A_631 : vector<16xf32>
        %swap3A_633 = arith.constant 0 : i32
        %swap3A_634 = arith.index_cast %swap3A_633 : i32 to index
        %swap3A_635 = arith.index_cast %scan3A_173 : i32 to index
        %swap3A_636 = arith.constant 48 : index
        %swap3A_637 = tpu.vector_load %arg5[%swap3A_634, %swap3A_635, %swap3A_636] {strides = array<i32>} : memref<2x40x128xf32, #tpu.memory_space<vmem>>, vector<1x1x16xf32>,
        %swap3A_638 = vector.shape_cast %swap3A_637 : vector<1x1x16xf32> to vector<16xf32>
        %swap3A_639 = vector.shape_cast %mul3A_632 : vector<16xf32> to vector<1x1x16xf32>
        tpu.vector_store %arg5[%swap3A_634, %swap3A_635, %swap3A_636], %swap3A_639 {strides = array<i32>} : memref<2x40x128xf32, #tpu.memory_space<vmem>>, vector<1x1x16xf32>,
        %mul3A_640 = arith.constant 10 : i32
        %mul3A_641 = arith.muli %scan3A_173, %mul3A_640 : i32
        %get3A_642 = arith.constant 0 : i32
        %get3A_643 = arith.index_cast %get3A_642 : i32 to index
        %get3A_644 = arith.index_cast %mul3A_641 : i32 to index
        %get3A_645 = arith.constant 64 : index
        %get3A_646 = tpu.vector_load %arg4[%get3A_643, %get3A_644, %get3A_645] {strides = array<i32>} : memref<2x400x128xf32, #tpu.memory_space<vmem>>, vector<1x1x16xf32>,
        %get3A_647 = vector.shape_cast %get3A_646 : vector<1x1x16xf32> to vector<16xf32>
        %mul3A_648 = arith.constant 10 : i32
        %mul3A_649 = arith.muli %scan3A_173, %mul3A_648 : i32
        %add3A_650 = arith.constant 1 : i32
        %add3A_651 = arith.addi %mul3A_649, %add3A_650 : i32
        %get3A_652 = arith.constant 0 : i32
        %get3A_653 = arith.index_cast %get3A_652 : i32 to index
        %get3A_654 = arith.index_cast %add3A_651 : i32 to index
        %get3A_655 = arith.constant 64 : index
        %get3A_656 = tpu.vector_load %arg4[%get3A_653, %get3A_654, %get3A_655] {strides = array<i32>} : memref<2x400x128xf32, #tpu.memory_space<vmem>>, vector<1x1x16xf32>,
        %get3A_657 = vector.shape_cast %get3A_656 : vector<1x1x16xf32> to vector<16xf32>
        %add3A_658 = arith.addf %get3A_647, %get3A_657 : vector<16xf32>
        %mul3A_659 = arith.constant 10 : i32
        %mul3A_660 = arith.muli %scan3A_173, %mul3A_659 : i32
        %add3A_661 = arith.constant 2 : i32
        %add3A_662 = arith.addi %mul3A_660, %add3A_661 : i32
        %get3A_663 = arith.constant 0 : i32
        %get3A_664 = arith.index_cast %get3A_663 : i32 to index
        %get3A_665 = arith.index_cast %add3A_662 : i32 to index
        %get3A_666 = arith.constant 64 : index
        %get3A_667 = tpu.vector_load %arg4[%get3A_664, %get3A_665, %get3A_666] {strides = array<i32>} : memref<2x400x128xf32, #tpu.memory_space<vmem>>, vector<1x1x16xf32>,
        %get3A_668 = vector.shape_cast %get3A_667 : vector<1x1x16xf32> to vector<16xf32>
        %add3A_669 = arith.addf %add3A_658, %get3A_668 : vector<16xf32>
        %mul3A_670 = arith.constant 10 : i32
        %mul3A_671 = arith.muli %scan3A_173, %mul3A_670 : i32
        %add3A_672 = arith.constant 3 : i32
        %add3A_673 = arith.addi %mul3A_671, %add3A_672 : i32
        %get3A_674 = arith.constant 0 : i32
        %get3A_675 = arith.index_cast %get3A_674 : i32 to index
        %get3A_676 = arith.index_cast %add3A_673 : i32 to index
        %get3A_677 = arith.constant 64 : index
        %get3A_678 = tpu.vector_load %arg4[%get3A_675, %get3A_676, %get3A_677] {strides = array<i32>} : memref<2x400x128xf32, #tpu.memory_space<vmem>>, vector<1x1x16xf32>,
        %get3A_679 = vector.shape_cast %get3A_678 : vector<1x1x16xf32> to vector<16xf32>
        %add3A_680 = arith.addf %add3A_669, %get3A_679 : vector<16xf32>
        %mul3A_681 = arith.constant 10 : i32
        %mul3A_682 = arith.muli %scan3A_173, %mul3A_681 : i32
        %add3A_683 = arith.constant 4 : i32
        %add3A_684 = arith.addi %mul3A_682, %add3A_683 : i32
        %get3A_685 = arith.constant 0 : i32
        %get3A_686 = arith.index_cast %get3A_685 : i32 to index
        %get3A_687 = arith.index_cast %add3A_684 : i32 to index
        %get3A_688 = arith.constant 64 : index
        %get3A_689 = tpu.vector_load %arg4[%get3A_686, %get3A_687, %get3A_688] {strides = array<i32>} : memref<2x400x128xf32, #tpu.memory_space<vmem>>, vector<1x1x16xf32>,
        %get3A_690 = vector.shape_cast %get3A_689 : vector<1x1x16xf32> to vector<16xf32>
        %add3A_691 = arith.addf %add3A_680, %get3A_690 : vector<16xf32>
        %mul3A_692 = arith.constant 10 : i32
        %mul3A_693 = arith.muli %scan3A_173, %mul3A_692 : i32
        %add3A_694 = arith.constant 5 : i32
        %add3A_695 = arith.addi %mul3A_693, %add3A_694 : i32
        %get3A_696 = arith.constant 0 : i32
        %get3A_697 = arith.index_cast %get3A_696 : i32 to index
        %get3A_698 = arith.index_cast %add3A_695 : i32 to index
        %get3A_699 = arith.constant 64 : index
        %get3A_700 = tpu.vector_load %arg4[%get3A_697, %get3A_698, %get3A_699] {strides = array<i32>} : memref<2x400x128xf32, #tpu.memory_space<vmem>>, vector<1x1x16xf32>,
        %get3A_701 = vector.shape_cast %get3A_700 : vector<1x1x16xf32> to vector<16xf32>
        %add3A_702 = arith.addf %add3A_691, %get3A_701 : vector<16xf32>
        %mul3A_703 = arith.constant 10 : i32
        %mul3A_704 = arith.muli %scan3A_173, %mul3A_703 : i32
        %add3A_705 = arith.constant 6 : i32
        %add3A_706 = arith.addi %mul3A_704, %add3A_705 : i32
        %get3A_707 = arith.constant 0 : i32
        %get3A_708 = arith.index_cast %get3A_707 : i32 to index
        %get3A_709 = arith.index_cast %add3A_706 : i32 to index
        %get3A_710 = arith.constant 64 : index
        %get3A_711 = tpu.vector_load %arg4[%get3A_708, %get3A_709, %get3A_710] {strides = array<i32>} : memref<2x400x128xf32, #tpu.memory_space<vmem>>, vector<1x1x16xf32>,
        %get3A_712 = vector.shape_cast %get3A_711 : vector<1x1x16xf32> to vector<16xf32>
        %add3A_713 = arith.addf %add3A_702, %get3A_712 : vector<16xf32>
        %mul3A_714 = arith.constant 10 : i32
        %mul3A_715 = arith.muli %scan3A_173, %mul3A_714 : i32
        %add3A_716 = arith.constant 7 : i32
        %add3A_717 = arith.addi %mul3A_715, %add3A_716 : i32
        %get3A_718 = arith.constant 0 : i32
        %get3A_719 = arith.index_cast %get3A_718 : i32 to index
        %get3A_720 = arith.index_cast %add3A_717 : i32 to index
        %get3A_721 = arith.constant 64 : index
        %get3A_722 = tpu.vector_load %arg4[%get3A_719, %get3A_720, %get3A_721] {strides = array<i32>} : memref<2x400x128xf32, #tpu.memory_space<vmem>>, vector<1x1x16xf32>,
        %get3A_723 = vector.shape_cast %get3A_722 : vector<1x1x16xf32> to vector<16xf32>
        %add3A_724 = arith.addf %add3A_713, %get3A_723 : vector<16xf32>
        %mul3A_725 = arith.constant 10 : i32
        %mul3A_726 = arith.muli %scan3A_173, %mul3A_725 : i32
        %add3A_727 = arith.constant 8 : i32
        %add3A_728 = arith.addi %mul3A_726, %add3A_727 : i32
        %get3A_729 = arith.constant 0 : i32
        %get3A_730 = arith.index_cast %get3A_729 : i32 to index
        %get3A_731 = arith.index_cast %add3A_728 : i32 to index
        %get3A_732 = arith.constant 64 : index
        %get3A_733 = tpu.vector_load %arg4[%get3A_730, %get3A_731, %get3A_732] {strides = array<i32>} : memref<2x400x128xf32, #tpu.memory_space<vmem>>, vector<1x1x16xf32>,
        %get3A_734 = vector.shape_cast %get3A_733 : vector<1x1x16xf32> to vector<16xf32>
        %add3A_735 = arith.addf %add3A_724, %get3A_734 : vector<16xf32>
        %mul3A_736 = arith.constant 10 : i32
        %mul3A_737 = arith.muli %scan3A_173, %mul3A_736 : i32
        %add3A_738 = arith.constant 9 : i32
        %add3A_739 = arith.addi %mul3A_737, %add3A_738 : i32
        %get3A_740 = arith.constant 0 : i32
        %get3A_741 = arith.index_cast %get3A_740 : i32 to index
        %get3A_742 = arith.index_cast %add3A_739 : i32 to index
        %get3A_743 = arith.constant 64 : index
        %get3A_744 = tpu.vector_load %arg4[%get3A_741, %get3A_742, %get3A_743] {strides = array<i32>} : memref<2x400x128xf32, #tpu.memory_space<vmem>>, vector<1x1x16xf32>,
        %get3A_745 = vector.shape_cast %get3A_744 : vector<1x1x16xf32> to vector<16xf32>
        %add3A_746 = arith.addf %add3A_735, %get3A_745 : vector<16xf32>
        %mul3A_747 = arith.constant 1.000000e-01 : f32
        %mul3A_748 = vector.broadcast %mul3A_747 : f32 to vector<16xf32>
        %mul3A_749 = arith.mulf %add3A_746, %mul3A_748 : vector<16xf32>
        %swap3A_750 = arith.constant 0 : i32
        %swap3A_751 = arith.index_cast %swap3A_750 : i32 to index
        %swap3A_752 = arith.index_cast %scan3A_173 : i32 to index
        %swap3A_753 = arith.constant 64 : index
        %swap3A_754 = tpu.vector_load %arg5[%swap3A_751, %swap3A_752, %swap3A_753] {strides = array<i32>} : memref<2x40x128xf32, #tpu.memory_space<vmem>>, vector<1x1x16xf32>,
        %swap3A_755 = vector.shape_cast %swap3A_754 : vector<1x1x16xf32> to vector<16xf32>
        %swap3A_756 = vector.shape_cast %mul3A_749 : vector<16xf32> to vector<1x1x16xf32>
        tpu.vector_store %arg5[%swap3A_751, %swap3A_752, %swap3A_753], %swap3A_756 {strides = array<i32>} : memref<2x40x128xf32, #tpu.memory_space<vmem>>, vector<1x1x16xf32>,
        %mul3A_757 = arith.constant 10 : i32
        %mul3A_758 = arith.muli %scan3A_173, %mul3A_757 : i32
        %get3A_759 = arith.constant 0 : i32
        %get3A_760 = arith.index_cast %get3A_759 : i32 to index
        %get3A_761 = arith.index_cast %mul3A_758 : i32 to index
        %get3A_762 = arith.constant 80 : index
        %get3A_763 = tpu.vector_load %arg4[%get3A_760, %get3A_761, %get3A_762] {strides = array<i32>} : memref<2x400x128xf32, #tpu.memory_space<vmem>>, vector<1x1x16xf32>,
        %get3A_764 = vector.shape_cast %get3A_763 : vector<1x1x16xf32> to vector<16xf32>
        %mul3A_765 = arith.constant 10 : i32
        %mul3A_766 = arith.muli %scan3A_173, %mul3A_765 : i32
        %add3A_767 = arith.constant 1 : i32
        %add3A_768 = arith.addi %mul3A_766, %add3A_767 : i32
        %get3A_769 = arith.constant 0 : i32
        %get3A_770 = arith.index_cast %get3A_769 : i32 to index
        %get3A_771 = arith.index_cast %add3A_768 : i32 to index
        %get3A_772 = arith.constant 80 : index
        %get3A_773 = tpu.vector_load %arg4[%get3A_770, %get3A_771, %get3A_772] {strides = array<i32>} : memref<2x400x128xf32, #tpu.memory_space<vmem>>, vector<1x1x16xf32>,
        %get3A_774 = vector.shape_cast %get3A_773 : vector<1x1x16xf32> to vector<16xf32>
        %add3A_775 = arith.addf %get3A_764, %get3A_774 : vector<16xf32>
        %mul3A_776 = arith.constant 10 : i32
        %mul3A_777 = arith.muli %scan3A_173, %mul3A_776 : i32
        %add3A_778 = arith.constant 2 : i32
        %add3A_779 = arith.addi %mul3A_777, %add3A_778 : i32
        %get3A_780 = arith.constant 0 : i32
        %get3A_781 = arith.index_cast %get3A_780 : i32 to index
        %get3A_782 = arith.index_cast %add3A_779 : i32 to index
        %get3A_783 = arith.constant 80 : index
        %get3A_784 = tpu.vector_load %arg4[%get3A_781, %get3A_782, %get3A_783] {strides = array<i32>} : memref<2x400x128xf32, #tpu.memory_space<vmem>>, vector<1x1x16xf32>,
        %get3A_785 = vector.shape_cast %get3A_784 : vector<1x1x16xf32> to vector<16xf32>
        %add3A_786 = arith.addf %add3A_775, %get3A_785 : vector<16xf32>
        %mul3A_787 = arith.constant 10 : i32
        %mul3A_788 = arith.muli %scan3A_173, %mul3A_787 : i32
        %add3A_789 = arith.constant 3 : i32
        %add3A_790 = arith.addi %mul3A_788, %add3A_789 : i32
        %get3A_791 = arith.constant 0 : i32
        %get3A_792 = arith.index_cast %get3A_791 : i32 to index
        %get3A_793 = arith.index_cast %add3A_790 : i32 to index
        %get3A_794 = arith.constant 80 : index
        %get3A_795 = tpu.vector_load %arg4[%get3A_792, %get3A_793, %get3A_794] {strides = array<i32>} : memref<2x400x128xf32, #tpu.memory_space<vmem>>, vector<1x1x16xf32>,
        %get3A_796 = vector.shape_cast %get3A_795 : vector<1x1x16xf32> to vector<16xf32>
        %add3A_797 = arith.addf %add3A_786, %get3A_796 : vector<16xf32>
        %mul3A_798 = arith.constant 10 : i32
        %mul3A_799 = arith.muli %scan3A_173, %mul3A_798 : i32
        %add3A_800 = arith.constant 4 : i32
        %add3A_801 = arith.addi %mul3A_799, %add3A_800 : i32
        %get3A_802 = arith.constant 0 : i32
        %get3A_803 = arith.index_cast %get3A_802 : i32 to index
        %get3A_804 = arith.index_cast %add3A_801 : i32 to index
        %get3A_805 = arith.constant 80 : index
        %get3A_806 = tpu.vector_load %arg4[%get3A_803, %get3A_804, %get3A_805] {strides = array<i32>} : memref<2x400x128xf32, #tpu.memory_space<vmem>>, vector<1x1x16xf32>,
        %get3A_807 = vector.shape_cast %get3A_806 : vector<1x1x16xf32> to vector<16xf32>
        %add3A_808 = arith.addf %add3A_797, %get3A_807 : vector<16xf32>
        %mul3A_809 = arith.constant 10 : i32
        %mul3A_810 = arith.muli %scan3A_173, %mul3A_809 : i32
        %add3A_811 = arith.constant 5 : i32
        %add3A_812 = arith.addi %mul3A_810, %add3A_811 : i32
        %get3A_813 = arith.constant 0 : i32
        %get3A_814 = arith.index_cast %get3A_813 : i32 to index
        %get3A_815 = arith.index_cast %add3A_812 : i32 to index
        %get3A_816 = arith.constant 80 : index
        %get3A_817 = tpu.vector_load %arg4[%get3A_814, %get3A_815, %get3A_816] {strides = array<i32>} : memref<2x400x128xf32, #tpu.memory_space<vmem>>, vector<1x1x16xf32>,
        %get3A_818 = vector.shape_cast %get3A_817 : vector<1x1x16xf32> to vector<16xf32>
        %add3A_819 = arith.addf %add3A_808, %get3A_818 : vector<16xf32>
        %mul3A_820 = arith.constant 10 : i32
        %mul3A_821 = arith.muli %scan3A_173, %mul3A_820 : i32
        %add3A_822 = arith.constant 6 : i32
        %add3A_823 = arith.addi %mul3A_821, %add3A_822 : i32
        %get3A_824 = arith.constant 0 : i32
        %get3A_825 = arith.index_cast %get3A_824 : i32 to index
        %get3A_826 = arith.index_cast %add3A_823 : i32 to index
        %get3A_827 = arith.constant 80 : index
        %get3A_828 = tpu.vector_load %arg4[%get3A_825, %get3A_826, %get3A_827] {strides = array<i32>} : memref<2x400x128xf32, #tpu.memory_space<vmem>>, vector<1x1x16xf32>,
        %get3A_829 = vector.shape_cast %get3A_828 : vector<1x1x16xf32> to vector<16xf32>
        %add3A_830 = arith.addf %add3A_819, %get3A_829 : vector<16xf32>
        %mul3A_831 = arith.constant 10 : i32
        %mul3A_832 = arith.muli %scan3A_173, %mul3A_831 : i32
        %add3A_833 = arith.constant 7 : i32
        %add3A_834 = arith.addi %mul3A_832, %add3A_833 : i32
        %get3A_835 = arith.constant 0 : i32
        %get3A_836 = arith.index_cast %get3A_835 : i32 to index
        %get3A_837 = arith.index_cast %add3A_834 : i32 to index
        %get3A_838 = arith.constant 80 : index
        %get3A_839 = tpu.vector_load %arg4[%get3A_836, %get3A_837, %get3A_838] {strides = array<i32>} : memref<2x400x128xf32, #tpu.memory_space<vmem>>, vector<1x1x16xf32>,
        %get3A_840 = vector.shape_cast %get3A_839 : vector<1x1x16xf32> to vector<16xf32>
        %add3A_841 = arith.addf %add3A_830, %get3A_840 : vector<16xf32>
        %mul3A_842 = arith.constant 10 : i32
        %mul3A_843 = arith.muli %scan3A_173, %mul3A_842 : i32
        %add3A_844 = arith.constant 8 : i32
        %add3A_845 = arith.addi %mul3A_843, %add3A_844 : i32
        %get3A_846 = arith.constant 0 : i32
        %get3A_847 = arith.index_cast %get3A_846 : i32 to index
        %get3A_848 = arith.index_cast %add3A_845 : i32 to index
        %get3A_849 = arith.constant 80 : index
        %get3A_850 = tpu.vector_load %arg4[%get3A_847, %get3A_848, %get3A_849] {strides = array<i32>} : memref<2x400x128xf32, #tpu.memory_space<vmem>>, vector<1x1x16xf32>,
        %get3A_851 = vector.shape_cast %get3A_850 : vector<1x1x16xf32> to vector<16xf32>
        %add3A_852 = arith.addf %add3A_841, %get3A_851 : vector<16xf32>
        %mul3A_853 = arith.constant 10 : i32
        %mul3A_854 = arith.muli %scan3A_173, %mul3A_853 : i32
        %add3A_855 = arith.constant 9 : i32
        %add3A_856 = arith.addi %mul3A_854, %add3A_855 : i32
        %get3A_857 = arith.constant 0 : i32
        %get3A_858 = arith.index_cast %get3A_857 : i32 to index
        %get3A_859 = arith.index_cast %add3A_856 : i32 to index
        %get3A_860 = arith.constant 80 : index
        %get3A_861 = tpu.vector_load %arg4[%get3A_858, %get3A_859, %get3A_860] {strides = array<i32>} : memref<2x400x128xf32, #tpu.memory_space<vmem>>, vector<1x1x16xf32>,
        %get3A_862 = vector.shape_cast %get3A_861 : vector<1x1x16xf32> to vector<16xf32>
        %add3A_863 = arith.addf %add3A_852, %get3A_862 : vector<16xf32>
        %mul3A_864 = arith.constant 1.000000e-01 : f32
        %mul3A_865 = vector.broadcast %mul3A_864 : f32 to vector<16xf32>
        %mul3A_866 = arith.mulf %add3A_863, %mul3A_865 : vector<16xf32>
        %swap3A_867 = arith.constant 0 : i32
        %swap3A_868 = arith.index_cast %swap3A_867 : i32 to index
        %swap3A_869 = arith.index_cast %scan3A_173 : i32 to index
        %swap3A_870 = arith.constant 80 : index
        %swap3A_871 = tpu.vector_load %arg5[%swap3A_868, %swap3A_869, %swap3A_870] {strides = array<i32>} : memref<2x40x128xf32, #tpu.memory_space<vmem>>, vector<1x1x16xf32>,
        %swap3A_872 = vector.shape_cast %swap3A_871 : vector<1x1x16xf32> to vector<16xf32>
        %swap3A_873 = vector.shape_cast %mul3A_866 : vector<16xf32> to vector<1x1x16xf32>
        tpu.vector_store %arg5[%swap3A_868, %swap3A_869, %swap3A_870], %swap3A_873 {strides = array<i32>} : memref<2x40x128xf32, #tpu.memory_space<vmem>>, vector<1x1x16xf32>,
        %mul3A_874 = arith.constant 10 : i32
        %mul3A_875 = arith.muli %scan3A_173, %mul3A_874 : i32
        %get3A_876 = arith.constant 0 : i32
        %get3A_877 = arith.index_cast %get3A_876 : i32 to index
        %get3A_878 = arith.index_cast %mul3A_875 : i32 to index
        %get3A_879 = arith.constant 96 : index
        %get3A_880 = tpu.vector_load %arg4[%get3A_877, %get3A_878, %get3A_879] {strides = array<i32>} : memref<2x400x128xf32, #tpu.memory_space<vmem>>, vector<1x1x16xf32>,
        %get3A_881 = vector.shape_cast %get3A_880 : vector<1x1x16xf32> to vector<16xf32>
        %mul3A_882 = arith.constant 10 : i32
        %mul3A_883 = arith.muli %scan3A_173, %mul3A_882 : i32
        %add3A_884 = arith.constant 1 : i32
        %add3A_885 = arith.addi %mul3A_883, %add3A_884 : i32
        %get3A_886 = arith.constant 0 : i32
        %get3A_887 = arith.index_cast %get3A_886 : i32 to index
        %get3A_888 = arith.index_cast %add3A_885 : i32 to index
        %get3A_889 = arith.constant 96 : index
        %get3A_890 = tpu.vector_load %arg4[%get3A_887, %get3A_888, %get3A_889] {strides = array<i32>} : memref<2x400x128xf32, #tpu.memory_space<vmem>>, vector<1x1x16xf32>,
        %get3A_891 = vector.shape_cast %get3A_890 : vector<1x1x16xf32> to vector<16xf32>
        %add3A_892 = arith.addf %get3A_881, %get3A_891 : vector<16xf32>
        %mul3A_893 = arith.constant 10 : i32
        %mul3A_894 = arith.muli %scan3A_173, %mul3A_893 : i32
        %add3A_895 = arith.constant 2 : i32
        %add3A_896 = arith.addi %mul3A_894, %add3A_895 : i32
        %get3A_897 = arith.constant 0 : i32
        %get3A_898 = arith.index_cast %get3A_897 : i32 to index
        %get3A_899 = arith.index_cast %add3A_896 : i32 to index
        %get3A_900 = arith.constant 96 : index
        %get3A_901 = tpu.vector_load %arg4[%get3A_898, %get3A_899, %get3A_900] {strides = array<i32>} : memref<2x400x128xf32, #tpu.memory_space<vmem>>, vector<1x1x16xf32>,
        %get3A_902 = vector.shape_cast %get3A_901 : vector<1x1x16xf32> to vector<16xf32>
        %add3A_903 = arith.addf %add3A_892, %get3A_902 : vector<16xf32>
        %mul3A_904 = arith.constant 10 : i32
        %mul3A_905 = arith.muli %scan3A_173, %mul3A_904 : i32
        %add3A_906 = arith.constant 3 : i32
        %add3A_907 = arith.addi %mul3A_905, %add3A_906 : i32
        %get3A_908 = arith.constant 0 : i32
        %get3A_909 = arith.index_cast %get3A_908 : i32 to index
        %get3A_910 = arith.index_cast %add3A_907 : i32 to index
        %get3A_911 = arith.constant 96 : index
        %get3A_912 = tpu.vector_load %arg4[%get3A_909, %get3A_910, %get3A_911] {strides = array<i32>} : memref<2x400x128xf32, #tpu.memory_space<vmem>>, vector<1x1x16xf32>,
        %get3A_913 = vector.shape_cast %get3A_912 : vector<1x1x16xf32> to vector<16xf32>
        %add3A_914 = arith.addf %add3A_903, %get3A_913 : vector<16xf32>
        %mul3A_915 = arith.constant 10 : i32
        %mul3A_916 = arith.muli %scan3A_173, %mul3A_915 : i32
        %add3A_917 = arith.constant 4 : i32
        %add3A_918 = arith.addi %mul3A_916, %add3A_917 : i32
        %get3A_919 = arith.constant 0 : i32
        %get3A_920 = arith.index_cast %get3A_919 : i32 to index
        %get3A_921 = arith.index_cast %add3A_918 : i32 to index
        %get3A_922 = arith.constant 96 : index
        %get3A_923 = tpu.vector_load %arg4[%get3A_920, %get3A_921, %get3A_922] {strides = array<i32>} : memref<2x400x128xf32, #tpu.memory_space<vmem>>, vector<1x1x16xf32>,
        %get3A_924 = vector.shape_cast %get3A_923 : vector<1x1x16xf32> to vector<16xf32>
        %add3A_925 = arith.addf %add3A_914, %get3A_924 : vector<16xf32>
        %mul3A_926 = arith.constant 10 : i32
        %mul3A_927 = arith.muli %scan3A_173, %mul3A_926 : i32
        %add3A_928 = arith.constant 5 : i32
        %add3A_929 = arith.addi %mul3A_927, %add3A_928 : i32
        %get3A_930 = arith.constant 0 : i32
        %get3A_931 = arith.index_cast %get3A_930 : i32 to index
        %get3A_932 = arith.index_cast %add3A_929 : i32 to index
        %get3A_933 = arith.constant 96 : index
        %get3A_934 = tpu.vector_load %arg4[%get3A_931, %get3A_932, %get3A_933] {strides = array<i32>} : memref<2x400x128xf32, #tpu.memory_space<vmem>>, vector<1x1x16xf32>,
        %get3A_935 = vector.shape_cast %get3A_934 : vector<1x1x16xf32> to vector<16xf32>
        %add3A_936 = arith.addf %add3A_925, %get3A_935 : vector<16xf32>
        %mul3A_937 = arith.constant 10 : i32
        %mul3A_938 = arith.muli %scan3A_173, %mul3A_937 : i32
        %add3A_939 = arith.constant 6 : i32
        %add3A_940 = arith.addi %mul3A_938, %add3A_939 : i32
        %get3A_941 = arith.constant 0 : i32
        %get3A_942 = arith.index_cast %get3A_941 : i32 to index
        %get3A_943 = arith.index_cast %add3A_940 : i32 to index
        %get3A_944 = arith.constant 96 : index
        %get3A_945 = tpu.vector_load %arg4[%get3A_942, %get3A_943, %get3A_944] {strides = array<i32>} : memref<2x400x128xf32, #tpu.memory_space<vmem>>, vector<1x1x16xf32>,
        %get3A_946 = vector.shape_cast %get3A_945 : vector<1x1x16xf32> to vector<16xf32>
        %add3A_947 = arith.addf %add3A_936, %get3A_946 : vector<16xf32>
        %mul3A_948 = arith.constant 10 : i32
        %mul3A_949 = arith.muli %scan3A_173, %mul3A_948 : i32
        %add3A_950 = arith.constant 7 : i32
        %add3A_951 = arith.addi %mul3A_949, %add3A_950 : i32
        %get3A_952 = arith.constant 0 : i32
        %get3A_953 = arith.index_cast %get3A_952 : i32 to index
        %get3A_954 = arith.index_cast %add3A_951 : i32 to index
        %get3A_955 = arith.constant 96 : index
        %get3A_956 = tpu.vector_load %arg4[%get3A_953, %get3A_954, %get3A_955] {strides = array<i32>} : memref<2x400x128xf32, #tpu.memory_space<vmem>>, vector<1x1x16xf32>,
        %get3A_957 = vector.shape_cast %get3A_956 : vector<1x1x16xf32> to vector<16xf32>
        %add3A_958 = arith.addf %add3A_947, %get3A_957 : vector<16xf32>
        %mul3A_959 = arith.constant 10 : i32
        %mul3A_960 = arith.muli %scan3A_173, %mul3A_959 : i32
        %add3A_961 = arith.constant 8 : i32
        %add3A_962 = arith.addi %mul3A_960, %add3A_961 : i32
        %get3A_963 = arith.constant 0 : i32
        %get3A_964 = arith.index_cast %get3A_963 : i32 to index
        %get3A_965 = arith.index_cast %add3A_962 : i32 to index
        %get3A_966 = arith.constant 96 : index
        %get3A_967 = tpu.vector_load %arg4[%get3A_964, %get3A_965, %get3A_966] {strides = array<i32>} : memref<2x400x128xf32, #tpu.memory_space<vmem>>, vector<1x1x16xf32>,
        %get3A_968 = vector.shape_cast %get3A_967 : vector<1x1x16xf32> to vector<16xf32>
        %add3A_969 = arith.addf %add3A_958, %get3A_968 : vector<16xf32>
        %mul3A_970 = arith.constant 10 : i32
        %mul3A_971 = arith.muli %scan3A_173, %mul3A_970 : i32
        %add3A_972 = arith.constant 9 : i32
        %add3A_973 = arith.addi %mul3A_971, %add3A_972 : i32
        %get3A_974 = arith.constant 0 : i32
        %get3A_975 = arith.index_cast %get3A_974 : i32 to index
        %get3A_976 = arith.index_cast %add3A_973 : i32 to index
        %get3A_977 = arith.constant 96 : index
        %get3A_978 = tpu.vector_load %arg4[%get3A_975, %get3A_976, %get3A_977] {strides = array<i32>} : memref<2x400x128xf32, #tpu.memory_space<vmem>>, vector<1x1x16xf32>,
        %get3A_979 = vector.shape_cast %get3A_978 : vector<1x1x16xf32> to vector<16xf32>
        %add3A_980 = arith.addf %add3A_969, %get3A_979 : vector<16xf32>
        %mul3A_981 = arith.constant 1.000000e-01 : f32
        %mul3A_982 = vector.broadcast %mul3A_981 : f32 to vector<16xf32>
        %mul3A_983 = arith.mulf %add3A_980, %mul3A_982 : vector<16xf32>
        %swap3A_984 = arith.constant 0 : i32
        %swap3A_985 = arith.index_cast %swap3A_984 : i32 to index
        %swap3A_986 = arith.index_cast %scan3A_173 : i32 to index
        %swap3A_987 = arith.constant 96 : index
        %swap3A_988 = tpu.vector_load %arg5[%swap3A_985, %swap3A_986, %swap3A_987] {strides = array<i32>} : memref<2x40x128xf32, #tpu.memory_space<vmem>>, vector<1x1x16xf32>,
        %swap3A_989 = vector.shape_cast %swap3A_988 : vector<1x1x16xf32> to vector<16xf32>
        %swap3A_990 = vector.shape_cast %mul3A_983 : vector<16xf32> to vector<1x1x16xf32>
        tpu.vector_store %arg5[%swap3A_985, %swap3A_986, %swap3A_987], %swap3A_990 {strides = array<i32>} : memref<2x40x128xf32, #tpu.memory_space<vmem>>, vector<1x1x16xf32>,
        %mul3A_991 = arith.constant 10 : i32
        %mul3A_992 = arith.muli %scan3A_173, %mul3A_991 : i32
        %get3A_993 = arith.constant 0 : i32
        %get3A_994 = arith.index_cast %get3A_993 : i32 to index
        %get3A_995 = arith.index_cast %mul3A_992 : i32 to index
        %get3A_996 = arith.constant 112 : index
        %get3A_997 = tpu.vector_load %arg4[%get3A_994, %get3A_995, %get3A_996] {strides = array<i32>} : memref<2x400x128xf32, #tpu.memory_space<vmem>>, vector<1x1x16xf32>,
        %get3A_998 = vector.shape_cast %get3A_997 : vector<1x1x16xf32> to vector<16xf32>
        %mul3A_999 = arith.constant 10 : i32
        %mul3A_1000 = arith.muli %scan3A_173, %mul3A_999 : i32
        %add3A_1001 = arith.constant 1 : i32
        %add3A_1002 = arith.addi %mul3A_1000, %add3A_1001 : i32
        %get3A_1003 = arith.constant 0 : i32
        %get3A_1004 = arith.index_cast %get3A_1003 : i32 to index
        %get3A_1005 = arith.index_cast %add3A_1002 : i32 to index
        %get3A_1006 = arith.constant 112 : index
        %get3A_1007 = tpu.vector_load %arg4[%get3A_1004, %get3A_1005, %get3A_1006] {strides = array<i32>} : memref<2x400x128xf32, #tpu.memory_space<vmem>>, vector<1x1x16xf32>,
        %get3A_1008 = vector.shape_cast %get3A_1007 : vector<1x1x16xf32> to vector<16xf32>
        %add3A_1009 = arith.addf %get3A_998, %get3A_1008 : vector<16xf32>
        %mul3A_1010 = arith.constant 10 : i32
        %mul3A_1011 = arith.muli %scan3A_173, %mul3A_1010 : i32
        %add3A_1012 = arith.constant 2 : i32
        %add3A_1013 = arith.addi %mul3A_1011, %add3A_1012 : i32
        %get3A_1014 = arith.constant 0 : i32
        %get3A_1015 = arith.index_cast %get3A_1014 : i32 to index
        %get3A_1016 = arith.index_cast %add3A_1013 : i32 to index
        %get3A_1017 = arith.constant 112 : index
        %get3A_1018 = tpu.vector_load %arg4[%get3A_1015, %get3A_1016, %get3A_1017] {strides = array<i32>} : memref<2x400x128xf32, #tpu.memory_space<vmem>>, vector<1x1x16xf32>,
        %get3A_1019 = vector.shape_cast %get3A_1018 : vector<1x1x16xf32> to vector<16xf32>
        %add3A_1020 = arith.addf %add3A_1009, %get3A_1019 : vector<16xf32>
        %mul3A_1021 = arith.constant 10 : i32
        %mul3A_1022 = arith.muli %scan3A_173, %mul3A_1021 : i32
        %add3A_1023 = arith.constant 3 : i32
        %add3A_1024 = arith.addi %mul3A_1022, %add3A_1023 : i32
        %get3A_1025 = arith.constant 0 : i32
        %get3A_1026 = arith.index_cast %get3A_1025 : i32 to index
        %get3A_1027 = arith.index_cast %add3A_1024 : i32 to index
        %get3A_1028 = arith.constant 112 : index
        %get3A_1029 = tpu.vector_load %arg4[%get3A_1026, %get3A_1027, %get3A_1028] {strides = array<i32>} : memref<2x400x128xf32, #tpu.memory_space<vmem>>, vector<1x1x16xf32>,
        %get3A_1030 = vector.shape_cast %get3A_1029 : vector<1x1x16xf32> to vector<16xf32>
        %add3A_1031 = arith.addf %add3A_1020, %get3A_1030 : vector<16xf32>
        %mul3A_1032 = arith.constant 10 : i32
        %mul3A_1033 = arith.muli %scan3A_173, %mul3A_1032 : i32
        %add3A_1034 = arith.constant 4 : i32
        %add3A_1035 = arith.addi %mul3A_1033, %add3A_1034 : i32
        %get3A_1036 = arith.constant 0 : i32
        %get3A_1037 = arith.index_cast %get3A_1036 : i32 to index
        %get3A_1038 = arith.index_cast %add3A_1035 : i32 to index
        %get3A_1039 = arith.constant 112 : index
        %get3A_1040 = tpu.vector_load %arg4[%get3A_1037, %get3A_1038, %get3A_1039] {strides = array<i32>} : memref<2x400x128xf32, #tpu.memory_space<vmem>>, vector<1x1x16xf32>,
        %get3A_1041 = vector.shape_cast %get3A_1040 : vector<1x1x16xf32> to vector<16xf32>
        %add3A_1042 = arith.addf %add3A_1031, %get3A_1041 : vector<16xf32>
        %mul3A_1043 = arith.constant 10 : i32
        %mul3A_1044 = arith.muli %scan3A_173, %mul3A_1043 : i32
        %add3A_1045 = arith.constant 5 : i32
        %add3A_1046 = arith.addi %mul3A_1044, %add3A_1045 : i32
        %get3A_1047 = arith.constant 0 : i32
        %get3A_1048 = arith.index_cast %get3A_1047 : i32 to index
        %get3A_1049 = arith.index_cast %add3A_1046 : i32 to index
        %get3A_1050 = arith.constant 112 : index
        %get3A_1051 = tpu.vector_load %arg4[%get3A_1048, %get3A_1049, %get3A_1050] {strides = array<i32>} : memref<2x400x128xf32, #tpu.memory_space<vmem>>, vector<1x1x16xf32>,
        %get3A_1052 = vector.shape_cast %get3A_1051 : vector<1x1x16xf32> to vector<16xf32>
        %add3A_1053 = arith.addf %add3A_1042, %get3A_1052 : vector<16xf32>
        %mul3A_1054 = arith.constant 10 : i32
        %mul3A_1055 = arith.muli %scan3A_173, %mul3A_1054 : i32
        %add3A_1056 = arith.constant 6 : i32
        %add3A_1057 = arith.addi %mul3A_1055, %add3A_1056 : i32
        %get3A_1058 = arith.constant 0 : i32
        %get3A_1059 = arith.index_cast %get3A_1058 : i32 to index
        %get3A_1060 = arith.index_cast %add3A_1057 : i32 to index
        %get3A_1061 = arith.constant 112 : index
        %get3A_1062 = tpu.vector_load %arg4[%get3A_1059, %get3A_1060, %get3A_1061] {strides = array<i32>} : memref<2x400x128xf32, #tpu.memory_space<vmem>>, vector<1x1x16xf32>,
        %get3A_1063 = vector.shape_cast %get3A_1062 : vector<1x1x16xf32> to vector<16xf32>
        %add3A_1064 = arith.addf %add3A_1053, %get3A_1063 : vector<16xf32>
        %mul3A_1065 = arith.constant 10 : i32
        %mul3A_1066 = arith.muli %scan3A_173, %mul3A_1065 : i32
        %add3A_1067 = arith.constant 7 : i32
        %add3A_1068 = arith.addi %mul3A_1066, %add3A_1067 : i32
        %get3A_1069 = arith.constant 0 : i32
        %get3A_1070 = arith.index_cast %get3A_1069 : i32 to index
        %get3A_1071 = arith.index_cast %add3A_1068 : i32 to index
        %get3A_1072 = arith.constant 112 : index
        %get3A_1073 = tpu.vector_load %arg4[%get3A_1070, %get3A_1071, %get3A_1072] {strides = array<i32>} : memref<2x400x128xf32, #tpu.memory_space<vmem>>, vector<1x1x16xf32>,
        %get3A_1074 = vector.shape_cast %get3A_1073 : vector<1x1x16xf32> to vector<16xf32>
        %add3A_1075 = arith.addf %add3A_1064, %get3A_1074 : vector<16xf32>
        %mul3A_1076 = arith.constant 10 : i32
        %mul3A_1077 = arith.muli %scan3A_173, %mul3A_1076 : i32
        %add3A_1078 = arith.constant 8 : i32
        %add3A_1079 = arith.addi %mul3A_1077, %add3A_1078 : i32
        %get3A_1080 = arith.constant 0 : i32
        %get3A_1081 = arith.index_cast %get3A_1080 : i32 to index
        %get3A_1082 = arith.index_cast %add3A_1079 : i32 to index
        %get3A_1083 = arith.constant 112 : index
        %get3A_1084 = tpu.vector_load %arg4[%get3A_1081, %get3A_1082, %get3A_1083] {strides = array<i32>} : memref<2x400x128xf32, #tpu.memory_space<vmem>>, vector<1x1x16xf32>,
        %get3A_1085 = vector.shape_cast %get3A_1084 : vector<1x1x16xf32> to vector<16xf32>
        %add3A_1086 = arith.addf %add3A_1075, %get3A_1085 : vector<16xf32>
        %mul3A_1087 = arith.constant 10 : i32
        %mul3A_1088 = arith.muli %scan3A_173, %mul3A_1087 : i32
        %add3A_1089 = arith.constant 9 : i32
        %add3A_1090 = arith.addi %mul3A_1088, %add3A_1089 : i32
        %get3A_1091 = arith.constant 0 : i32
        %get3A_1092 = arith.index_cast %get3A_1091 : i32 to index
        %get3A_1093 = arith.index_cast %add3A_1090 : i32 to index
        %get3A_1094 = arith.constant 112 : index
        %get3A_1095 = tpu.vector_load %arg4[%get3A_1092, %get3A_1093, %get3A_1094] {strides = array<i32>} : memref<2x400x128xf32, #tpu.memory_space<vmem>>, vector<1x1x16xf32>,
        %get3A_1096 = vector.shape_cast %get3A_1095 : vector<1x1x16xf32> to vector<16xf32>
        %add3A_1097 = arith.addf %add3A_1086, %get3A_1096 : vector<16xf32>
        %mul3A_1098 = arith.constant 1.000000e-01 : f32
        %mul3A_1099 = vector.broadcast %mul3A_1098 : f32 to vector<16xf32>
        %mul3A_1100 = arith.mulf %add3A_1097, %mul3A_1099 : vector<16xf32>
        %swap3A_1101 = arith.constant 0 : i32
        %swap3A_1102 = arith.index_cast %swap3A_1101 : i32 to index
        %swap3A_1103 = arith.index_cast %scan3A_173 : i32 to index
        %swap3A_1104 = arith.constant 112 : index
        %swap3A_1105 = tpu.vector_load %arg5[%swap3A_1102, %swap3A_1103, %swap3A_1104] {strides = array<i32>} : memref<2x40x128xf32, #tpu.memory_space<vmem>>, vector<1x1x16xf32>,
        %swap3A_1106 = vector.shape_cast %swap3A_1105 : vector<1x1x16xf32> to vector<16xf32>
        %swap3A_1107 = vector.shape_cast %mul3A_1100 : vector<16xf32> to vector<1x1x16xf32>
        tpu.vector_store %arg5[%swap3A_1102, %swap3A_1103, %swap3A_1104], %swap3A_1107 {strides = array<i32>} : memref<2x40x128xf32, #tpu.memory_space<vmem>>, vector<1x1x16xf32>,
      }
      %scan3A_96 = arith.constant 40 : i32
      %mul3A_97 = arith.constant 40 : i32
      %mul3A_98 = arith.muli %add3A_72, %mul3A_97 : i32
      %add3A_99 = arith.addi %mul3A_4, %mul3A_98 : i32
      %dma_start3A_100 = arith.constant 0 : i32
      %dma_start3A_101 = arith.constant 0 : i32
      %dma_start3A_102 = arith.constant 0 : i32
      %dma_start3A_103 = tpu.memref_slice %arg5[%dma_start3A_100, %dma_start3A_101, %dma_start3A_102] : memref<2x40x128xf32, #tpu.memory_space<vmem>> -> memref<1x40x128xf32, #tpu.memory_space<vmem>>
      %dma_start3A_104 = tpu.memref_squeeze %dma_start3A_103 : memref<1x40x128xf32, #tpu.memory_space<vmem>> -> memref<40x128xf32, #tpu.memory_space<vmem>>
      %dma_start3A_105 = arith.constant 0 : i32
      %dma_start3A_106 = tpu.memref_slice %arg3[%add3A_99, %dma_start3A_105] : memref<25600x128xf32, #tpu.memory_space<hbm>> -> memref<40x128xf32, #tpu.memory_space<hbm>>
      %dma_start3A_107 = arith.constant 0 : i32
      %dma_start3A_108 = tpu.memref_slice %arg3[%add3A_99, %dma_start3A_107] : memref<25600x128xf32, #tpu.memory_space<hbm>> -> memref<40x128xf32, #tpu.memory_space<hbm>>
      %dma_start3A_109 = arith.constant 0 : i32
      %dma_start3A_110 = arith.constant 0 : i32
      %dma_start3A_111 = tpu.memref_slice %arg5[%dma_start3A_100, %dma_start3A_109, %dma_start3A_110] : memref<2x40x128xf32, #tpu.memory_space<vmem>> -> memref<1x40x128xf32, #tpu.memory_space<vmem>>
      %dma_start3A_112 = tpu.memref_squeeze %dma_start3A_111 : memref<1x40x128xf32, #tpu.memory_space<vmem>> -> memref<40x128xf32, #tpu.memory_space<vmem>>
      tpu.enqueue_dma source(%dma_start3A_112 : memref<40x128xf32, #tpu.memory_space<vmem>>) target(%dma_start3A_108 : memref<40x128xf32, #tpu.memory_space<hbm>>) target_semaphore(%arg7 : memref<!tpu.dma_semaphore, #tpu.memory_space<semaphore_mem>>)
      %add3A_113 = arith.constant 2 : i32
      %add3A_114 = arith.addi %add3A_72, %add3A_113 : i32
      %lt3A = arith.constant 20 : i32
      %lt3A_115 = arith.cmpi slt, %add3A_114, %lt3A : i32
      %convert_element_type3A_116 = arith.extui %lt3A_115 : i1 to i32
      %cond3A_117 = arith.constant 0 : i32
      %cond3A_118 = arith.cmpi ne, %convert_element_type3A_116, %cond3A_117 : i32
      scf.if %cond3A_118 {
        %add3A_173 = arith.constant 2 : i32
        %add3A_174 = arith.addi %add3A_72, %add3A_173 : i32
        %mul3A_175 = arith.constant 400 : i32
        %mul3A_176 = arith.muli %add3A_174, %mul3A_175 : i32
        %add3A_177 = arith.addi %mul3A_2, %mul3A_176 : i32
        %dma_start3A_178 = arith.constant 0 : i32
        %dma_start3A_179 = arith.constant 0 : i32
        %dma_start3A_180 = arith.constant 0 : i32
        %dma_start3A_181 = tpu.memref_slice %arg4[%dma_start3A_178, %dma_start3A_179, %dma_start3A_180] : memref<2x400x128xf32, #tpu.memory_space<vmem>> -> memref<1x400x128xf32, #tpu.memory_space<vmem>>
        %dma_start3A_182 = tpu.memref_squeeze %dma_start3A_181 : memref<1x400x128xf32, #tpu.memory_space<vmem>> -> memref<400x128xf32, #tpu.memory_space<vmem>>
        %dma_start3A_183 = arith.constant 0 : i32
        %dma_start3A_184 = tpu.memref_slice %arg2[%add3A_177, %dma_start3A_183] : memref<256000x128xf32, #tpu.memory_space<hbm>> -> memref<400x128xf32, #tpu.memory_space<hbm>>
        %dma_start3A_185 = arith.constant 0 : i32
        %dma_start3A_186 = arith.constant 0 : i32
        %dma_start3A_187 = tpu.memref_slice %arg4[%dma_start3A_178, %dma_start3A_185, %dma_start3A_186] : memref<2x400x128xf32, #tpu.memory_space<vmem>> -> memref<1x400x128xf32, #tpu.memory_space<vmem>>
        %dma_start3A_188 = tpu.memref_squeeze %dma_start3A_187 : memref<1x400x128xf32, #tpu.memory_space<vmem>> -> memref<400x128xf32, #tpu.memory_space<vmem>>
        %dma_start3A_189 = arith.constant 0 : i32
        %dma_start3A_190 = tpu.memref_slice %arg2[%add3A_177, %dma_start3A_189] : memref<256000x128xf32, #tpu.memory_space<hbm>> -> memref<400x128xf32, #tpu.memory_space<hbm>>
        tpu.enqueue_dma source(%dma_start3A_190 : memref<400x128xf32, #tpu.memory_space<hbm>>) target(%dma_start3A_188 : memref<400x128xf32, #tpu.memory_space<vmem>>) target_semaphore(%arg6 : memref<!tpu.dma_semaphore, #tpu.memory_space<semaphore_mem>>)
      } else {
      }
      %mul3A_119 = arith.constant 2 : i32
      %mul3A_120 = arith.muli %scan3A_68, %mul3A_119 : i32
      %add3A_121 = arith.constant 1 : i32
      %add3A_122 = arith.addi %mul3A_120, %add3A_121 : i32
      %ge3A_123 = arith.constant 2 : i32
      %ge3A_124 = arith.cmpi sge, %add3A_122, %ge3A_123 : i32
      %convert_element_type3A_125 = arith.extui %ge3A_124 : i1 to i32
      %cond3A_126 = arith.constant 0 : i32
      %cond3A_127 = arith.cmpi ne, %convert_element_type3A_125, %cond3A_126 : i32
      scf.if %cond3A_127 {
        %sub3A = arith.constant 2 : i32
        %sub3A_173 = arith.subi %add3A_122, %sub3A : i32
        %mul3A_174 = arith.constant 40 : i32
        %mul3A_175 = arith.muli %sub3A_173, %mul3A_174 : i32
        %add3A_176 = arith.addi %mul3A_4, %mul3A_175 : i32
        %dma_wait3A_177 = arith.constant 1 : i32
        %dma_wait3A_178 = arith.constant 0 : i32
        %dma_wait3A_179 = arith.constant 0 : i32
        %dma_wait3A_180 = tpu.memref_slice %arg5[%dma_wait3A_177, %dma_wait3A_178, %dma_wait3A_179] : memref<2x40x128xf32, #tpu.memory_space<vmem>> -> memref<1x40x128xf32, #tpu.memory_space<vmem>>
        %dma_wait3A_181 = tpu.memref_squeeze %dma_wait3A_180 : memref<1x40x128xf32, #tpu.memory_space<vmem>> -> memref<40x128xf32, #tpu.memory_space<vmem>>
        %dma_wait3A_182 = arith.constant 0 : i32
        %dma_wait3A_183 = tpu.memref_slice %arg3[%add3A_176, %dma_wait3A_182] : memref<25600x128xf32, #tpu.memory_space<hbm>> -> memref<40x128xf32, #tpu.memory_space<hbm>>
        %dma_wait3A_184 = arith.constant 0 : i32
        %dma_wait3A_185 = tpu.memref_slice %arg3[%add3A_176, %dma_wait3A_184] : memref<25600x128xf32, #tpu.memory_space<hbm>> -> memref<40x128xf32, #tpu.memory_space<hbm>>
        %dma_wait3A_186 = arith.constant 0 : i32
        %dma_wait3A_187 = arith.constant 0 : i32
        %dma_wait3A_188 = tpu.memref_slice %arg5[%dma_wait3A_177, %dma_wait3A_186, %dma_wait3A_187] : memref<2x40x128xf32, #tpu.memory_space<vmem>> -> memref<1x40x128xf32, #tpu.memory_space<vmem>>
        %dma_wait3A_189 = tpu.memref_squeeze %dma_wait3A_188 : memref<1x40x128xf32, #tpu.memory_space<vmem>> -> memref<40x128xf32, #tpu.memory_space<vmem>>
        tpu.wait_dma2 semaphore(%arg7 : memref<!tpu.dma_semaphore, #tpu.memory_space<semaphore_mem>>) src(%dma_wait3A_189 : memref<40x128xf32, #tpu.memory_space<vmem>>) dst(%dma_wait3A_185 : memref<40x128xf32, #tpu.memory_space<hbm>>)
      } else {
      }
      %mul3A_128 = arith.constant 400 : i32
      %mul3A_129 = arith.muli %add3A_122, %mul3A_128 : i32
      %add3A_130 = arith.addi %mul3A_2, %mul3A_129 : i32
      %dma_wait3A_131 = arith.constant 1 : i32
      %dma_wait3A_132 = arith.constant 0 : i32
      %dma_wait3A_133 = arith.constant 0 : i32
      %dma_wait3A_134 = tpu.memref_slice %arg4[%dma_wait3A_131, %dma_wait3A_132, %dma_wait3A_133] : memref<2x400x128xf32, #tpu.memory_space<vmem>> -> memref<1x400x128xf32, #tpu.memory_space<vmem>>
      %dma_wait3A_135 = tpu.memref_squeeze %dma_wait3A_134 : memref<1x400x128xf32, #tpu.memory_space<vmem>> -> memref<400x128xf32, #tpu.memory_space<vmem>>
      %dma_wait3A_136 = arith.constant 0 : i32
      %dma_wait3A_137 = tpu.memref_slice %arg2[%add3A_130, %dma_wait3A_136] : memref<256000x128xf32, #tpu.memory_space<hbm>> -> memref<400x128xf32, #tpu.memory_space<hbm>>
      %dma_wait3A_138 = arith.constant 0 : i32
      %dma_wait3A_139 = arith.constant 0 : i32
      %dma_wait3A_140 = tpu.memref_slice %arg4[%dma_wait3A_131, %dma_wait3A_138, %dma_wait3A_139] : memref<2x400x128xf32, #tpu.memory_space<vmem>> -> memref<1x400x128xf32, #tpu.memory_space<vmem>>
      %dma_wait3A_141 = tpu.memref_squeeze %dma_wait3A_140 : memref<1x400x128xf32, #tpu.memory_space<vmem>> -> memref<400x128xf32, #tpu.memory_space<vmem>>
      %dma_wait3A_142 = arith.constant 0 : i32
      %dma_wait3A_143 = tpu.memref_slice %arg2[%add3A_130, %dma_wait3A_142] : memref<256000x128xf32, #tpu.memory_space<hbm>> -> memref<400x128xf32, #tpu.memory_space<hbm>>
      tpu.wait_dma2 semaphore(%arg6 : memref<!tpu.dma_semaphore, #tpu.memory_space<semaphore_mem>>) src(%dma_wait3A_143 : memref<400x128xf32, #tpu.memory_space<hbm>>) dst(%dma_wait3A_141 : memref<400x128xf32, #tpu.memory_space<vmem>>)
      %scan3A_144 = arith.constant 0 : i32
      %scan3A_145 = arith.constant 0 : i32
      %scan3A_146 = arith.constant 40 : i32
      %scan3A_147 = arith.addi %scan3A_145, %scan3A_146 : i32
      %scan3A_148 = arith.constant 1 : i32
      scf.for %scan3A_173 = %scan3A_145 to %scan3A_147 step %scan3A_148  : i32 {
        %mul3A_174 = arith.constant 10 : i32
        %mul3A_175 = arith.muli %scan3A_173, %mul3A_174 : i32
        %get3A = arith.constant 1 : i32
        %get3A_176 = arith.index_cast %get3A : i32 to index
        %get3A_177 = arith.index_cast %mul3A_175 : i32 to index
        %get3A_178 = arith.constant 0 : index
        %get3A_179 = tpu.vector_load %arg4[%get3A_176, %get3A_177, %get3A_178] {strides = array<i32>} : memref<2x400x128xf32, #tpu.memory_space<vmem>>, vector<1x1x16xf32>,
        %get3A_180 = vector.shape_cast %get3A_179 : vector<1x1x16xf32> to vector<16xf32>
        %mul3A_181 = arith.constant 10 : i32
        %mul3A_182 = arith.muli %scan3A_173, %mul3A_181 : i32
        %add3A_183 = arith.constant 1 : i32
        %add3A_184 = arith.addi %mul3A_182, %add3A_183 : i32
        %get3A_185 = arith.constant 1 : i32
        %get3A_186 = arith.index_cast %get3A_185 : i32 to index
        %get3A_187 = arith.index_cast %add3A_184 : i32 to index
        %get3A_188 = arith.constant 0 : index
        %get3A_189 = tpu.vector_load %arg4[%get3A_186, %get3A_187, %get3A_188] {strides = array<i32>} : memref<2x400x128xf32, #tpu.memory_space<vmem>>, vector<1x1x16xf32>,
        %get3A_190 = vector.shape_cast %get3A_189 : vector<1x1x16xf32> to vector<16xf32>
        %add3A_191 = arith.addf %get3A_180, %get3A_190 : vector<16xf32>
        %mul3A_192 = arith.constant 10 : i32
        %mul3A_193 = arith.muli %scan3A_173, %mul3A_192 : i32
        %add3A_194 = arith.constant 2 : i32
        %add3A_195 = arith.addi %mul3A_193, %add3A_194 : i32
        %get3A_196 = arith.constant 1 : i32
        %get3A_197 = arith.index_cast %get3A_196 : i32 to index
        %get3A_198 = arith.index_cast %add3A_195 : i32 to index
        %get3A_199 = arith.constant 0 : index
        %get3A_200 = tpu.vector_load %arg4[%get3A_197, %get3A_198, %get3A_199] {strides = array<i32>} : memref<2x400x128xf32, #tpu.memory_space<vmem>>, vector<1x1x16xf32>,
        %get3A_201 = vector.shape_cast %get3A_200 : vector<1x1x16xf32> to vector<16xf32>
        %add3A_202 = arith.addf %add3A_191, %get3A_201 : vector<16xf32>
        %mul3A_203 = arith.constant 10 : i32
        %mul3A_204 = arith.muli %scan3A_173, %mul3A_203 : i32
        %add3A_205 = arith.constant 3 : i32
        %add3A_206 = arith.addi %mul3A_204, %add3A_205 : i32
        %get3A_207 = arith.constant 1 : i32
        %get3A_208 = arith.index_cast %get3A_207 : i32 to index
        %get3A_209 = arith.index_cast %add3A_206 : i32 to index
        %get3A_210 = arith.constant 0 : index
        %get3A_211 = tpu.vector_load %arg4[%get3A_208, %get3A_209, %get3A_210] {strides = array<i32>} : memref<2x400x128xf32, #tpu.memory_space<vmem>>, vector<1x1x16xf32>,
        %get3A_212 = vector.shape_cast %get3A_211 : vector<1x1x16xf32> to vector<16xf32>
        %add3A_213 = arith.addf %add3A_202, %get3A_212 : vector<16xf32>
        %mul3A_214 = arith.constant 10 : i32
        %mul3A_215 = arith.muli %scan3A_173, %mul3A_214 : i32
        %add3A_216 = arith.constant 4 : i32
        %add3A_217 = arith.addi %mul3A_215, %add3A_216 : i32
        %get3A_218 = arith.constant 1 : i32
        %get3A_219 = arith.index_cast %get3A_218 : i32 to index
        %get3A_220 = arith.index_cast %add3A_217 : i32 to index
        %get3A_221 = arith.constant 0 : index
        %get3A_222 = tpu.vector_load %arg4[%get3A_219, %get3A_220, %get3A_221] {strides = array<i32>} : memref<2x400x128xf32, #tpu.memory_space<vmem>>, vector<1x1x16xf32>,
        %get3A_223 = vector.shape_cast %get3A_222 : vector<1x1x16xf32> to vector<16xf32>
        %add3A_224 = arith.addf %add3A_213, %get3A_223 : vector<16xf32>
        %mul3A_225 = arith.constant 10 : i32
        %mul3A_226 = arith.muli %scan3A_173, %mul3A_225 : i32
        %add3A_227 = arith.constant 5 : i32
        %add3A_228 = arith.addi %mul3A_226, %add3A_227 : i32
        %get3A_229 = arith.constant 1 : i32
        %get3A_230 = arith.index_cast %get3A_229 : i32 to index
        %get3A_231 = arith.index_cast %add3A_228 : i32 to index
        %get3A_232 = arith.constant 0 : index
        %get3A_233 = tpu.vector_load %arg4[%get3A_230, %get3A_231, %get3A_232] {strides = array<i32>} : memref<2x400x128xf32, #tpu.memory_space<vmem>>, vector<1x1x16xf32>,
        %get3A_234 = vector.shape_cast %get3A_233 : vector<1x1x16xf32> to vector<16xf32>
        %add3A_235 = arith.addf %add3A_224, %get3A_234 : vector<16xf32>
        %mul3A_236 = arith.constant 10 : i32
        %mul3A_237 = arith.muli %scan3A_173, %mul3A_236 : i32
        %add3A_238 = arith.constant 6 : i32
        %add3A_239 = arith.addi %mul3A_237, %add3A_238 : i32
        %get3A_240 = arith.constant 1 : i32
        %get3A_241 = arith.index_cast %get3A_240 : i32 to index
        %get3A_242 = arith.index_cast %add3A_239 : i32 to index
        %get3A_243 = arith.constant 0 : index
        %get3A_244 = tpu.vector_load %arg4[%get3A_241, %get3A_242, %get3A_243] {strides = array<i32>} : memref<2x400x128xf32, #tpu.memory_space<vmem>>, vector<1x1x16xf32>,
        %get3A_245 = vector.shape_cast %get3A_244 : vector<1x1x16xf32> to vector<16xf32>
        %add3A_246 = arith.addf %add3A_235, %get3A_245 : vector<16xf32>
        %mul3A_247 = arith.constant 10 : i32
        %mul3A_248 = arith.muli %scan3A_173, %mul3A_247 : i32
        %add3A_249 = arith.constant 7 : i32
        %add3A_250 = arith.addi %mul3A_248, %add3A_249 : i32
        %get3A_251 = arith.constant 1 : i32
        %get3A_252 = arith.index_cast %get3A_251 : i32 to index
        %get3A_253 = arith.index_cast %add3A_250 : i32 to index
        %get3A_254 = arith.constant 0 : index
        %get3A_255 = tpu.vector_load %arg4[%get3A_252, %get3A_253, %get3A_254] {strides = array<i32>} : memref<2x400x128xf32, #tpu.memory_space<vmem>>, vector<1x1x16xf32>,
        %get3A_256 = vector.shape_cast %get3A_255 : vector<1x1x16xf32> to vector<16xf32>
        %add3A_257 = arith.addf %add3A_246, %get3A_256 : vector<16xf32>
        %mul3A_258 = arith.constant 10 : i32
        %mul3A_259 = arith.muli %scan3A_173, %mul3A_258 : i32
        %add3A_260 = arith.constant 8 : i32
        %add3A_261 = arith.addi %mul3A_259, %add3A_260 : i32
        %get3A_262 = arith.constant 1 : i32
        %get3A_263 = arith.index_cast %get3A_262 : i32 to index
        %get3A_264 = arith.index_cast %add3A_261 : i32 to index
        %get3A_265 = arith.constant 0 : index
        %get3A_266 = tpu.vector_load %arg4[%get3A_263, %get3A_264, %get3A_265] {strides = array<i32>} : memref<2x400x128xf32, #tpu.memory_space<vmem>>, vector<1x1x16xf32>,
        %get3A_267 = vector.shape_cast %get3A_266 : vector<1x1x16xf32> to vector<16xf32>
        %add3A_268 = arith.addf %add3A_257, %get3A_267 : vector<16xf32>
        %mul3A_269 = arith.constant 10 : i32
        %mul3A_270 = arith.muli %scan3A_173, %mul3A_269 : i32
        %add3A_271 = arith.constant 9 : i32
        %add3A_272 = arith.addi %mul3A_270, %add3A_271 : i32
        %get3A_273 = arith.constant 1 : i32
        %get3A_274 = arith.index_cast %get3A_273 : i32 to index
        %get3A_275 = arith.index_cast %add3A_272 : i32 to index
        %get3A_276 = arith.constant 0 : index
        %get3A_277 = tpu.vector_load %arg4[%get3A_274, %get3A_275, %get3A_276] {strides = array<i32>} : memref<2x400x128xf32, #tpu.memory_space<vmem>>, vector<1x1x16xf32>,
        %get3A_278 = vector.shape_cast %get3A_277 : vector<1x1x16xf32> to vector<16xf32>
        %add3A_279 = arith.addf %add3A_268, %get3A_278 : vector<16xf32>
        %mul3A_280 = arith.constant 1.000000e-01 : f32
        %mul3A_281 = vector.broadcast %mul3A_280 : f32 to vector<16xf32>
        %mul3A_282 = arith.mulf %add3A_279, %mul3A_281 : vector<16xf32>
        %swap3A = arith.constant 1 : i32
        %swap3A_283 = arith.index_cast %swap3A : i32 to index
        %swap3A_284 = arith.index_cast %scan3A_173 : i32 to index
        %swap3A_285 = arith.constant 0 : index
        %swap3A_286 = tpu.vector_load %arg5[%swap3A_283, %swap3A_284, %swap3A_285] {strides = array<i32>} : memref<2x40x128xf32, #tpu.memory_space<vmem>>, vector<1x1x16xf32>,
        %swap3A_287 = vector.shape_cast %swap3A_286 : vector<1x1x16xf32> to vector<16xf32>
        %swap3A_288 = vector.shape_cast %mul3A_282 : vector<16xf32> to vector<1x1x16xf32>
        tpu.vector_store %arg5[%swap3A_283, %swap3A_284, %swap3A_285], %swap3A_288 {strides = array<i32>} : memref<2x40x128xf32, #tpu.memory_space<vmem>>, vector<1x1x16xf32>,
        %mul3A_289 = arith.constant 10 : i32
        %mul3A_290 = arith.muli %scan3A_173, %mul3A_289 : i32
        %get3A_291 = arith.constant 1 : i32
        %get3A_292 = arith.index_cast %get3A_291 : i32 to index
        %get3A_293 = arith.index_cast %mul3A_290 : i32 to index
        %get3A_294 = arith.constant 16 : index
        %get3A_295 = tpu.vector_load %arg4[%get3A_292, %get3A_293, %get3A_294] {strides = array<i32>} : memref<2x400x128xf32, #tpu.memory_space<vmem>>, vector<1x1x16xf32>,
        %get3A_296 = vector.shape_cast %get3A_295 : vector<1x1x16xf32> to vector<16xf32>
        %mul3A_297 = arith.constant 10 : i32
        %mul3A_298 = arith.muli %scan3A_173, %mul3A_297 : i32
        %add3A_299 = arith.constant 1 : i32
        %add3A_300 = arith.addi %mul3A_298, %add3A_299 : i32
        %get3A_301 = arith.constant 1 : i32
        %get3A_302 = arith.index_cast %get3A_301 : i32 to index
        %get3A_303 = arith.index_cast %add3A_300 : i32 to index
        %get3A_304 = arith.constant 16 : index
        %get3A_305 = tpu.vector_load %arg4[%get3A_302, %get3A_303, %get3A_304] {strides = array<i32>} : memref<2x400x128xf32, #tpu.memory_space<vmem>>, vector<1x1x16xf32>,
        %get3A_306 = vector.shape_cast %get3A_305 : vector<1x1x16xf32> to vector<16xf32>
        %add3A_307 = arith.addf %get3A_296, %get3A_306 : vector<16xf32>
        %mul3A_308 = arith.constant 10 : i32
        %mul3A_309 = arith.muli %scan3A_173, %mul3A_308 : i32
        %add3A_310 = arith.constant 2 : i32
        %add3A_311 = arith.addi %mul3A_309, %add3A_310 : i32
        %get3A_312 = arith.constant 1 : i32
        %get3A_313 = arith.index_cast %get3A_312 : i32 to index
        %get3A_314 = arith.index_cast %add3A_311 : i32 to index
        %get3A_315 = arith.constant 16 : index
        %get3A_316 = tpu.vector_load %arg4[%get3A_313, %get3A_314, %get3A_315] {strides = array<i32>} : memref<2x400x128xf32, #tpu.memory_space<vmem>>, vector<1x1x16xf32>,
        %get3A_317 = vector.shape_cast %get3A_316 : vector<1x1x16xf32> to vector<16xf32>
        %add3A_318 = arith.addf %add3A_307, %get3A_317 : vector<16xf32>
        %mul3A_319 = arith.constant 10 : i32
        %mul3A_320 = arith.muli %scan3A_173, %mul3A_319 : i32
        %add3A_321 = arith.constant 3 : i32
        %add3A_322 = arith.addi %mul3A_320, %add3A_321 : i32
        %get3A_323 = arith.constant 1 : i32
        %get3A_324 = arith.index_cast %get3A_323 : i32 to index
        %get3A_325 = arith.index_cast %add3A_322 : i32 to index
        %get3A_326 = arith.constant 16 : index
        %get3A_327 = tpu.vector_load %arg4[%get3A_324, %get3A_325, %get3A_326] {strides = array<i32>} : memref<2x400x128xf32, #tpu.memory_space<vmem>>, vector<1x1x16xf32>,
        %get3A_328 = vector.shape_cast %get3A_327 : vector<1x1x16xf32> to vector<16xf32>
        %add3A_329 = arith.addf %add3A_318, %get3A_328 : vector<16xf32>
        %mul3A_330 = arith.constant 10 : i32
        %mul3A_331 = arith.muli %scan3A_173, %mul3A_330 : i32
        %add3A_332 = arith.constant 4 : i32
        %add3A_333 = arith.addi %mul3A_331, %add3A_332 : i32
        %get3A_334 = arith.constant 1 : i32
        %get3A_335 = arith.index_cast %get3A_334 : i32 to index
        %get3A_336 = arith.index_cast %add3A_333 : i32 to index
        %get3A_337 = arith.constant 16 : index
        %get3A_338 = tpu.vector_load %arg4[%get3A_335, %get3A_336, %get3A_337] {strides = array<i32>} : memref<2x400x128xf32, #tpu.memory_space<vmem>>, vector<1x1x16xf32>,
        %get3A_339 = vector.shape_cast %get3A_338 : vector<1x1x16xf32> to vector<16xf32>
        %add3A_340 = arith.addf %add3A_329, %get3A_339 : vector<16xf32>
        %mul3A_341 = arith.constant 10 : i32
        %mul3A_342 = arith.muli %scan3A_173, %mul3A_341 : i32
        %add3A_343 = arith.constant 5 : i32
        %add3A_344 = arith.addi %mul3A_342, %add3A_343 : i32
        %get3A_345 = arith.constant 1 : i32
        %get3A_346 = arith.index_cast %get3A_345 : i32 to index
        %get3A_347 = arith.index_cast %add3A_344 : i32 to index
        %get3A_348 = arith.constant 16 : index
        %get3A_349 = tpu.vector_load %arg4[%get3A_346, %get3A_347, %get3A_348] {strides = array<i32>} : memref<2x400x128xf32, #tpu.memory_space<vmem>>, vector<1x1x16xf32>,
        %get3A_350 = vector.shape_cast %get3A_349 : vector<1x1x16xf32> to vector<16xf32>
        %add3A_351 = arith.addf %add3A_340, %get3A_350 : vector<16xf32>
        %mul3A_352 = arith.constant 10 : i32
        %mul3A_353 = arith.muli %scan3A_173, %mul3A_352 : i32
        %add3A_354 = arith.constant 6 : i32
        %add3A_355 = arith.addi %mul3A_353, %add3A_354 : i32
        %get3A_356 = arith.constant 1 : i32
        %get3A_357 = arith.index_cast %get3A_356 : i32 to index
        %get3A_358 = arith.index_cast %add3A_355 : i32 to index
        %get3A_359 = arith.constant 16 : index
        %get3A_360 = tpu.vector_load %arg4[%get3A_357, %get3A_358, %get3A_359] {strides = array<i32>} : memref<2x400x128xf32, #tpu.memory_space<vmem>>, vector<1x1x16xf32>,
        %get3A_361 = vector.shape_cast %get3A_360 : vector<1x1x16xf32> to vector<16xf32>
        %add3A_362 = arith.addf %add3A_351, %get3A_361 : vector<16xf32>
        %mul3A_363 = arith.constant 10 : i32
        %mul3A_364 = arith.muli %scan3A_173, %mul3A_363 : i32
        %add3A_365 = arith.constant 7 : i32
        %add3A_366 = arith.addi %mul3A_364, %add3A_365 : i32
        %get3A_367 = arith.constant 1 : i32
        %get3A_368 = arith.index_cast %get3A_367 : i32 to index
        %get3A_369 = arith.index_cast %add3A_366 : i32 to index
        %get3A_370 = arith.constant 16 : index
        %get3A_371 = tpu.vector_load %arg4[%get3A_368, %get3A_369, %get3A_370] {strides = array<i32>} : memref<2x400x128xf32, #tpu.memory_space<vmem>>, vector<1x1x16xf32>,
        %get3A_372 = vector.shape_cast %get3A_371 : vector<1x1x16xf32> to vector<16xf32>
        %add3A_373 = arith.addf %add3A_362, %get3A_372 : vector<16xf32>
        %mul3A_374 = arith.constant 10 : i32
        %mul3A_375 = arith.muli %scan3A_173, %mul3A_374 : i32
        %add3A_376 = arith.constant 8 : i32
        %add3A_377 = arith.addi %mul3A_375, %add3A_376 : i32
        %get3A_378 = arith.constant 1 : i32
        %get3A_379 = arith.index_cast %get3A_378 : i32 to index
        %get3A_380 = arith.index_cast %add3A_377 : i32 to index
        %get3A_381 = arith.constant 16 : index
        %get3A_382 = tpu.vector_load %arg4[%get3A_379, %get3A_380, %get3A_381] {strides = array<i32>} : memref<2x400x128xf32, #tpu.memory_space<vmem>>, vector<1x1x16xf32>,
        %get3A_383 = vector.shape_cast %get3A_382 : vector<1x1x16xf32> to vector<16xf32>
        %add3A_384 = arith.addf %add3A_373, %get3A_383 : vector<16xf32>
        %mul3A_385 = arith.constant 10 : i32
        %mul3A_386 = arith.muli %scan3A_173, %mul3A_385 : i32
        %add3A_387 = arith.constant 9 : i32
        %add3A_388 = arith.addi %mul3A_386, %add3A_387 : i32
        %get3A_389 = arith.constant 1 : i32
        %get3A_390 = arith.index_cast %get3A_389 : i32 to index
        %get3A_391 = arith.index_cast %add3A_388 : i32 to index
        %get3A_392 = arith.constant 16 : index
        %get3A_393 = tpu.vector_load %arg4[%get3A_390, %get3A_391, %get3A_392] {strides = array<i32>} : memref<2x400x128xf32, #tpu.memory_space<vmem>>, vector<1x1x16xf32>,
        %get3A_394 = vector.shape_cast %get3A_393 : vector<1x1x16xf32> to vector<16xf32>
        %add3A_395 = arith.addf %add3A_384, %get3A_394 : vector<16xf32>
        %mul3A_396 = arith.constant 1.000000e-01 : f32
        %mul3A_397 = vector.broadcast %mul3A_396 : f32 to vector<16xf32>
        %mul3A_398 = arith.mulf %add3A_395, %mul3A_397 : vector<16xf32>
        %swap3A_399 = arith.constant 1 : i32
        %swap3A_400 = arith.index_cast %swap3A_399 : i32 to index
        %swap3A_401 = arith.index_cast %scan3A_173 : i32 to index
        %swap3A_402 = arith.constant 16 : index
        %swap3A_403 = tpu.vector_load %arg5[%swap3A_400, %swap3A_401, %swap3A_402] {strides = array<i32>} : memref<2x40x128xf32, #tpu.memory_space<vmem>>, vector<1x1x16xf32>,
        %swap3A_404 = vector.shape_cast %swap3A_403 : vector<1x1x16xf32> to vector<16xf32>
        %swap3A_405 = vector.shape_cast %mul3A_398 : vector<16xf32> to vector<1x1x16xf32>
        tpu.vector_store %arg5[%swap3A_400, %swap3A_401, %swap3A_402], %swap3A_405 {strides = array<i32>} : memref<2x40x128xf32, #tpu.memory_space<vmem>>, vector<1x1x16xf32>,
        %mul3A_406 = arith.constant 10 : i32
        %mul3A_407 = arith.muli %scan3A_173, %mul3A_406 : i32
        %get3A_408 = arith.constant 1 : i32
        %get3A_409 = arith.index_cast %get3A_408 : i32 to index
        %get3A_410 = arith.index_cast %mul3A_407 : i32 to index
        %get3A_411 = arith.constant 32 : index
        %get3A_412 = tpu.vector_load %arg4[%get3A_409, %get3A_410, %get3A_411] {strides = array<i32>} : memref<2x400x128xf32, #tpu.memory_space<vmem>>, vector<1x1x16xf32>,
        %get3A_413 = vector.shape_cast %get3A_412 : vector<1x1x16xf32> to vector<16xf32>
        %mul3A_414 = arith.constant 10 : i32
        %mul3A_415 = arith.muli %scan3A_173, %mul3A_414 : i32
        %add3A_416 = arith.constant 1 : i32
        %add3A_417 = arith.addi %mul3A_415, %add3A_416 : i32
        %get3A_418 = arith.constant 1 : i32
        %get3A_419 = arith.index_cast %get3A_418 : i32 to index
        %get3A_420 = arith.index_cast %add3A_417 : i32 to index
        %get3A_421 = arith.constant 32 : index
        %get3A_422 = tpu.vector_load %arg4[%get3A_419, %get3A_420, %get3A_421] {strides = array<i32>} : memref<2x400x128xf32, #tpu.memory_space<vmem>>, vector<1x1x16xf32>,
        %get3A_423 = vector.shape_cast %get3A_422 : vector<1x1x16xf32> to vector<16xf32>
        %add3A_424 = arith.addf %get3A_413, %get3A_423 : vector<16xf32>
        %mul3A_425 = arith.constant 10 : i32
        %mul3A_426 = arith.muli %scan3A_173, %mul3A_425 : i32
        %add3A_427 = arith.constant 2 : i32
        %add3A_428 = arith.addi %mul3A_426, %add3A_427 : i32
        %get3A_429 = arith.constant 1 : i32
        %get3A_430 = arith.index_cast %get3A_429 : i32 to index
        %get3A_431 = arith.index_cast %add3A_428 : i32 to index
        %get3A_432 = arith.constant 32 : index
        %get3A_433 = tpu.vector_load %arg4[%get3A_430, %get3A_431, %get3A_432] {strides = array<i32>} : memref<2x400x128xf32, #tpu.memory_space<vmem>>, vector<1x1x16xf32>,
        %get3A_434 = vector.shape_cast %get3A_433 : vector<1x1x16xf32> to vector<16xf32>
        %add3A_435 = arith.addf %add3A_424, %get3A_434 : vector<16xf32>
        %mul3A_436 = arith.constant 10 : i32
        %mul3A_437 = arith.muli %scan3A_173, %mul3A_436 : i32
        %add3A_438 = arith.constant 3 : i32
        %add3A_439 = arith.addi %mul3A_437, %add3A_438 : i32
        %get3A_440 = arith.constant 1 : i32
        %get3A_441 = arith.index_cast %get3A_440 : i32 to index
        %get3A_442 = arith.index_cast %add3A_439 : i32 to index
        %get3A_443 = arith.constant 32 : index
        %get3A_444 = tpu.vector_load %arg4[%get3A_441, %get3A_442, %get3A_443] {strides = array<i32>} : memref<2x400x128xf32, #tpu.memory_space<vmem>>, vector<1x1x16xf32>,
        %get3A_445 = vector.shape_cast %get3A_444 : vector<1x1x16xf32> to vector<16xf32>
        %add3A_446 = arith.addf %add3A_435, %get3A_445 : vector<16xf32>
        %mul3A_447 = arith.constant 10 : i32
        %mul3A_448 = arith.muli %scan3A_173, %mul3A_447 : i32
        %add3A_449 = arith.constant 4 : i32
        %add3A_450 = arith.addi %mul3A_448, %add3A_449 : i32
        %get3A_451 = arith.constant 1 : i32
        %get3A_452 = arith.index_cast %get3A_451 : i32 to index
        %get3A_453 = arith.index_cast %add3A_450 : i32 to index
        %get3A_454 = arith.constant 32 : index
        %get3A_455 = tpu.vector_load %arg4[%get3A_452, %get3A_453, %get3A_454] {strides = array<i32>} : memref<2x400x128xf32, #tpu.memory_space<vmem>>, vector<1x1x16xf32>,
        %get3A_456 = vector.shape_cast %get3A_455 : vector<1x1x16xf32> to vector<16xf32>
        %add3A_457 = arith.addf %add3A_446, %get3A_456 : vector<16xf32>
        %mul3A_458 = arith.constant 10 : i32
        %mul3A_459 = arith.muli %scan3A_173, %mul3A_458 : i32
        %add3A_460 = arith.constant 5 : i32
        %add3A_461 = arith.addi %mul3A_459, %add3A_460 : i32
        %get3A_462 = arith.constant 1 : i32
        %get3A_463 = arith.index_cast %get3A_462 : i32 to index
        %get3A_464 = arith.index_cast %add3A_461 : i32 to index
        %get3A_465 = arith.constant 32 : index
        %get3A_466 = tpu.vector_load %arg4[%get3A_463, %get3A_464, %get3A_465] {strides = array<i32>} : memref<2x400x128xf32, #tpu.memory_space<vmem>>, vector<1x1x16xf32>,
        %get3A_467 = vector.shape_cast %get3A_466 : vector<1x1x16xf32> to vector<16xf32>
        %add3A_468 = arith.addf %add3A_457, %get3A_467 : vector<16xf32>
        %mul3A_469 = arith.constant 10 : i32
        %mul3A_470 = arith.muli %scan3A_173, %mul3A_469 : i32
        %add3A_471 = arith.constant 6 : i32
        %add3A_472 = arith.addi %mul3A_470, %add3A_471 : i32
        %get3A_473 = arith.constant 1 : i32
        %get3A_474 = arith.index_cast %get3A_473 : i32 to index
        %get3A_475 = arith.index_cast %add3A_472 : i32 to index
        %get3A_476 = arith.constant 32 : index
        %get3A_477 = tpu.vector_load %arg4[%get3A_474, %get3A_475, %get3A_476] {strides = array<i32>} : memref<2x400x128xf32, #tpu.memory_space<vmem>>, vector<1x1x16xf32>,
        %get3A_478 = vector.shape_cast %get3A_477 : vector<1x1x16xf32> to vector<16xf32>
        %add3A_479 = arith.addf %add3A_468, %get3A_478 : vector<16xf32>
        %mul3A_480 = arith.constant 10 : i32
        %mul3A_481 = arith.muli %scan3A_173, %mul3A_480 : i32
        %add3A_482 = arith.constant 7 : i32
        %add3A_483 = arith.addi %mul3A_481, %add3A_482 : i32
        %get3A_484 = arith.constant 1 : i32
        %get3A_485 = arith.index_cast %get3A_484 : i32 to index
        %get3A_486 = arith.index_cast %add3A_483 : i32 to index
        %get3A_487 = arith.constant 32 : index
        %get3A_488 = tpu.vector_load %arg4[%get3A_485, %get3A_486, %get3A_487] {strides = array<i32>} : memref<2x400x128xf32, #tpu.memory_space<vmem>>, vector<1x1x16xf32>,
        %get3A_489 = vector.shape_cast %get3A_488 : vector<1x1x16xf32> to vector<16xf32>
        %add3A_490 = arith.addf %add3A_479, %get3A_489 : vector<16xf32>
        %mul3A_491 = arith.constant 10 : i32
        %mul3A_492 = arith.muli %scan3A_173, %mul3A_491 : i32
        %add3A_493 = arith.constant 8 : i32
        %add3A_494 = arith.addi %mul3A_492, %add3A_493 : i32
        %get3A_495 = arith.constant 1 : i32
        %get3A_496 = arith.index_cast %get3A_495 : i32 to index
        %get3A_497 = arith.index_cast %add3A_494 : i32 to index
        %get3A_498 = arith.constant 32 : index
        %get3A_499 = tpu.vector_load %arg4[%get3A_496, %get3A_497, %get3A_498] {strides = array<i32>} : memref<2x400x128xf32, #tpu.memory_space<vmem>>, vector<1x1x16xf32>,
        %get3A_500 = vector.shape_cast %get3A_499 : vector<1x1x16xf32> to vector<16xf32>
        %add3A_501 = arith.addf %add3A_490, %get3A_500 : vector<16xf32>
        %mul3A_502 = arith.constant 10 : i32
        %mul3A_503 = arith.muli %scan3A_173, %mul3A_502 : i32
        %add3A_504 = arith.constant 9 : i32
        %add3A_505 = arith.addi %mul3A_503, %add3A_504 : i32
        %get3A_506 = arith.constant 1 : i32
        %get3A_507 = arith.index_cast %get3A_506 : i32 to index
        %get3A_508 = arith.index_cast %add3A_505 : i32 to index
        %get3A_509 = arith.constant 32 : index
        %get3A_510 = tpu.vector_load %arg4[%get3A_507, %get3A_508, %get3A_509] {strides = array<i32>} : memref<2x400x128xf32, #tpu.memory_space<vmem>>, vector<1x1x16xf32>,
        %get3A_511 = vector.shape_cast %get3A_510 : vector<1x1x16xf32> to vector<16xf32>
        %add3A_512 = arith.addf %add3A_501, %get3A_511 : vector<16xf32>
        %mul3A_513 = arith.constant 1.000000e-01 : f32
        %mul3A_514 = vector.broadcast %mul3A_513 : f32 to vector<16xf32>
        %mul3A_515 = arith.mulf %add3A_512, %mul3A_514 : vector<16xf32>
        %swap3A_516 = arith.constant 1 : i32
        %swap3A_517 = arith.index_cast %swap3A_516 : i32 to index
        %swap3A_518 = arith.index_cast %scan3A_173 : i32 to index
        %swap3A_519 = arith.constant 32 : index
        %swap3A_520 = tpu.vector_load %arg5[%swap3A_517, %swap3A_518, %swap3A_519] {strides = array<i32>} : memref<2x40x128xf32, #tpu.memory_space<vmem>>, vector<1x1x16xf32>,
        %swap3A_521 = vector.shape_cast %swap3A_520 : vector<1x1x16xf32> to vector<16xf32>
        %swap3A_522 = vector.shape_cast %mul3A_515 : vector<16xf32> to vector<1x1x16xf32>
        tpu.vector_store %arg5[%swap3A_517, %swap3A_518, %swap3A_519], %swap3A_522 {strides = array<i32>} : memref<2x40x128xf32, #tpu.memory_space<vmem>>, vector<1x1x16xf32>,
        %mul3A_523 = arith.constant 10 : i32
        %mul3A_524 = arith.muli %scan3A_173, %mul3A_523 : i32
        %get3A_525 = arith.constant 1 : i32
        %get3A_526 = arith.index_cast %get3A_525 : i32 to index
        %get3A_527 = arith.index_cast %mul3A_524 : i32 to index
        %get3A_528 = arith.constant 48 : index
        %get3A_529 = tpu.vector_load %arg4[%get3A_526, %get3A_527, %get3A_528] {strides = array<i32>} : memref<2x400x128xf32, #tpu.memory_space<vmem>>, vector<1x1x16xf32>,
        %get3A_530 = vector.shape_cast %get3A_529 : vector<1x1x16xf32> to vector<16xf32>
        %mul3A_531 = arith.constant 10 : i32
        %mul3A_532 = arith.muli %scan3A_173, %mul3A_531 : i32
        %add3A_533 = arith.constant 1 : i32
        %add3A_534 = arith.addi %mul3A_532, %add3A_533 : i32
        %get3A_535 = arith.constant 1 : i32
        %get3A_536 = arith.index_cast %get3A_535 : i32 to index
        %get3A_537 = arith.index_cast %add3A_534 : i32 to index
        %get3A_538 = arith.constant 48 : index
        %get3A_539 = tpu.vector_load %arg4[%get3A_536, %get3A_537, %get3A_538] {strides = array<i32>} : memref<2x400x128xf32, #tpu.memory_space<vmem>>, vector<1x1x16xf32>,
        %get3A_540 = vector.shape_cast %get3A_539 : vector<1x1x16xf32> to vector<16xf32>
        %add3A_541 = arith.addf %get3A_530, %get3A_540 : vector<16xf32>
        %mul3A_542 = arith.constant 10 : i32
        %mul3A_543 = arith.muli %scan3A_173, %mul3A_542 : i32
        %add3A_544 = arith.constant 2 : i32
        %add3A_545 = arith.addi %mul3A_543, %add3A_544 : i32
        %get3A_546 = arith.constant 1 : i32
        %get3A_547 = arith.index_cast %get3A_546 : i32 to index
        %get3A_548 = arith.index_cast %add3A_545 : i32 to index
        %get3A_549 = arith.constant 48 : index
        %get3A_550 = tpu.vector_load %arg4[%get3A_547, %get3A_548, %get3A_549] {strides = array<i32>} : memref<2x400x128xf32, #tpu.memory_space<vmem>>, vector<1x1x16xf32>,
        %get3A_551 = vector.shape_cast %get3A_550 : vector<1x1x16xf32> to vector<16xf32>
        %add3A_552 = arith.addf %add3A_541, %get3A_551 : vector<16xf32>
        %mul3A_553 = arith.constant 10 : i32
        %mul3A_554 = arith.muli %scan3A_173, %mul3A_553 : i32
        %add3A_555 = arith.constant 3 : i32
        %add3A_556 = arith.addi %mul3A_554, %add3A_555 : i32
        %get3A_557 = arith.constant 1 : i32
        %get3A_558 = arith.index_cast %get3A_557 : i32 to index
        %get3A_559 = arith.index_cast %add3A_556 : i32 to index
        %get3A_560 = arith.constant 48 : index
        %get3A_561 = tpu.vector_load %arg4[%get3A_558, %get3A_559, %get3A_560] {strides = array<i32>} : memref<2x400x128xf32, #tpu.memory_space<vmem>>, vector<1x1x16xf32>,
        %get3A_562 = vector.shape_cast %get3A_561 : vector<1x1x16xf32> to vector<16xf32>
        %add3A_563 = arith.addf %add3A_552, %get3A_562 : vector<16xf32>
        %mul3A_564 = arith.constant 10 : i32
        %mul3A_565 = arith.muli %scan3A_173, %mul3A_564 : i32
        %add3A_566 = arith.constant 4 : i32
        %add3A_567 = arith.addi %mul3A_565, %add3A_566 : i32
        %get3A_568 = arith.constant 1 : i32
        %get3A_569 = arith.index_cast %get3A_568 : i32 to index
        %get3A_570 = arith.index_cast %add3A_567 : i32 to index
        %get3A_571 = arith.constant 48 : index
        %get3A_572 = tpu.vector_load %arg4[%get3A_569, %get3A_570, %get3A_571] {strides = array<i32>} : memref<2x400x128xf32, #tpu.memory_space<vmem>>, vector<1x1x16xf32>,
        %get3A_573 = vector.shape_cast %get3A_572 : vector<1x1x16xf32> to vector<16xf32>
        %add3A_574 = arith.addf %add3A_563, %get3A_573 : vector<16xf32>
        %mul3A_575 = arith.constant 10 : i32
        %mul3A_576 = arith.muli %scan3A_173, %mul3A_575 : i32
        %add3A_577 = arith.constant 5 : i32
        %add3A_578 = arith.addi %mul3A_576, %add3A_577 : i32
        %get3A_579 = arith.constant 1 : i32
        %get3A_580 = arith.index_cast %get3A_579 : i32 to index
        %get3A_581 = arith.index_cast %add3A_578 : i32 to index
        %get3A_582 = arith.constant 48 : index
        %get3A_583 = tpu.vector_load %arg4[%get3A_580, %get3A_581, %get3A_582] {strides = array<i32>} : memref<2x400x128xf32, #tpu.memory_space<vmem>>, vector<1x1x16xf32>,
        %get3A_584 = vector.shape_cast %get3A_583 : vector<1x1x16xf32> to vector<16xf32>
        %add3A_585 = arith.addf %add3A_574, %get3A_584 : vector<16xf32>
        %mul3A_586 = arith.constant 10 : i32
        %mul3A_587 = arith.muli %scan3A_173, %mul3A_586 : i32
        %add3A_588 = arith.constant 6 : i32
        %add3A_589 = arith.addi %mul3A_587, %add3A_588 : i32
        %get3A_590 = arith.constant 1 : i32
        %get3A_591 = arith.index_cast %get3A_590 : i32 to index
        %get3A_592 = arith.index_cast %add3A_589 : i32 to index
        %get3A_593 = arith.constant 48 : index
        %get3A_594 = tpu.vector_load %arg4[%get3A_591, %get3A_592, %get3A_593] {strides = array<i32>} : memref<2x400x128xf32, #tpu.memory_space<vmem>>, vector<1x1x16xf32>,
        %get3A_595 = vector.shape_cast %get3A_594 : vector<1x1x16xf32> to vector<16xf32>
        %add3A_596 = arith.addf %add3A_585, %get3A_595 : vector<16xf32>
        %mul3A_597 = arith.constant 10 : i32
        %mul3A_598 = arith.muli %scan3A_173, %mul3A_597 : i32
        %add3A_599 = arith.constant 7 : i32
        %add3A_600 = arith.addi %mul3A_598, %add3A_599 : i32
        %get3A_601 = arith.constant 1 : i32
        %get3A_602 = arith.index_cast %get3A_601 : i32 to index
        %get3A_603 = arith.index_cast %add3A_600 : i32 to index
        %get3A_604 = arith.constant 48 : index
        %get3A_605 = tpu.vector_load %arg4[%get3A_602, %get3A_603, %get3A_604] {strides = array<i32>} : memref<2x400x128xf32, #tpu.memory_space<vmem>>, vector<1x1x16xf32>,
        %get3A_606 = vector.shape_cast %get3A_605 : vector<1x1x16xf32> to vector<16xf32>
        %add3A_607 = arith.addf %add3A_596, %get3A_606 : vector<16xf32>
        %mul3A_608 = arith.constant 10 : i32
        %mul3A_609 = arith.muli %scan3A_173, %mul3A_608 : i32
        %add3A_610 = arith.constant 8 : i32
        %add3A_611 = arith.addi %mul3A_609, %add3A_610 : i32
        %get3A_612 = arith.constant 1 : i32
        %get3A_613 = arith.index_cast %get3A_612 : i32 to index
        %get3A_614 = arith.index_cast %add3A_611 : i32 to index
        %get3A_615 = arith.constant 48 : index
        %get3A_616 = tpu.vector_load %arg4[%get3A_613, %get3A_614, %get3A_615] {strides = array<i32>} : memref<2x400x128xf32, #tpu.memory_space<vmem>>, vector<1x1x16xf32>,
        %get3A_617 = vector.shape_cast %get3A_616 : vector<1x1x16xf32> to vector<16xf32>
        %add3A_618 = arith.addf %add3A_607, %get3A_617 : vector<16xf32>
        %mul3A_619 = arith.constant 10 : i32
        %mul3A_620 = arith.muli %scan3A_173, %mul3A_619 : i32
        %add3A_621 = arith.constant 9 : i32
        %add3A_622 = arith.addi %mul3A_620, %add3A_621 : i32
        %get3A_623 = arith.constant 1 : i32
        %get3A_624 = arith.index_cast %get3A_623 : i32 to index
        %get3A_625 = arith.index_cast %add3A_622 : i32 to index
        %get3A_626 = arith.constant 48 : index
        %get3A_627 = tpu.vector_load %arg4[%get3A_624, %get3A_625, %get3A_626] {strides = array<i32>} : memref<2x400x128xf32, #tpu.memory_space<vmem>>, vector<1x1x16xf32>,
        %get3A_628 = vector.shape_cast %get3A_627 : vector<1x1x16xf32> to vector<16xf32>
        %add3A_629 = arith.addf %add3A_618, %get3A_628 : vector<16xf32>
        %mul3A_630 = arith.constant 1.000000e-01 : f32
        %mul3A_631 = vector.broadcast %mul3A_630 : f32 to vector<16xf32>
        %mul3A_632 = arith.mulf %add3A_629, %mul3A_631 : vector<16xf32>
        %swap3A_633 = arith.constant 1 : i32
        %swap3A_634 = arith.index_cast %swap3A_633 : i32 to index
        %swap3A_635 = arith.index_cast %scan3A_173 : i32 to index
        %swap3A_636 = arith.constant 48 : index
        %swap3A_637 = tpu.vector_load %arg5[%swap3A_634, %swap3A_635, %swap3A_636] {strides = array<i32>} : memref<2x40x128xf32, #tpu.memory_space<vmem>>, vector<1x1x16xf32>,
        %swap3A_638 = vector.shape_cast %swap3A_637 : vector<1x1x16xf32> to vector<16xf32>
        %swap3A_639 = vector.shape_cast %mul3A_632 : vector<16xf32> to vector<1x1x16xf32>
        tpu.vector_store %arg5[%swap3A_634, %swap3A_635, %swap3A_636], %swap3A_639 {strides = array<i32>} : memref<2x40x128xf32, #tpu.memory_space<vmem>>, vector<1x1x16xf32>,
        %mul3A_640 = arith.constant 10 : i32
        %mul3A_641 = arith.muli %scan3A_173, %mul3A_640 : i32
        %get3A_642 = arith.constant 1 : i32
        %get3A_643 = arith.index_cast %get3A_642 : i32 to index
        %get3A_644 = arith.index_cast %mul3A_641 : i32 to index
        %get3A_645 = arith.constant 64 : index
        %get3A_646 = tpu.vector_load %arg4[%get3A_643, %get3A_644, %get3A_645] {strides = array<i32>} : memref<2x400x128xf32, #tpu.memory_space<vmem>>, vector<1x1x16xf32>,
        %get3A_647 = vector.shape_cast %get3A_646 : vector<1x1x16xf32> to vector<16xf32>
        %mul3A_648 = arith.constant 10 : i32
        %mul3A_649 = arith.muli %scan3A_173, %mul3A_648 : i32
        %add3A_650 = arith.constant 1 : i32
        %add3A_651 = arith.addi %mul3A_649, %add3A_650 : i32
        %get3A_652 = arith.constant 1 : i32
        %get3A_653 = arith.index_cast %get3A_652 : i32 to index
        %get3A_654 = arith.index_cast %add3A_651 : i32 to index
        %get3A_655 = arith.constant 64 : index
        %get3A_656 = tpu.vector_load %arg4[%get3A_653, %get3A_654, %get3A_655] {strides = array<i32>} : memref<2x400x128xf32, #tpu.memory_space<vmem>>, vector<1x1x16xf32>,
        %get3A_657 = vector.shape_cast %get3A_656 : vector<1x1x16xf32> to vector<16xf32>
        %add3A_658 = arith.addf %get3A_647, %get3A_657 : vector<16xf32>
        %mul3A_659 = arith.constant 10 : i32
        %mul3A_660 = arith.muli %scan3A_173, %mul3A_659 : i32
        %add3A_661 = arith.constant 2 : i32
        %add3A_662 = arith.addi %mul3A_660, %add3A_661 : i32
        %get3A_663 = arith.constant 1 : i32
        %get3A_664 = arith.index_cast %get3A_663 : i32 to index
        %get3A_665 = arith.index_cast %add3A_662 : i32 to index
        %get3A_666 = arith.constant 64 : index
        %get3A_667 = tpu.vector_load %arg4[%get3A_664, %get3A_665, %get3A_666] {strides = array<i32>} : memref<2x400x128xf32, #tpu.memory_space<vmem>>, vector<1x1x16xf32>,
        %get3A_668 = vector.shape_cast %get3A_667 : vector<1x1x16xf32> to vector<16xf32>
        %add3A_669 = arith.addf %add3A_658, %get3A_668 : vector<16xf32>
        %mul3A_670 = arith.constant 10 : i32
        %mul3A_671 = arith.muli %scan3A_173, %mul3A_670 : i32
        %add3A_672 = arith.constant 3 : i32
        %add3A_673 = arith.addi %mul3A_671, %add3A_672 : i32
        %get3A_674 = arith.constant 1 : i32
        %get3A_675 = arith.index_cast %get3A_674 : i32 to index
        %get3A_676 = arith.index_cast %add3A_673 : i32 to index
        %get3A_677 = arith.constant 64 : index
        %get3A_678 = tpu.vector_load %arg4[%get3A_675, %get3A_676, %get3A_677] {strides = array<i32>} : memref<2x400x128xf32, #tpu.memory_space<vmem>>, vector<1x1x16xf32>,
        %get3A_679 = vector.shape_cast %get3A_678 : vector<1x1x16xf32> to vector<16xf32>
        %add3A_680 = arith.addf %add3A_669, %get3A_679 : vector<16xf32>
        %mul3A_681 = arith.constant 10 : i32
        %mul3A_682 = arith.muli %scan3A_173, %mul3A_681 : i32
        %add3A_683 = arith.constant 4 : i32
        %add3A_684 = arith.addi %mul3A_682, %add3A_683 : i32
        %get3A_685 = arith.constant 1 : i32
        %get3A_686 = arith.index_cast %get3A_685 : i32 to index
        %get3A_687 = arith.index_cast %add3A_684 : i32 to index
        %get3A_688 = arith.constant 64 : index
        %get3A_689 = tpu.vector_load %arg4[%get3A_686, %get3A_687, %get3A_688] {strides = array<i32>} : memref<2x400x128xf32, #tpu.memory_space<vmem>>, vector<1x1x16xf32>,
        %get3A_690 = vector.shape_cast %get3A_689 : vector<1x1x16xf32> to vector<16xf32>
        %add3A_691 = arith.addf %add3A_680, %get3A_690 : vector<16xf32>
        %mul3A_692 = arith.constant 10 : i32
        %mul3A_693 = arith.muli %scan3A_173, %mul3A_692 : i32
        %add3A_694 = arith.constant 5 : i32
        %add3A_695 = arith.addi %mul3A_693, %add3A_694 : i32
        %get3A_696 = arith.constant 1 : i32
        %get3A_697 = arith.index_cast %get3A_696 : i32 to index
        %get3A_698 = arith.index_cast %add3A_695 : i32 to index
        %get3A_699 = arith.constant 64 : index
        %get3A_700 = tpu.vector_load %arg4[%get3A_697, %get3A_698, %get3A_699] {strides = array<i32>} : memref<2x400x128xf32, #tpu.memory_space<vmem>>, vector<1x1x16xf32>,
        %get3A_701 = vector.shape_cast %get3A_700 : vector<1x1x16xf32> to vector<16xf32>
        %add3A_702 = arith.addf %add3A_691, %get3A_701 : vector<16xf32>
        %mul3A_703 = arith.constant 10 : i32
        %mul3A_704 = arith.muli %scan3A_173, %mul3A_703 : i32
        %add3A_705 = arith.constant 6 : i32
        %add3A_706 = arith.addi %mul3A_704, %add3A_705 : i32
        %get3A_707 = arith.constant 1 : i32
        %get3A_708 = arith.index_cast %get3A_707 : i32 to index
        %get3A_709 = arith.index_cast %add3A_706 : i32 to index
        %get3A_710 = arith.constant 64 : index
        %get3A_711 = tpu.vector_load %arg4[%get3A_708, %get3A_709, %get3A_710] {strides = array<i32>} : memref<2x400x128xf32, #tpu.memory_space<vmem>>, vector<1x1x16xf32>,
        %get3A_712 = vector.shape_cast %get3A_711 : vector<1x1x16xf32> to vector<16xf32>
        %add3A_713 = arith.addf %add3A_702, %get3A_712 : vector<16xf32>
        %mul3A_714 = arith.constant 10 : i32
        %mul3A_715 = arith.muli %scan3A_173, %mul3A_714 : i32
        %add3A_716 = arith.constant 7 : i32
        %add3A_717 = arith.addi %mul3A_715, %add3A_716 : i32
        %get3A_718 = arith.constant 1 : i32
        %get3A_719 = arith.index_cast %get3A_718 : i32 to index
        %get3A_720 = arith.index_cast %add3A_717 : i32 to index
        %get3A_721 = arith.constant 64 : index
        %get3A_722 = tpu.vector_load %arg4[%get3A_719, %get3A_720, %get3A_721] {strides = array<i32>} : memref<2x400x128xf32, #tpu.memory_space<vmem>>, vector<1x1x16xf32>,
        %get3A_723 = vector.shape_cast %get3A_722 : vector<1x1x16xf32> to vector<16xf32>
        %add3A_724 = arith.addf %add3A_713, %get3A_723 : vector<16xf32>
        %mul3A_725 = arith.constant 10 : i32
        %mul3A_726 = arith.muli %scan3A_173, %mul3A_725 : i32
        %add3A_727 = arith.constant 8 : i32
        %add3A_728 = arith.addi %mul3A_726, %add3A_727 : i32
        %get3A_729 = arith.constant 1 : i32
        %get3A_730 = arith.index_cast %get3A_729 : i32 to index
        %get3A_731 = arith.index_cast %add3A_728 : i32 to index
        %get3A_732 = arith.constant 64 : index
        %get3A_733 = tpu.vector_load %arg4[%get3A_730, %get3A_731, %get3A_732] {strides = array<i32>} : memref<2x400x128xf32, #tpu.memory_space<vmem>>, vector<1x1x16xf32>,
        %get3A_734 = vector.shape_cast %get3A_733 : vector<1x1x16xf32> to vector<16xf32>
        %add3A_735 = arith.addf %add3A_724, %get3A_734 : vector<16xf32>
        %mul3A_736 = arith.constant 10 : i32
        %mul3A_737 = arith.muli %scan3A_173, %mul3A_736 : i32
        %add3A_738 = arith.constant 9 : i32
        %add3A_739 = arith.addi %mul3A_737, %add3A_738 : i32
        %get3A_740 = arith.constant 1 : i32
        %get3A_741 = arith.index_cast %get3A_740 : i32 to index
        %get3A_742 = arith.index_cast %add3A_739 : i32 to index
        %get3A_743 = arith.constant 64 : index
        %get3A_744 = tpu.vector_load %arg4[%get3A_741, %get3A_742, %get3A_743] {strides = array<i32>} : memref<2x400x128xf32, #tpu.memory_space<vmem>>, vector<1x1x16xf32>,
        %get3A_745 = vector.shape_cast %get3A_744 : vector<1x1x16xf32> to vector<16xf32>
        %add3A_746 = arith.addf %add3A_735, %get3A_745 : vector<16xf32>
        %mul3A_747 = arith.constant 1.000000e-01 : f32
        %mul3A_748 = vector.broadcast %mul3A_747 : f32 to vector<16xf32>
        %mul3A_749 = arith.mulf %add3A_746, %mul3A_748 : vector<16xf32>
        %swap3A_750 = arith.constant 1 : i32
        %swap3A_751 = arith.index_cast %swap3A_750 : i32 to index
        %swap3A_752 = arith.index_cast %scan3A_173 : i32 to index
        %swap3A_753 = arith.constant 64 : index
        %swap3A_754 = tpu.vector_load %arg5[%swap3A_751, %swap3A_752, %swap3A_753] {strides = array<i32>} : memref<2x40x128xf32, #tpu.memory_space<vmem>>, vector<1x1x16xf32>,
        %swap3A_755 = vector.shape_cast %swap3A_754 : vector<1x1x16xf32> to vector<16xf32>
        %swap3A_756 = vector.shape_cast %mul3A_749 : vector<16xf32> to vector<1x1x16xf32>
        tpu.vector_store %arg5[%swap3A_751, %swap3A_752, %swap3A_753], %swap3A_756 {strides = array<i32>} : memref<2x40x128xf32, #tpu.memory_space<vmem>>, vector<1x1x16xf32>,
        %mul3A_757 = arith.constant 10 : i32
        %mul3A_758 = arith.muli %scan3A_173, %mul3A_757 : i32
        %get3A_759 = arith.constant 1 : i32
        %get3A_760 = arith.index_cast %get3A_759 : i32 to index
        %get3A_761 = arith.index_cast %mul3A_758 : i32 to index
        %get3A_762 = arith.constant 80 : index
        %get3A_763 = tpu.vector_load %arg4[%get3A_760, %get3A_761, %get3A_762] {strides = array<i32>} : memref<2x400x128xf32, #tpu.memory_space<vmem>>, vector<1x1x16xf32>,
        %get3A_764 = vector.shape_cast %get3A_763 : vector<1x1x16xf32> to vector<16xf32>
        %mul3A_765 = arith.constant 10 : i32
        %mul3A_766 = arith.muli %scan3A_173, %mul3A_765 : i32
        %add3A_767 = arith.constant 1 : i32
        %add3A_768 = arith.addi %mul3A_766, %add3A_767 : i32
        %get3A_769 = arith.constant 1 : i32
        %get3A_770 = arith.index_cast %get3A_769 : i32 to index
        %get3A_771 = arith.index_cast %add3A_768 : i32 to index
        %get3A_772 = arith.constant 80 : index
        %get3A_773 = tpu.vector_load %arg4[%get3A_770, %get3A_771, %get3A_772] {strides = array<i32>} : memref<2x400x128xf32, #tpu.memory_space<vmem>>, vector<1x1x16xf32>,
        %get3A_774 = vector.shape_cast %get3A_773 : vector<1x1x16xf32> to vector<16xf32>
        %add3A_775 = arith.addf %get3A_764, %get3A_774 : vector<16xf32>
        %mul3A_776 = arith.constant 10 : i32
        %mul3A_777 = arith.muli %scan3A_173, %mul3A_776 : i32
        %add3A_778 = arith.constant 2 : i32
        %add3A_779 = arith.addi %mul3A_777, %add3A_778 : i32
        %get3A_780 = arith.constant 1 : i32
        %get3A_781 = arith.index_cast %get3A_780 : i32 to index
        %get3A_782 = arith.index_cast %add3A_779 : i32 to index
        %get3A_783 = arith.constant 80 : index
        %get3A_784 = tpu.vector_load %arg4[%get3A_781, %get3A_782, %get3A_783] {strides = array<i32>} : memref<2x400x128xf32, #tpu.memory_space<vmem>>, vector<1x1x16xf32>,
        %get3A_785 = vector.shape_cast %get3A_784 : vector<1x1x16xf32> to vector<16xf32>
        %add3A_786 = arith.addf %add3A_775, %get3A_785 : vector<16xf32>
        %mul3A_787 = arith.constant 10 : i32
        %mul3A_788 = arith.muli %scan3A_173, %mul3A_787 : i32
        %add3A_789 = arith.constant 3 : i32
        %add3A_790 = arith.addi %mul3A_788, %add3A_789 : i32
        %get3A_791 = arith.constant 1 : i32
        %get3A_792 = arith.index_cast %get3A_791 : i32 to index
        %get3A_793 = arith.index_cast %add3A_790 : i32 to index
        %get3A_794 = arith.constant 80 : index
        %get3A_795 = tpu.vector_load %arg4[%get3A_792, %get3A_793, %get3A_794] {strides = array<i32>} : memref<2x400x128xf32, #tpu.memory_space<vmem>>, vector<1x1x16xf32>,
        %get3A_796 = vector.shape_cast %get3A_795 : vector<1x1x16xf32> to vector<16xf32>
        %add3A_797 = arith.addf %add3A_786, %get3A_796 : vector<16xf32>
        %mul3A_798 = arith.constant 10 : i32
        %mul3A_799 = arith.muli %scan3A_173, %mul3A_798 : i32
        %add3A_800 = arith.constant 4 : i32
        %add3A_801 = arith.addi %mul3A_799, %add3A_800 : i32
        %get3A_802 = arith.constant 1 : i32
        %get3A_803 = arith.index_cast %get3A_802 : i32 to index
        %get3A_804 = arith.index_cast %add3A_801 : i32 to index
        %get3A_805 = arith.constant 80 : index
        %get3A_806 = tpu.vector_load %arg4[%get3A_803, %get3A_804, %get3A_805] {strides = array<i32>} : memref<2x400x128xf32, #tpu.memory_space<vmem>>, vector<1x1x16xf32>,
        %get3A_807 = vector.shape_cast %get3A_806 : vector<1x1x16xf32> to vector<16xf32>
        %add3A_808 = arith.addf %add3A_797, %get3A_807 : vector<16xf32>
        %mul3A_809 = arith.constant 10 : i32
        %mul3A_810 = arith.muli %scan3A_173, %mul3A_809 : i32
        %add3A_811 = arith.constant 5 : i32
        %add3A_812 = arith.addi %mul3A_810, %add3A_811 : i32
        %get3A_813 = arith.constant 1 : i32
        %get3A_814 = arith.index_cast %get3A_813 : i32 to index
        %get3A_815 = arith.index_cast %add3A_812 : i32 to index
        %get3A_816 = arith.constant 80 : index
        %get3A_817 = tpu.vector_load %arg4[%get3A_814, %get3A_815, %get3A_816] {strides = array<i32>} : memref<2x400x128xf32, #tpu.memory_space<vmem>>, vector<1x1x16xf32>,
        %get3A_818 = vector.shape_cast %get3A_817 : vector<1x1x16xf32> to vector<16xf32>
        %add3A_819 = arith.addf %add3A_808, %get3A_818 : vector<16xf32>
        %mul3A_820 = arith.constant 10 : i32
        %mul3A_821 = arith.muli %scan3A_173, %mul3A_820 : i32
        %add3A_822 = arith.constant 6 : i32
        %add3A_823 = arith.addi %mul3A_821, %add3A_822 : i32
        %get3A_824 = arith.constant 1 : i32
        %get3A_825 = arith.index_cast %get3A_824 : i32 to index
        %get3A_826 = arith.index_cast %add3A_823 : i32 to index
        %get3A_827 = arith.constant 80 : index
        %get3A_828 = tpu.vector_load %arg4[%get3A_825, %get3A_826, %get3A_827] {strides = array<i32>} : memref<2x400x128xf32, #tpu.memory_space<vmem>>, vector<1x1x16xf32>,
        %get3A_829 = vector.shape_cast %get3A_828 : vector<1x1x16xf32> to vector<16xf32>
        %add3A_830 = arith.addf %add3A_819, %get3A_829 : vector<16xf32>
        %mul3A_831 = arith.constant 10 : i32
        %mul3A_832 = arith.muli %scan3A_173, %mul3A_831 : i32
        %add3A_833 = arith.constant 7 : i32
        %add3A_834 = arith.addi %mul3A_832, %add3A_833 : i32
        %get3A_835 = arith.constant 1 : i32
        %get3A_836 = arith.index_cast %get3A_835 : i32 to index
        %get3A_837 = arith.index_cast %add3A_834 : i32 to index
        %get3A_838 = arith.constant 80 : index
        %get3A_839 = tpu.vector_load %arg4[%get3A_836, %get3A_837, %get3A_838] {strides = array<i32>} : memref<2x400x128xf32, #tpu.memory_space<vmem>>, vector<1x1x16xf32>,
        %get3A_840 = vector.shape_cast %get3A_839 : vector<1x1x16xf32> to vector<16xf32>
        %add3A_841 = arith.addf %add3A_830, %get3A_840 : vector<16xf32>
        %mul3A_842 = arith.constant 10 : i32
        %mul3A_843 = arith.muli %scan3A_173, %mul3A_842 : i32
        %add3A_844 = arith.constant 8 : i32
        %add3A_845 = arith.addi %mul3A_843, %add3A_844 : i32
        %get3A_846 = arith.constant 1 : i32
        %get3A_847 = arith.index_cast %get3A_846 : i32 to index
        %get3A_848 = arith.index_cast %add3A_845 : i32 to index
        %get3A_849 = arith.constant 80 : index
        %get3A_850 = tpu.vector_load %arg4[%get3A_847, %get3A_848, %get3A_849] {strides = array<i32>} : memref<2x400x128xf32, #tpu.memory_space<vmem>>, vector<1x1x16xf32>,
        %get3A_851 = vector.shape_cast %get3A_850 : vector<1x1x16xf32> to vector<16xf32>
        %add3A_852 = arith.addf %add3A_841, %get3A_851 : vector<16xf32>
        %mul3A_853 = arith.constant 10 : i32
        %mul3A_854 = arith.muli %scan3A_173, %mul3A_853 : i32
        %add3A_855 = arith.constant 9 : i32
        %add3A_856 = arith.addi %mul3A_854, %add3A_855 : i32
        %get3A_857 = arith.constant 1 : i32
        %get3A_858 = arith.index_cast %get3A_857 : i32 to index
        %get3A_859 = arith.index_cast %add3A_856 : i32 to index
        %get3A_860 = arith.constant 80 : index
        %get3A_861 = tpu.vector_load %arg4[%get3A_858, %get3A_859, %get3A_860] {strides = array<i32>} : memref<2x400x128xf32, #tpu.memory_space<vmem>>, vector<1x1x16xf32>,
        %get3A_862 = vector.shape_cast %get3A_861 : vector<1x1x16xf32> to vector<16xf32>
        %add3A_863 = arith.addf %add3A_852, %get3A_862 : vector<16xf32>
        %mul3A_864 = arith.constant 1.000000e-01 : f32
        %mul3A_865 = vector.broadcast %mul3A_864 : f32 to vector<16xf32>
        %mul3A_866 = arith.mulf %add3A_863, %mul3A_865 : vector<16xf32>
        %swap3A_867 = arith.constant 1 : i32
        %swap3A_868 = arith.index_cast %swap3A_867 : i32 to index
        %swap3A_869 = arith.index_cast %scan3A_173 : i32 to index
        %swap3A_870 = arith.constant 80 : index
        %swap3A_871 = tpu.vector_load %arg5[%swap3A_868, %swap3A_869, %swap3A_870] {strides = array<i32>} : memref<2x40x128xf32, #tpu.memory_space<vmem>>, vector<1x1x16xf32>,
        %swap3A_872 = vector.shape_cast %swap3A_871 : vector<1x1x16xf32> to vector<16xf32>
        %swap3A_873 = vector.shape_cast %mul3A_866 : vector<16xf32> to vector<1x1x16xf32>
        tpu.vector_store %arg5[%swap3A_868, %swap3A_869, %swap3A_870], %swap3A_873 {strides = array<i32>} : memref<2x40x128xf32, #tpu.memory_space<vmem>>, vector<1x1x16xf32>,
        %mul3A_874 = arith.constant 10 : i32
        %mul3A_875 = arith.muli %scan3A_173, %mul3A_874 : i32
        %get3A_876 = arith.constant 1 : i32
        %get3A_877 = arith.index_cast %get3A_876 : i32 to index
        %get3A_878 = arith.index_cast %mul3A_875 : i32 to index
        %get3A_879 = arith.constant 96 : index
        %get3A_880 = tpu.vector_load %arg4[%get3A_877, %get3A_878, %get3A_879] {strides = array<i32>} : memref<2x400x128xf32, #tpu.memory_space<vmem>>, vector<1x1x16xf32>,
        %get3A_881 = vector.shape_cast %get3A_880 : vector<1x1x16xf32> to vector<16xf32>
        %mul3A_882 = arith.constant 10 : i32
        %mul3A_883 = arith.muli %scan3A_173, %mul3A_882 : i32
        %add3A_884 = arith.constant 1 : i32
        %add3A_885 = arith.addi %mul3A_883, %add3A_884 : i32
        %get3A_886 = arith.constant 1 : i32
        %get3A_887 = arith.index_cast %get3A_886 : i32 to index
        %get3A_888 = arith.index_cast %add3A_885 : i32 to index
        %get3A_889 = arith.constant 96 : index
        %get3A_890 = tpu.vector_load %arg4[%get3A_887, %get3A_888, %get3A_889] {strides = array<i32>} : memref<2x400x128xf32, #tpu.memory_space<vmem>>, vector<1x1x16xf32>,
        %get3A_891 = vector.shape_cast %get3A_890 : vector<1x1x16xf32> to vector<16xf32>
        %add3A_892 = arith.addf %get3A_881, %get3A_891 : vector<16xf32>
        %mul3A_893 = arith.constant 10 : i32
        %mul3A_894 = arith.muli %scan3A_173, %mul3A_893 : i32
        %add3A_895 = arith.constant 2 : i32
        %add3A_896 = arith.addi %mul3A_894, %add3A_895 : i32
        %get3A_897 = arith.constant 1 : i32
        %get3A_898 = arith.index_cast %get3A_897 : i32 to index
        %get3A_899 = arith.index_cast %add3A_896 : i32 to index
        %get3A_900 = arith.constant 96 : index
        %get3A_901 = tpu.vector_load %arg4[%get3A_898, %get3A_899, %get3A_900] {strides = array<i32>} : memref<2x400x128xf32, #tpu.memory_space<vmem>>, vector<1x1x16xf32>,
        %get3A_902 = vector.shape_cast %get3A_901 : vector<1x1x16xf32> to vector<16xf32>
        %add3A_903 = arith.addf %add3A_892, %get3A_902 : vector<16xf32>
        %mul3A_904 = arith.constant 10 : i32
        %mul3A_905 = arith.muli %scan3A_173, %mul3A_904 : i32
        %add3A_906 = arith.constant 3 : i32
        %add3A_907 = arith.addi %mul3A_905, %add3A_906 : i32
        %get3A_908 = arith.constant 1 : i32
        %get3A_909 = arith.index_cast %get3A_908 : i32 to index
        %get3A_910 = arith.index_cast %add3A_907 : i32 to index
        %get3A_911 = arith.constant 96 : index
        %get3A_912 = tpu.vector_load %arg4[%get3A_909, %get3A_910, %get3A_911] {strides = array<i32>} : memref<2x400x128xf32, #tpu.memory_space<vmem>>, vector<1x1x16xf32>,
        %get3A_913 = vector.shape_cast %get3A_912 : vector<1x1x16xf32> to vector<16xf32>
        %add3A_914 = arith.addf %add3A_903, %get3A_913 : vector<16xf32>
        %mul3A_915 = arith.constant 10 : i32
        %mul3A_916 = arith.muli %scan3A_173, %mul3A_915 : i32
        %add3A_917 = arith.constant 4 : i32
        %add3A_918 = arith.addi %mul3A_916, %add3A_917 : i32
        %get3A_919 = arith.constant 1 : i32
        %get3A_920 = arith.index_cast %get3A_919 : i32 to index
        %get3A_921 = arith.index_cast %add3A_918 : i32 to index
        %get3A_922 = arith.constant 96 : index
        %get3A_923 = tpu.vector_load %arg4[%get3A_920, %get3A_921, %get3A_922] {strides = array<i32>} : memref<2x400x128xf32, #tpu.memory_space<vmem>>, vector<1x1x16xf32>,
        %get3A_924 = vector.shape_cast %get3A_923 : vector<1x1x16xf32> to vector<16xf32>
        %add3A_925 = arith.addf %add3A_914, %get3A_924 : vector<16xf32>
        %mul3A_926 = arith.constant 10 : i32
        %mul3A_927 = arith.muli %scan3A_173, %mul3A_926 : i32
        %add3A_928 = arith.constant 5 : i32
        %add3A_929 = arith.addi %mul3A_927, %add3A_928 : i32
        %get3A_930 = arith.constant 1 : i32
        %get3A_931 = arith.index_cast %get3A_930 : i32 to index
        %get3A_932 = arith.index_cast %add3A_929 : i32 to index
        %get3A_933 = arith.constant 96 : index
        %get3A_934 = tpu.vector_load %arg4[%get3A_931, %get3A_932, %get3A_933] {strides = array<i32>} : memref<2x400x128xf32, #tpu.memory_space<vmem>>, vector<1x1x16xf32>,
        %get3A_935 = vector.shape_cast %get3A_934 : vector<1x1x16xf32> to vector<16xf32>
        %add3A_936 = arith.addf %add3A_925, %get3A_935 : vector<16xf32>
        %mul3A_937 = arith.constant 10 : i32
        %mul3A_938 = arith.muli %scan3A_173, %mul3A_937 : i32
        %add3A_939 = arith.constant 6 : i32
        %add3A_940 = arith.addi %mul3A_938, %add3A_939 : i32
        %get3A_941 = arith.constant 1 : i32
        %get3A_942 = arith.index_cast %get3A_941 : i32 to index
        %get3A_943 = arith.index_cast %add3A_940 : i32 to index
        %get3A_944 = arith.constant 96 : index
        %get3A_945 = tpu.vector_load %arg4[%get3A_942, %get3A_943, %get3A_944] {strides = array<i32>} : memref<2x400x128xf32, #tpu.memory_space<vmem>>, vector<1x1x16xf32>,
        %get3A_946 = vector.shape_cast %get3A_945 : vector<1x1x16xf32> to vector<16xf32>
        %add3A_947 = arith.addf %add3A_936, %get3A_946 : vector<16xf32>
        %mul3A_948 = arith.constant 10 : i32
        %mul3A_949 = arith.muli %scan3A_173, %mul3A_948 : i32
        %add3A_950 = arith.constant 7 : i32
        %add3A_951 = arith.addi %mul3A_949, %add3A_950 : i32
        %get3A_952 = arith.constant 1 : i32
        %get3A_953 = arith.index_cast %get3A_952 : i32 to index
        %get3A_954 = arith.index_cast %add3A_951 : i32 to index
        %get3A_955 = arith.constant 96 : index
        %get3A_956 = tpu.vector_load %arg4[%get3A_953, %get3A_954, %get3A_955] {strides = array<i32>} : memref<2x400x128xf32, #tpu.memory_space<vmem>>, vector<1x1x16xf32>,
        %get3A_957 = vector.shape_cast %get3A_956 : vector<1x1x16xf32> to vector<16xf32>
        %add3A_958 = arith.addf %add3A_947, %get3A_957 : vector<16xf32>
        %mul3A_959 = arith.constant 10 : i32
        %mul3A_960 = arith.muli %scan3A_173, %mul3A_959 : i32
        %add3A_961 = arith.constant 8 : i32
        %add3A_962 = arith.addi %mul3A_960, %add3A_961 : i32
        %get3A_963 = arith.constant 1 : i32
        %get3A_964 = arith.index_cast %get3A_963 : i32 to index
        %get3A_965 = arith.index_cast %add3A_962 : i32 to index
        %get3A_966 = arith.constant 96 : index
        %get3A_967 = tpu.vector_load %arg4[%get3A_964, %get3A_965, %get3A_966] {strides = array<i32>} : memref<2x400x128xf32, #tpu.memory_space<vmem>>, vector<1x1x16xf32>,
        %get3A_968 = vector.shape_cast %get3A_967 : vector<1x1x16xf32> to vector<16xf32>
        %add3A_969 = arith.addf %add3A_958, %get3A_968 : vector<16xf32>
        %mul3A_970 = arith.constant 10 : i32
        %mul3A_971 = arith.muli %scan3A_173, %mul3A_970 : i32
        %add3A_972 = arith.constant 9 : i32
        %add3A_973 = arith.addi %mul3A_971, %add3A_972 : i32
        %get3A_974 = arith.constant 1 : i32
        %get3A_975 = arith.index_cast %get3A_974 : i32 to index
        %get3A_976 = arith.index_cast %add3A_973 : i32 to index
        %get3A_977 = arith.constant 96 : index
        %get3A_978 = tpu.vector_load %arg4[%get3A_975, %get3A_976, %get3A_977] {strides = array<i32>} : memref<2x400x128xf32, #tpu.memory_space<vmem>>, vector<1x1x16xf32>,
        %get3A_979 = vector.shape_cast %get3A_978 : vector<1x1x16xf32> to vector<16xf32>
        %add3A_980 = arith.addf %add3A_969, %get3A_979 : vector<16xf32>
        %mul3A_981 = arith.constant 1.000000e-01 : f32
        %mul3A_982 = vector.broadcast %mul3A_981 : f32 to vector<16xf32>
        %mul3A_983 = arith.mulf %add3A_980, %mul3A_982 : vector<16xf32>
        %swap3A_984 = arith.constant 1 : i32
        %swap3A_985 = arith.index_cast %swap3A_984 : i32 to index
        %swap3A_986 = arith.index_cast %scan3A_173 : i32 to index
        %swap3A_987 = arith.constant 96 : index
        %swap3A_988 = tpu.vector_load %arg5[%swap3A_985, %swap3A_986, %swap3A_987] {strides = array<i32>} : memref<2x40x128xf32, #tpu.memory_space<vmem>>, vector<1x1x16xf32>,
        %swap3A_989 = vector.shape_cast %swap3A_988 : vector<1x1x16xf32> to vector<16xf32>
        %swap3A_990 = vector.shape_cast %mul3A_983 : vector<16xf32> to vector<1x1x16xf32>
        tpu.vector_store %arg5[%swap3A_985, %swap3A_986, %swap3A_987], %swap3A_990 {strides = array<i32>} : memref<2x40x128xf32, #tpu.memory_space<vmem>>, vector<1x1x16xf32>,
        %mul3A_991 = arith.constant 10 : i32
        %mul3A_992 = arith.muli %scan3A_173, %mul3A_991 : i32
        %get3A_993 = arith.constant 1 : i32
        %get3A_994 = arith.index_cast %get3A_993 : i32 to index
        %get3A_995 = arith.index_cast %mul3A_992 : i32 to index
        %get3A_996 = arith.constant 112 : index
        %get3A_997 = tpu.vector_load %arg4[%get3A_994, %get3A_995, %get3A_996] {strides = array<i32>} : memref<2x400x128xf32, #tpu.memory_space<vmem>>, vector<1x1x16xf32>,
        %get3A_998 = vector.shape_cast %get3A_997 : vector<1x1x16xf32> to vector<16xf32>
        %mul3A_999 = arith.constant 10 : i32
        %mul3A_1000 = arith.muli %scan3A_173, %mul3A_999 : i32
        %add3A_1001 = arith.constant 1 : i32
        %add3A_1002 = arith.addi %mul3A_1000, %add3A_1001 : i32
        %get3A_1003 = arith.constant 1 : i32
        %get3A_1004 = arith.index_cast %get3A_1003 : i32 to index
        %get3A_1005 = arith.index_cast %add3A_1002 : i32 to index
        %get3A_1006 = arith.constant 112 : index
        %get3A_1007 = tpu.vector_load %arg4[%get3A_1004, %get3A_1005, %get3A_1006] {strides = array<i32>} : memref<2x400x128xf32, #tpu.memory_space<vmem>>, vector<1x1x16xf32>,
        %get3A_1008 = vector.shape_cast %get3A_1007 : vector<1x1x16xf32> to vector<16xf32>
        %add3A_1009 = arith.addf %get3A_998, %get3A_1008 : vector<16xf32>
        %mul3A_1010 = arith.constant 10 : i32
        %mul3A_1011 = arith.muli %scan3A_173, %mul3A_1010 : i32
        %add3A_1012 = arith.constant 2 : i32
        %add3A_1013 = arith.addi %mul3A_1011, %add3A_1012 : i32
        %get3A_1014 = arith.constant 1 : i32
        %get3A_1015 = arith.index_cast %get3A_1014 : i32 to index
        %get3A_1016 = arith.index_cast %add3A_1013 : i32 to index
        %get3A_1017 = arith.constant 112 : index
        %get3A_1018 = tpu.vector_load %arg4[%get3A_1015, %get3A_1016, %get3A_1017] {strides = array<i32>} : memref<2x400x128xf32, #tpu.memory_space<vmem>>, vector<1x1x16xf32>,
        %get3A_1019 = vector.shape_cast %get3A_1018 : vector<1x1x16xf32> to vector<16xf32>
        %add3A_1020 = arith.addf %add3A_1009, %get3A_1019 : vector<16xf32>
        %mul3A_1021 = arith.constant 10 : i32
        %mul3A_1022 = arith.muli %scan3A_173, %mul3A_1021 : i32
        %add3A_1023 = arith.constant 3 : i32
        %add3A_1024 = arith.addi %mul3A_1022, %add3A_1023 : i32
        %get3A_1025 = arith.constant 1 : i32
        %get3A_1026 = arith.index_cast %get3A_1025 : i32 to index
        %get3A_1027 = arith.index_cast %add3A_1024 : i32 to index
        %get3A_1028 = arith.constant 112 : index
        %get3A_1029 = tpu.vector_load %arg4[%get3A_1026, %get3A_1027, %get3A_1028] {strides = array<i32>} : memref<2x400x128xf32, #tpu.memory_space<vmem>>, vector<1x1x16xf32>,
        %get3A_1030 = vector.shape_cast %get3A_1029 : vector<1x1x16xf32> to vector<16xf32>
        %add3A_1031 = arith.addf %add3A_1020, %get3A_1030 : vector<16xf32>
        %mul3A_1032 = arith.constant 10 : i32
        %mul3A_1033 = arith.muli %scan3A_173, %mul3A_1032 : i32
        %add3A_1034 = arith.constant 4 : i32
        %add3A_1035 = arith.addi %mul3A_1033, %add3A_1034 : i32
        %get3A_1036 = arith.constant 1 : i32
        %get3A_1037 = arith.index_cast %get3A_1036 : i32 to index
        %get3A_1038 = arith.index_cast %add3A_1035 : i32 to index
        %get3A_1039 = arith.constant 112 : index
        %get3A_1040 = tpu.vector_load %arg4[%get3A_1037, %get3A_1038, %get3A_1039] {strides = array<i32>} : memref<2x400x128xf32, #tpu.memory_space<vmem>>, vector<1x1x16xf32>,
        %get3A_1041 = vector.shape_cast %get3A_1040 : vector<1x1x16xf32> to vector<16xf32>
        %add3A_1042 = arith.addf %add3A_1031, %get3A_1041 : vector<16xf32>
        %mul3A_1043 = arith.constant 10 : i32
        %mul3A_1044 = arith.muli %scan3A_173, %mul3A_1043 : i32
        %add3A_1045 = arith.constant 5 : i32
        %add3A_1046 = arith.addi %mul3A_1044, %add3A_1045 : i32
        %get3A_1047 = arith.constant 1 : i32
        %get3A_1048 = arith.index_cast %get3A_1047 : i32 to index
        %get3A_1049 = arith.index_cast %add3A_1046 : i32 to index
        %get3A_1050 = arith.constant 112 : index
        %get3A_1051 = tpu.vector_load %arg4[%get3A_1048, %get3A_1049, %get3A_1050] {strides = array<i32>} : memref<2x400x128xf32, #tpu.memory_space<vmem>>, vector<1x1x16xf32>,
        %get3A_1052 = vector.shape_cast %get3A_1051 : vector<1x1x16xf32> to vector<16xf32>
        %add3A_1053 = arith.addf %add3A_1042, %get3A_1052 : vector<16xf32>
        %mul3A_1054 = arith.constant 10 : i32
        %mul3A_1055 = arith.muli %scan3A_173, %mul3A_1054 : i32
        %add3A_1056 = arith.constant 6 : i32
        %add3A_1057 = arith.addi %mul3A_1055, %add3A_1056 : i32
        %get3A_1058 = arith.constant 1 : i32
        %get3A_1059 = arith.index_cast %get3A_1058 : i32 to index
        %get3A_1060 = arith.index_cast %add3A_1057 : i32 to index
        %get3A_1061 = arith.constant 112 : index
        %get3A_1062 = tpu.vector_load %arg4[%get3A_1059, %get3A_1060, %get3A_1061] {strides = array<i32>} : memref<2x400x128xf32, #tpu.memory_space<vmem>>, vector<1x1x16xf32>,
        %get3A_1063 = vector.shape_cast %get3A_1062 : vector<1x1x16xf32> to vector<16xf32>
        %add3A_1064 = arith.addf %add3A_1053, %get3A_1063 : vector<16xf32>
        %mul3A_1065 = arith.constant 10 : i32
        %mul3A_1066 = arith.muli %scan3A_173, %mul3A_1065 : i32
        %add3A_1067 = arith.constant 7 : i32
        %add3A_1068 = arith.addi %mul3A_1066, %add3A_1067 : i32
        %get3A_1069 = arith.constant 1 : i32
        %get3A_1070 = arith.index_cast %get3A_1069 : i32 to index
        %get3A_1071 = arith.index_cast %add3A_1068 : i32 to index
        %get3A_1072 = arith.constant 112 : index
        %get3A_1073 = tpu.vector_load %arg4[%get3A_1070, %get3A_1071, %get3A_1072] {strides = array<i32>} : memref<2x400x128xf32, #tpu.memory_space<vmem>>, vector<1x1x16xf32>,
        %get3A_1074 = vector.shape_cast %get3A_1073 : vector<1x1x16xf32> to vector<16xf32>
        %add3A_1075 = arith.addf %add3A_1064, %get3A_1074 : vector<16xf32>
        %mul3A_1076 = arith.constant 10 : i32
        %mul3A_1077 = arith.muli %scan3A_173, %mul3A_1076 : i32
        %add3A_1078 = arith.constant 8 : i32
        %add3A_1079 = arith.addi %mul3A_1077, %add3A_1078 : i32
        %get3A_1080 = arith.constant 1 : i32
        %get3A_1081 = arith.index_cast %get3A_1080 : i32 to index
        %get3A_1082 = arith.index_cast %add3A_1079 : i32 to index
        %get3A_1083 = arith.constant 112 : index
        %get3A_1084 = tpu.vector_load %arg4[%get3A_1081, %get3A_1082, %get3A_1083] {strides = array<i32>} : memref<2x400x128xf32, #tpu.memory_space<vmem>>, vector<1x1x16xf32>,
        %get3A_1085 = vector.shape_cast %get3A_1084 : vector<1x1x16xf32> to vector<16xf32>
        %add3A_1086 = arith.addf %add3A_1075, %get3A_1085 : vector<16xf32>
        %mul3A_1087 = arith.constant 10 : i32
        %mul3A_1088 = arith.muli %scan3A_173, %mul3A_1087 : i32
        %add3A_1089 = arith.constant 9 : i32
        %add3A_1090 = arith.addi %mul3A_1088, %add3A_1089 : i32
        %get3A_1091 = arith.constant 1 : i32
        %get3A_1092 = arith.index_cast %get3A_1091 : i32 to index
        %get3A_1093 = arith.index_cast %add3A_1090 : i32 to index
        %get3A_1094 = arith.constant 112 : index
        %get3A_1095 = tpu.vector_load %arg4[%get3A_1092, %get3A_1093, %get3A_1094] {strides = array<i32>} : memref<2x400x128xf32, #tpu.memory_space<vmem>>, vector<1x1x16xf32>,
        %get3A_1096 = vector.shape_cast %get3A_1095 : vector<1x1x16xf32> to vector<16xf32>
        %add3A_1097 = arith.addf %add3A_1086, %get3A_1096 : vector<16xf32>
        %mul3A_1098 = arith.constant 1.000000e-01 : f32
        %mul3A_1099 = vector.broadcast %mul3A_1098 : f32 to vector<16xf32>
        %mul3A_1100 = arith.mulf %add3A_1097, %mul3A_1099 : vector<16xf32>
        %swap3A_1101 = arith.constant 1 : i32
        %swap3A_1102 = arith.index_cast %swap3A_1101 : i32 to index
        %swap3A_1103 = arith.index_cast %scan3A_173 : i32 to index
        %swap3A_1104 = arith.constant 112 : index
        %swap3A_1105 = tpu.vector_load %arg5[%swap3A_1102, %swap3A_1103, %swap3A_1104] {strides = array<i32>} : memref<2x40x128xf32, #tpu.memory_space<vmem>>, vector<1x1x16xf32>,
        %swap3A_1106 = vector.shape_cast %swap3A_1105 : vector<1x1x16xf32> to vector<16xf32>
        %swap3A_1107 = vector.shape_cast %mul3A_1100 : vector<16xf32> to vector<1x1x16xf32>
        tpu.vector_store %arg5[%swap3A_1102, %swap3A_1103, %swap3A_1104], %swap3A_1107 {strides = array<i32>} : memref<2x40x128xf32, #tpu.memory_space<vmem>>, vector<1x1x16xf32>,
      }
      %scan3A_149 = arith.constant 40 : i32
      %mul3A_150 = arith.constant 40 : i32
      %mul3A_151 = arith.muli %add3A_122, %mul3A_150 : i32
      %add3A_152 = arith.addi %mul3A_4, %mul3A_151 : i32
      %dma_start3A_153 = arith.constant 1 : i32
      %dma_start3A_154 = arith.constant 0 : i32
      %dma_start3A_155 = arith.constant 0 : i32
      %dma_start3A_156 = tpu.memref_slice %arg5[%dma_start3A_153, %dma_start3A_154, %dma_start3A_155] : memref<2x40x128xf32, #tpu.memory_space<vmem>> -> memref<1x40x128xf32, #tpu.memory_space<vmem>>
      %dma_start3A_157 = tpu.memref_squeeze %dma_start3A_156 : memref<1x40x128xf32, #tpu.memory_space<vmem>> -> memref<40x128xf32, #tpu.memory_space<vmem>>
      %dma_start3A_158 = arith.constant 0 : i32
      %dma_start3A_159 = tpu.memref_slice %arg3[%add3A_152, %dma_start3A_158] : memref<25600x128xf32, #tpu.memory_space<hbm>> -> memref<40x128xf32, #tpu.memory_space<hbm>>
      %dma_start3A_160 = arith.constant 0 : i32
      %dma_start3A_161 = tpu.memref_slice %arg3[%add3A_152, %dma_start3A_160] : memref<25600x128xf32, #tpu.memory_space<hbm>> -> memref<40x128xf32, #tpu.memory_space<hbm>>
      %dma_start3A_162 = arith.constant 0 : i32
      %dma_start3A_163 = arith.constant 0 : i32
      %dma_start3A_164 = tpu.memref_slice %arg5[%dma_start3A_153, %dma_start3A_162, %dma_start3A_163] : memref<2x40x128xf32, #tpu.memory_space<vmem>> -> memref<1x40x128xf32, #tpu.memory_space<vmem>>
      %dma_start3A_165 = tpu.memref_squeeze %dma_start3A_164 : memref<1x40x128xf32, #tpu.memory_space<vmem>> -> memref<40x128xf32, #tpu.memory_space<vmem>>
      tpu.enqueue_dma source(%dma_start3A_165 : memref<40x128xf32, #tpu.memory_space<vmem>>) target(%dma_start3A_161 : memref<40x128xf32, #tpu.memory_space<hbm>>) target_semaphore(%arg7 : memref<!tpu.dma_semaphore, #tpu.memory_space<semaphore_mem>>)
      %add3A_166 = arith.constant 2 : i32
      %add3A_167 = arith.addi %add3A_122, %add3A_166 : i32
      %lt3A_168 = arith.constant 20 : i32
      %lt3A_169 = arith.cmpi slt, %add3A_167, %lt3A_168 : i32
      %convert_element_type3A_170 = arith.extui %lt3A_169 : i1 to i32
      %cond3A_171 = arith.constant 0 : i32
      %cond3A_172 = arith.cmpi ne, %convert_element_type3A_170, %cond3A_171 : i32
      scf.if %cond3A_172 {
        %add3A_173 = arith.constant 2 : i32
        %add3A_174 = arith.addi %add3A_122, %add3A_173 : i32
        %mul3A_175 = arith.constant 400 : i32
        %mul3A_176 = arith.muli %add3A_174, %mul3A_175 : i32
        %add3A_177 = arith.addi %mul3A_2, %mul3A_176 : i32
        %dma_start3A_178 = arith.constant 1 : i32
        %dma_start3A_179 = arith.constant 0 : i32
        %dma_start3A_180 = arith.constant 0 : i32
        %dma_start3A_181 = tpu.memref_slice %arg4[%dma_start3A_178, %dma_start3A_179, %dma_start3A_180] : memref<2x400x128xf32, #tpu.memory_space<vmem>> -> memref<1x400x128xf32, #tpu.memory_space<vmem>>
        %dma_start3A_182 = tpu.memref_squeeze %dma_start3A_181 : memref<1x400x128xf32, #tpu.memory_space<vmem>> -> memref<400x128xf32, #tpu.memory_space<vmem>>
        %dma_start3A_183 = arith.constant 0 : i32
        %dma_start3A_184 = tpu.memref_slice %arg2[%add3A_177, %dma_start3A_183] : memref<256000x128xf32, #tpu.memory_space<hbm>> -> memref<400x128xf32, #tpu.memory_space<hbm>>
        %dma_start3A_185 = arith.constant 0 : i32
        %dma_start3A_186 = arith.constant 0 : i32
        %dma_start3A_187 = tpu.memref_slice %arg4[%dma_start3A_178, %dma_start3A_185, %dma_start3A_186] : memref<2x400x128xf32, #tpu.memory_space<vmem>> -> memref<1x400x128xf32, #tpu.memory_space<vmem>>
        %dma_start3A_188 = tpu.memref_squeeze %dma_start3A_187 : memref<1x400x128xf32, #tpu.memory_space<vmem>> -> memref<400x128xf32, #tpu.memory_space<vmem>>
        %dma_start3A_189 = arith.constant 0 : i32
        %dma_start3A_190 = tpu.memref_slice %arg2[%add3A_177, %dma_start3A_189] : memref<256000x128xf32, #tpu.memory_space<hbm>> -> memref<400x128xf32, #tpu.memory_space<hbm>>
        tpu.enqueue_dma source(%dma_start3A_190 : memref<400x128xf32, #tpu.memory_space<hbm>>) target(%dma_start3A_188 : memref<400x128xf32, #tpu.memory_space<vmem>>) target_semaphore(%arg6 : memref<!tpu.dma_semaphore, #tpu.memory_space<semaphore_mem>>)
      } else {
      }
    }
    %scan3A_38 = arith.constant 10 : i32
    %add3A_39 = arith.constant 720 : i32
    %add3A_40 = arith.addi %mul3A_4, %add3A_39 : i32
    %dma_wait3A = arith.constant 0 : i32
    %dma_wait3A_41 = arith.constant 0 : i32
    %dma_wait3A_42 = arith.constant 0 : i32
    %dma_wait3A_43 = tpu.memref_slice %arg5[%dma_wait3A, %dma_wait3A_41, %dma_wait3A_42] : memref<2x40x128xf32, #tpu.memory_space<vmem>> -> memref<1x40x128xf32, #tpu.memory_space<vmem>>
    %dma_wait3A_44 = tpu.memref_squeeze %dma_wait3A_43 : memref<1x40x128xf32, #tpu.memory_space<vmem>> -> memref<40x128xf32, #tpu.memory_space<vmem>>
    %dma_wait3A_45 = arith.constant 0 : i32
    %dma_wait3A_46 = tpu.memref_slice %arg3[%add3A_40, %dma_wait3A_45] : memref<25600x128xf32, #tpu.memory_space<hbm>> -> memref<40x128xf32, #tpu.memory_space<hbm>>
    %dma_wait3A_47 = arith.constant 0 : i32
    %dma_wait3A_48 = tpu.memref_slice %arg3[%add3A_40, %dma_wait3A_47] : memref<25600x128xf32, #tpu.memory_space<hbm>> -> memref<40x128xf32, #tpu.memory_space<hbm>>
    %dma_wait3A_49 = arith.constant 0 : i32
    %dma_wait3A_50 = arith.constant 0 : i32
    %dma_wait3A_51 = tpu.memref_slice %arg5[%dma_wait3A, %dma_wait3A_49, %dma_wait3A_50] : memref<2x40x128xf32, #tpu.memory_space<vmem>> -> memref<1x40x128xf32, #tpu.memory_space<vmem>>
    %dma_wait3A_52 = tpu.memref_squeeze %dma_wait3A_51 : memref<1x40x128xf32, #tpu.memory_space<vmem>> -> memref<40x128xf32, #tpu.memory_space<vmem>>
    tpu.wait_dma2 semaphore(%arg7 : memref<!tpu.dma_semaphore, #tpu.memory_space<semaphore_mem>>) src(%dma_wait3A_52 : memref<40x128xf32, #tpu.memory_space<vmem>>) dst(%dma_wait3A_48 : memref<40x128xf32, #tpu.memory_space<hbm>>)
    %add3A_53 = arith.constant 760 : i32
    %add3A_54 = arith.addi %mul3A_4, %add3A_53 : i32
    %dma_wait3A_55 = arith.constant 1 : i32
    %dma_wait3A_56 = arith.constant 0 : i32
    %dma_wait3A_57 = arith.constant 0 : i32
    %dma_wait3A_58 = tpu.memref_slice %arg5[%dma_wait3A_55, %dma_wait3A_56, %dma_wait3A_57] : memref<2x40x128xf32, #tpu.memory_space<vmem>> -> memref<1x40x128xf32, #tpu.memory_space<vmem>>
    %dma_wait3A_59 = tpu.memref_squeeze %dma_wait3A_58 : memref<1x40x128xf32, #tpu.memory_space<vmem>> -> memref<40x128xf32, #tpu.memory_space<vmem>>
    %dma_wait3A_60 = arith.constant 0 : i32
    %dma_wait3A_61 = tpu.memref_slice %arg3[%add3A_54, %dma_wait3A_60] : memref<25600x128xf32, #tpu.memory_space<hbm>> -> memref<40x128xf32, #tpu.memory_space<hbm>>
    %dma_wait3A_62 = arith.constant 0 : i32
    %dma_wait3A_63 = tpu.memref_slice %arg3[%add3A_54, %dma_wait3A_62] : memref<25600x128xf32, #tpu.memory_space<hbm>> -> memref<40x128xf32, #tpu.memory_space<hbm>>
    %dma_wait3A_64 = arith.constant 0 : i32
    %dma_wait3A_65 = arith.constant 0 : i32
    %dma_wait3A_66 = tpu.memref_slice %arg5[%dma_wait3A_55, %dma_wait3A_64, %dma_wait3A_65] : memref<2x40x128xf32, #tpu.memory_space<vmem>> -> memref<1x40x128xf32, #tpu.memory_space<vmem>>
    %dma_wait3A_67 = tpu.memref_squeeze %dma_wait3A_66 : memref<1x40x128xf32, #tpu.memory_space<vmem>> -> memref<40x128xf32, #tpu.memory_space<vmem>>
    tpu.wait_dma2 semaphore(%arg7 : memref<!tpu.dma_semaphore, #tpu.memory_space<semaphore_mem>>) src(%dma_wait3A_67 : memref<40x128xf32, #tpu.memory_space<vmem>>) dst(%dma_wait3A_63 : memref<40x128xf32, #tpu.memory_space<hbm>>)
    return
  }
}

module attributes {stable_mosaic.version = 14 : i64} {
  func.func @_tc_fused_body(%arg0: i32, %arg1: memref<1024x128xf32, #tpu.memory_space<vmem>>, %arg2: memref<3200x128xf32, #tpu.memory_space<vmem>>, %arg3: memref<3200x128xf32, #tpu.memory_space<vmem>>, %arg4: memref<128x128xf32, #tpu.memory_space<vmem>>, %arg5: memref<128x128xf32, #tpu.memory_space<vmem>>, %arg6: memref<1x128xf32, #tpu.memory_space<vmem>>, %arg7: memref<128x128xf32, #tpu.memory_space<vmem>>, %arg8: memref<128x128xf32, #tpu.memory_space<vmem>>, %arg9: memref<1x128xf32, #tpu.memory_space<vmem>>, %arg10: memref<1024x128xf32, #tpu.memory_space<vmem>>, %arg11: memref<1024x128xf32, #tpu.memory_space<vmem>>, %arg12: memref<1024x128xf32, #tpu.memory_space<vmem>>) attributes {dimension_semantics = [#tpu.dimension_semantics<arbitrary>], iteration_bounds = array<i64: 8>, scalar_prefetch = 0 : i64, scratch_operands = 2 : i64, tpu.core_type = #tpu.core_type<tc>, window_params = [{pipeline_mode = #tpu.pipeline_mode<synchronous>, transform_indices = @transform_0, window_bounds = array<i64: 1024, 128>}, {transform_indices = @transform_1, window_bounds = array<i64: 3200, 128>}, {transform_indices = @transform_2, window_bounds = array<i64: 3200, 128>}, {pipeline_mode = #tpu.pipeline_mode<synchronous>, transform_indices = @transform_3, window_bounds = array<i64: 128, 128>}, {pipeline_mode = #tpu.pipeline_mode<synchronous>, transform_indices = @transform_4, window_bounds = array<i64: 128, 128>}, {pipeline_mode = #tpu.pipeline_mode<synchronous>, transform_indices = @transform_5, window_bounds = array<i64: 1, 128>}, {pipeline_mode = #tpu.pipeline_mode<synchronous>, transform_indices = @transform_6, window_bounds = array<i64: 128, 128>}, {pipeline_mode = #tpu.pipeline_mode<synchronous>, transform_indices = @transform_7, window_bounds = array<i64: 128, 128>}, {pipeline_mode = #tpu.pipeline_mode<synchronous>, transform_indices = @transform_8, window_bounds = array<i64: 1, 128>}, {pipeline_mode = #tpu.pipeline_mode<synchronous>, transform_indices = @transform_9, window_bounds = array<i64: 1024, 128>}]} {
    %get3A = arith.constant 0 : index
    %get3A_0 = arith.constant 0 : index
    %get3A_1 = vector.load %arg2[%get3A, %get3A_0] : memref<3200x128xf32, #tpu.memory_space<vmem>>, vector<3200x128xf32>
    %get3A_2 = arith.constant 0 : index
    %get3A_3 = arith.constant 0 : index
    %get3A_4 = vector.load %arg4[%get3A_2, %get3A_3] : memref<128x128xf32, #tpu.memory_space<vmem>>, vector<128x128xf32>
    %dot_general3A = arith.constant dense<0.000000e+00> : vector<3200x128xf32>
    %dot_general3A_5 = tpu.matmul %get3A_1, %get3A_4, %dot_general3A {dimension_numbers = #tpu.dot_dimension_numbers<[1], [0], [0], [1], [0, 0, 1, 1], [], []>, transpose_lhs_hint = false} : vector<3200x128xf32>, vector<128x128xf32>, vector<3200x128xf32> -> vector<3200x128xf32>
    %get3A_6 = arith.constant 0 : index
    %get3A_7 = arith.constant 0 : index
    %get3A_8 = vector.load %arg3[%get3A_6, %get3A_7] : memref<3200x128xf32, #tpu.memory_space<vmem>>, vector<3200x128xf32>
    %get3A_9 = arith.constant 0 : index
    %get3A_10 = arith.constant 0 : index
    %get3A_11 = vector.load %arg5[%get3A_9, %get3A_10] : memref<128x128xf32, #tpu.memory_space<vmem>>, vector<128x128xf32>
    %dot_general3A_12 = arith.constant dense<0.000000e+00> : vector<3200x128xf32>
    %dot_general3A_13 = tpu.matmul %get3A_8, %get3A_11, %dot_general3A_12 {dimension_numbers = #tpu.dot_dimension_numbers<[1], [0], [0], [1], [0, 0, 1, 1], [], []>, transpose_lhs_hint = false} : vector<3200x128xf32>, vector<128x128xf32>, vector<3200x128xf32> -> vector<3200x128xf32>
    %add3A = arith.addf %dot_general3A_5, %dot_general3A_13 : vector<3200x128xf32>
    %get3A_14 = arith.constant 0 : index
    %get3A_15 = arith.constant 0 : index
    %get3A_16 = vector.load %arg6[%get3A_14, %get3A_15] : memref<1x128xf32, #tpu.memory_space<vmem>>, vector<1x128xf32>
    %add3A_17 = vector.broadcast %get3A_16 : vector<1x128xf32> to vector<3200x128xf32>
    %add3A_18 = arith.addf %add3A, %add3A_17 : vector<3200x128xf32>
    %max3A = arith.constant 0.000000e+00 : f32
    %max3A_19 = vector.broadcast %max3A : f32 to vector<3200x128xf32>
    %max3A_20 = arith.maximumf %add3A_18, %max3A_19 : vector<3200x128xf32>
    %reshape3A = vector.shape_cast %max3A_20 : vector<3200x128xf32> to vector<128x25x128xf32>
    %reduce_sum3A = arith.constant dense<0.000000e+00> : vector<128x128xf32>
    %reduce_sum3A_21 = vector.multi_reduction <add>, %reshape3A, %reduce_sum3A [1] : vector<128x25x128xf32> to vector<128x128xf32>
    %div3A = arith.constant 2.500000e+01 : f32
    %div3A_22 = vector.broadcast %div3A : f32 to vector<128x128xf32>
    %div3A_23 = arith.divf %reduce_sum3A_21, %div3A_22 : vector<128x128xf32>
    %mul3A = arith.constant 128 : i32
    %mul3A_24 = arith.muli %arg0, %mul3A : i32
    %swap3A = arith.index_cast %mul3A_24 : i32 to index
    %swap3A_25 = arith.constant 0 : index
    %swap3A_26 = vector.load %arg11[%swap3A, %swap3A_25] : memref<1024x128xf32, #tpu.memory_space<vmem>>, vector<128x128xf32>
    tpu.vector_store %arg11[%swap3A, %swap3A_25], %div3A_23 {strides = array<i32>} : memref<1024x128xf32, #tpu.memory_space<vmem>>, vector<128x128xf32>,
    %reshape3A_27 = vector.shape_cast %get3A_1 : vector<3200x128xf32> to vector<128x25x128xf32>
    %reduce_sum3A_28 = arith.constant dense<0.000000e+00> : vector<128x128xf32>
    %reduce_sum3A_29 = vector.multi_reduction <add>, %reshape3A_27, %reduce_sum3A_28 [1] : vector<128x25x128xf32> to vector<128x128xf32>
    %div3A_30 = arith.constant 2.500000e+01 : f32
    %div3A_31 = vector.broadcast %div3A_30 : f32 to vector<128x128xf32>
    %div3A_32 = arith.divf %reduce_sum3A_29, %div3A_31 : vector<128x128xf32>
    %mul3A_33 = arith.constant 128 : i32
    %mul3A_34 = arith.muli %arg0, %mul3A_33 : i32
    %swap3A_35 = arith.index_cast %mul3A_34 : i32 to index
    %swap3A_36 = arith.constant 0 : index
    %swap3A_37 = vector.load %arg12[%swap3A_35, %swap3A_36] : memref<1024x128xf32, #tpu.memory_space<vmem>>, vector<128x128xf32>
    tpu.vector_store %arg12[%swap3A_35, %swap3A_36], %div3A_32 {strides = array<i32>} : memref<1024x128xf32, #tpu.memory_space<vmem>>, vector<128x128xf32>,
    %eq3A = arith.constant 7 : i32
    %eq3A_38 = arith.cmpi eq, %arg0, %eq3A : i32
    %convert_element_type3A = arith.extui %eq3A_38 : i1 to i32
    %cond3A = arith.constant 0 : i32
    %cond3A_39 = arith.cmpi ne, %convert_element_type3A, %cond3A : i32
    scf.if %cond3A_39 {
      %get3A_40 = arith.constant 0 : index
      %get3A_41 = arith.constant 0 : index
      %get3A_42 = vector.load %arg1[%get3A_40, %get3A_41] : memref<1024x128xf32, #tpu.memory_space<vmem>>, vector<1024x128xf32>
      %get3A_43 = arith.constant 0 : index
      %get3A_44 = arith.constant 0 : index
      %get3A_45 = vector.load %arg4[%get3A_43, %get3A_44] : memref<128x128xf32, #tpu.memory_space<vmem>>, vector<128x128xf32>
      %dot_general3A_46 = arith.constant dense<0.000000e+00> : vector<1024x128xf32>
      %dot_general3A_47 = tpu.matmul %get3A_42, %get3A_45, %dot_general3A_46 {dimension_numbers = #tpu.dot_dimension_numbers<[1], [0], [0], [1], [0, 0, 1, 1], [], []>, transpose_lhs_hint = false} : vector<1024x128xf32>, vector<128x128xf32>, vector<1024x128xf32> -> vector<1024x128xf32>
      %get3A_48 = arith.constant 0 : index
      %get3A_49 = arith.constant 0 : index
      %get3A_50 = vector.load %arg12[%get3A_48, %get3A_49] : memref<1024x128xf32, #tpu.memory_space<vmem>>, vector<1024x128xf32>
      %get3A_51 = arith.constant 0 : index
      %get3A_52 = arith.constant 0 : index
      %get3A_53 = vector.load %arg5[%get3A_51, %get3A_52] : memref<128x128xf32, #tpu.memory_space<vmem>>, vector<128x128xf32>
      %dot_general3A_54 = arith.constant dense<0.000000e+00> : vector<1024x128xf32>
      %dot_general3A_55 = tpu.matmul %get3A_50, %get3A_53, %dot_general3A_54 {dimension_numbers = #tpu.dot_dimension_numbers<[1], [0], [0], [1], [0, 0, 1, 1], [], []>, transpose_lhs_hint = false} : vector<1024x128xf32>, vector<128x128xf32>, vector<1024x128xf32> -> vector<1024x128xf32>
      %add3A_56 = arith.addf %dot_general3A_47, %dot_general3A_55 : vector<1024x128xf32>
      %get3A_57 = arith.constant 0 : index
      %get3A_58 = arith.constant 0 : index
      %get3A_59 = vector.load %arg6[%get3A_57, %get3A_58] : memref<1x128xf32, #tpu.memory_space<vmem>>, vector<1x128xf32>
      %add3A_60 = vector.broadcast %get3A_59 : vector<1x128xf32> to vector<1024x128xf32>
      %add3A_61 = arith.addf %add3A_56, %add3A_60 : vector<1024x128xf32>
      %max3A_62 = arith.constant 0.000000e+00 : f32
      %max3A_63 = vector.broadcast %max3A_62 : f32 to vector<1024x128xf32>
      %max3A_64 = arith.maximumf %add3A_61, %max3A_63 : vector<1024x128xf32>
      %get3A_65 = arith.constant 0 : index
      %get3A_66 = arith.constant 0 : index
      %get3A_67 = vector.load %arg7[%get3A_65, %get3A_66] : memref<128x128xf32, #tpu.memory_space<vmem>>, vector<128x128xf32>
      %dot_general3A_68 = arith.constant dense<0.000000e+00> : vector<1024x128xf32>
      %dot_general3A_69 = tpu.matmul %max3A_64, %get3A_67, %dot_general3A_68 {dimension_numbers = #tpu.dot_dimension_numbers<[1], [0], [0], [1], [0, 0, 1, 1], [], []>, transpose_lhs_hint = false} : vector<1024x128xf32>, vector<128x128xf32>, vector<1024x128xf32> -> vector<1024x128xf32>
      %get3A_70 = arith.constant 0 : index
      %get3A_71 = arith.constant 0 : index
      %get3A_72 = vector.load %arg11[%get3A_70, %get3A_71] : memref<1024x128xf32, #tpu.memory_space<vmem>>, vector<1024x128xf32>
      %get3A_73 = arith.constant 0 : index
      %get3A_74 = arith.constant 0 : index
      %get3A_75 = vector.load %arg8[%get3A_73, %get3A_74] : memref<128x128xf32, #tpu.memory_space<vmem>>, vector<128x128xf32>
      %dot_general3A_76 = arith.constant dense<0.000000e+00> : vector<1024x128xf32>
      %dot_general3A_77 = tpu.matmul %get3A_72, %get3A_75, %dot_general3A_76 {dimension_numbers = #tpu.dot_dimension_numbers<[1], [0], [0], [1], [0, 0, 1, 1], [], []>, transpose_lhs_hint = false} : vector<1024x128xf32>, vector<128x128xf32>, vector<1024x128xf32> -> vector<1024x128xf32>
      %add3A_78 = arith.addf %dot_general3A_69, %dot_general3A_77 : vector<1024x128xf32>
      %get3A_79 = arith.constant 0 : index
      %get3A_80 = arith.constant 0 : index
      %get3A_81 = vector.load %arg9[%get3A_79, %get3A_80] : memref<1x128xf32, #tpu.memory_space<vmem>>, vector<1x128xf32>
      %add3A_82 = vector.broadcast %get3A_81 : vector<1x128xf32> to vector<1024x128xf32>
      %add3A_83 = arith.addf %add3A_78, %add3A_82 : vector<1024x128xf32>
      %swap3A_84 = arith.constant 0 : index
      %swap3A_85 = arith.constant 0 : index
      %swap3A_86 = vector.load %arg10[%swap3A_84, %swap3A_85] : memref<1024x128xf32, #tpu.memory_space<vmem>>, vector<1024x128xf32>
      tpu.vector_store %arg10[%swap3A_84, %swap3A_85], %add3A_83 {strides = array<i32>} : memref<1024x128xf32, #tpu.memory_space<vmem>>, vector<1024x128xf32>,
    } else {
    }
    return
  }
  func.func @transform_0(%arg0: i32) -> (i32, i32) {
    %c0_i32 = arith.constant 0 : i32
    %c0_i32_0 = arith.constant 0 : i32
    %c0_i32_1 = arith.constant 0 : i32
    return %c0_i32, %c0_i32_0 : i32, i32
  }
  func.func @transform_1(%arg0: i32) -> (i32, i32) {
    %c0_i32 = arith.constant 0 : i32
    %c0_i32_0 = arith.constant 0 : i32
    return %arg0, %c0_i32 : i32, i32
  }
  func.func @transform_2(%arg0: i32) -> (i32, i32) {
    %c0_i32 = arith.constant 0 : i32
    %c0_i32_0 = arith.constant 0 : i32
    return %arg0, %c0_i32 : i32, i32
  }
  func.func @transform_3(%arg0: i32) -> (i32, i32) {
    %c0_i32 = arith.constant 0 : i32
    %c0_i32_0 = arith.constant 0 : i32
    %c0_i32_1 = arith.constant 0 : i32
    return %c0_i32, %c0_i32_0 : i32, i32
  }
  func.func @transform_4(%arg0: i32) -> (i32, i32) {
    %c0_i32 = arith.constant 0 : i32
    %c0_i32_0 = arith.constant 0 : i32
    %c0_i32_1 = arith.constant 0 : i32
    return %c0_i32, %c0_i32_0 : i32, i32
  }
  func.func @transform_5(%arg0: i32) -> (i32, i32) {
    %c0_i32 = arith.constant 0 : i32
    %c0_i32_0 = arith.constant 0 : i32
    %c0_i32_1 = arith.constant 0 : i32
    return %c0_i32, %c0_i32_0 : i32, i32
  }
  func.func @transform_6(%arg0: i32) -> (i32, i32) {
    %c0_i32 = arith.constant 0 : i32
    %c0_i32_0 = arith.constant 0 : i32
    %c0_i32_1 = arith.constant 0 : i32
    return %c0_i32, %c0_i32_0 : i32, i32
  }
  func.func @transform_7(%arg0: i32) -> (i32, i32) {
    %c0_i32 = arith.constant 0 : i32
    %c0_i32_0 = arith.constant 0 : i32
    %c0_i32_1 = arith.constant 0 : i32
    return %c0_i32, %c0_i32_0 : i32, i32
  }
  func.func @transform_8(%arg0: i32) -> (i32, i32) {
    %c0_i32 = arith.constant 0 : i32
    %c0_i32_0 = arith.constant 0 : i32
    %c0_i32_1 = arith.constant 0 : i32
    return %c0_i32, %c0_i32_0 : i32, i32
  }
  func.func @transform_9(%arg0: i32) -> (i32, i32) {
    %c0_i32 = arith.constant 0 : i32
    %c0_i32_0 = arith.constant 0 : i32
    %c0_i32_1 = arith.constant 0 : i32
    return %c0_i32, %c0_i32_0 : i32, i32
  }
}

</mosaic_0001>

<sc_bundles>
// kernel: kernel.4.cloned.1.call-start
scs
__scs_entry_jumppad:
0x0: {  	(pc) =	sbr.rel $0x88, $3  }
0x1: {  	(tag) =	ssettag $0x0;
	lr =	simm.s32 $0x1  }
0x2: {  	[smem:$0x3F98] =	sst lr;
	_ =	strace $0xD0000000  }
0x3: {  	_ = 	snop  }
0x4: {  	_ = 	snop  }
0x5: {  	_ = 	snop  }
0x6: {  	_ = 	snop  }
0x7: {  	_ = 	snop  }
__scs_overlays_trampoline_lowered:
0x8: {  	[smem:$0x3FA7] =	sst s0  }
0x9: {  	[smem:$0x3FA8] =	sst s1  }
0xa: {  	[smem:$0x3FA9] =	sst s2  }
0xb: {  	[smem:$0x3FAA] =	sst s3  }
0xc: {  	[smem:$0x3FAB] =	sst s4  }
0xd: {  	[smem:$0x3FAC] =	sst s5  }
0xe: {  	[smem:$0x3FAD] =	sst s6  }
0xf: {  	[smem:$0x3FAE] =	sst s7  }
0x10: {  	[smem:$0x3FAF] =	sst s8  }
0x11: {  	[smem:$0x3FB0] =	sst s9;
	s0 =	simm.s32 @!p0 $0x0  }
0x12: {  	s1 =	sld [smem:$0x3F96];
	s0 =	simm.s32 @p0 $0x1  }
0x13: {  	[smem:$0x3FB1] =	sst s0;
	s0 =	simm.s32 @!p1 $0x0  }
0x14: {  	s2 =	sld [smem:$0x3F95];
	s0 =	simm.s32 @p1 $0x1  }
0x15: {  	[smem:$0x3FB2] =	sst s0;
	s0 =	simm.s32 @!p2 $0x0  }
0x16: {  	s3 =	sld [smem:$0x3FDB];
	s0 =	simm.s32 @p2 $0x1  }
0x17: {  	s4 =	simm.s32 $0x1BF5;
	[smem:$0x3FB4] =	sst s0  }
0x18: {  	s0 =	sld [smem:$0x3F97];
	_ =	swait.ge [sflag:s4], $0x0  }
0x19: {  	s7 =	sld [smem:$0x3F98]  }
0x1a: {  	s8 =	sadd.s32 $0xFFFFE003, lr  }
0x1b: {  	s9 =	sadd.s32 $0xFFFFFEF7, lr;
	s5 =	simm.s32 $0xFFFFFFFF;
	p2 =	slt.u32 s8, $0xFFFFF086  }
0x1c: {  	p1 =	slt.u32 s9, $0xF7A;
	s5 =	simm.s32 @!p2 $0x0  }
0x1d: {  	s5 =	simm.s32 @p1 $0x1;
	p0 =	seq.s32 s7, s2  }
0x1e: {  	s7 =	smul.u32 @!p0 $0xF7A, s2;
	p2 =	seq.s32 @!p0 s5, $0x0  }
0x1f: {  	s9 =	smul.u32 $0xF7A, s1;
	s8 =	simm.s32 @!p0 $0x1BF5;
	p2 =	por !p2, p0  }
0x20: {  	[sflag:s8] =	ssyncset.s32 @!p0 $0xFFFFF086;
	s6 =	sadd.s32 @!p0 s3, s7;
	s7 =	simm.s32 @!p0 $0x108  }
0x21: {  	s3 =	sadd.s32 s3, s9;
	s6 =	sadd.s32 @!p0 $0x88, s6;
	s7 =	simm.s32 @p2 $0x1082  }
0x22: {  	[simem:s7], [sflag:s8] =	dma.local @!p0 [hbm:s6], $0xF7A  }
0x23: {  	s9 =	sor.u32 $0xD0000000, s2;
	s6 =	simm.s32 $0x108;
	_ =	swait.ge @!p0 [sflag:s8], $0x0  }
0x24: {  	s3 =	sadd.s32 $0x88, s3;
	s6 =	simm.s32 @!p1 $0x1082;
	[sflag:s4] =	ssyncset.s32 $0xFFFFF086  }
0x25: {  	[simem:s6], [sflag:s4] =	dma.local [hbm:s3], $0xF7A  }
0x26: {  	[smem:$0x3F98] =	sst s1;
	(tag) =	ssettag s2;
	_ =	strace s9  }
0x27: {  	s1 =	sld [smem:$0x3FA8]  }
0x28: {  	s2 =	sld [smem:$0x3FA9]  }
0x29: {  	s4 =	sld [smem:$0x3FAB]  }
0x2a: {  	p0 =	seq.s32 s5, $0x0;
	s5 =	sld [smem:$0x3FAC]  }
0x2b: {  	s6 =	sld [smem:$0x3FAD]  }
0x2c: {  	s7 =	sld [smem:$0x3FAE]  }
0x2d: {  	s3 =	simm.s32 $0x108;
	s8 =	sld [smem:$0x3FAF]  }
0x2e: {  	s3 =	simm.s32 @!p0 $0x1082;
	s9 =	sld [smem:$0x3FB0]  }
0x2f: {  	lr =	sadd.s32 s0, s3;
	s0 =	sld [smem:$0x3FA7]  }
0x30: {  	s3 =	sld [smem:$0x3FAA]  }
0x31: {  	[smem:$0x3FB3] =	sst s10  }
0x32: {  	s10 =	sld [smem:$0x3FB1];
	_ =	sdelay $0x3  }
0x33: {  	p0 =	seq.s32 s10, $0x1;
	s10 =	sld [smem:$0x3FB3];
	_ =	sdelay $0x3  }
0x34: {  	[smem:$0x3FB3] =	sst s10  }
0x35: {  	s10 =	sld [smem:$0x3FB2];
	_ =	sdelay $0x3  }
0x36: {  	p1 =	seq.s32 s10, $0x1;
	s10 =	sld [smem:$0x3FB3];
	_ =	sdelay $0x3  }
0x37: {  	[smem:$0x3FB3] =	sst s10  }
0x38: {  	s10 =	sld [smem:$0x3FB4]  }
0x39: {  	_ = 	snop;
	(pc) =	sbr.ind lr, $3  }
0x3a: {  	_ = 	snop  }
0x3b: {  	_ = 	snop  }
0x3c: {  	p2 =	seq.s32 s10, $0x1;
	s10 =	sld [smem:$0x3FB3]  }
0x3d: {  	_ =	shalt  }
0x3e: {  	_ =	shalt  }
0x3f: {  	_ =	shalt  }
0x40: {  	_ =	shalt  }
0x41: {  	_ =	shalt  }
0x42: {  	_ =	shalt  }
0x43: {  	_ =	shalt  }
0x44: {  	_ =	shalt  }
0x45: {  	_ =	shalt  }
0x46: {  	_ =	shalt  }
0x47: {  	_ =	shalt  }
0x48: {  	_ =	shalt  }
0x49: {  	_ =	shalt  }
0x4a: {  	_ =	shalt  }
0x4b: {  	_ =	shalt  }
0x4c: {  	_ =	shalt  }
0x4d: {  	_ =	shalt  }
0x4e: {  	_ =	shalt  }
0x4f: {  	_ =	shalt  }
0x50: {  	_ =	shalt  }
0x51: {  	_ =	shalt  }
0x52: {  	_ =	shalt  }
0x53: {  	_ =	shalt  }
0x54: {  	_ =	shalt  }
0x55: {  	_ =	shalt  }
0x56: {  	_ =	shalt  }
0x57: {  	_ =	shalt  }
0x58: {  	_ =	shalt  }
0x59: {  	_ =	shalt  }
0x5a: {  	_ =	shalt  }
0x5b: {  	_ =	shalt  }
0x5c: {  	_ =	shalt  }
0x5d: {  	_ =	shalt  }
0x5e: {  	_ =	shalt  }
0x5f: {  	_ =	shalt  }
0x60: {  	_ =	shalt  }
0x61: {  	_ =	shalt  }
0x62: {  	_ =	shalt  }
0x63: {  	_ =	shalt  }
0x64: {  	_ =	shalt  }
0x65: {  	_ =	shalt  }
0x66: {  	_ =	shalt  }
0x67: {  	_ =	shalt  }
0x68: {  	_ =	shalt  }
0x69: {  	_ =	shalt  }
0x6a: {  	_ =	shalt  }
0x6b: {  	_ =	shalt  }
0x6c: {  	_ =	shalt  }
0x6d: {  	_ =	shalt  }
0x6e: {  	_ =	shalt  }
0x6f: {  	_ =	shalt  }
0x70: {  	_ =	shalt  }
0x71: {  	_ =	shalt  }
0x72: {  	_ =	shalt  }
0x73: {  	_ =	shalt  }
0x74: {  	_ =	shalt  }
0x75: {  	_ =	shalt  }
0x76: {  	_ =	shalt  }
0x77: {  	_ =	shalt  }
0x78: {  	_ =	shalt  }
0x79: {  	_ =	shalt  }
0x7a: {  	_ =	shalt  }
0x7b: {  	_ =	shalt  }
0x7c: {  	_ =	shalt  }
0x7d: {  	_ =	shalt  }
0x7e: {  	_ =	shalt  }
0x7f: {  	_ =	shalt  }
0x80: {  	_ =	shalt  }
0x81: {  	_ =	shalt  }
0x82: {  	_ =	shalt  }
0x83: {  	_ =	shalt  }
0x84: {  	_ =	shalt  }
0x85: {  	_ =	shalt  }
0x86: {  	_ =	shalt  }
0x87: {  	_ =	shalt  }
.Lfunc_end0:
.L_simem_size_0:
called_computation_lowered:
.L_overlay_start_0:
0x88: {  	s2 =	sld [smem:$0x3FD9]  }
0x89: {  	s3 =	sld [smem:$0x3FFE];
	_ =	sdelay $0x1  }
0x8a: {  	s1 =	srdreg.scid  }
0x8b: {  	s0 =	sand.u32 $0x1, s1  }
0x8c: {  	s17 =	sshll.u32 s0, $0xA;
	s2 =	sadd.s32 s3, s2  }
0x8d: {  	s2 =	sadd.s32 s2, s17  }
0x8e: {  	[smem:$0x3FBF] =	sst s2  }
0x8f: {  	_ = 	snop  }
0x90: {  	s2 =	sld [smem:$0x3FC7];
	(tm) =	ssettm $0x1  }
0x91: {  	s18 =	sld [smem:$0x3FFB];
	_ =	sdelay $0x3  }
0x92: {  	_ =	strace s18  }
0x93: {  	s3 =	sld [smem:$0x3FFC];
	_ =	sdelay $0x3  }
0x94: {  	_ =	strace s3  }
0x95: {  	s3 =	sld [smem:$0x3FFD];
	_ =	sdelay $0x3  }
0x96: {  	_ =	strace s3  }
0x97: {  	_ =	strace $0x8FFFFFFF  }
0x98: {  	s19 =	sld [smem:$0x3FDB];
	_ =	sdelay $0x1  }
0x99: {  	s4 =	simm.s32 $_scs_section_size  }
0x9a: {  	s5 =	simm.s32 $_size__tile_overlayer_lowered;
	s6 =	simm.s32 $_tile_overlayer_lowered  }
0x9b: {  	s22 =	simm.s32 $0x1BFF;
	s21 =	sshll.u32 s6, $0x1;
	s3 =	sadd.s32 s4, s19  }
0x9c: {  	s7 =	simm.s32 $0x0;
	s20 =	sshll.u32 s5, $0x1;
	s5 =	sadd.s32 s21, s3  }
0x9d: {  	[timem:s7], [sflag:s22] =	dma.local [hbm:s5], s20  }
0x9e: {  	_ =	swait.ge [sflag:s22], s20  }
0x9f: {  	s4 =	ssub.s32 $0x0, s20;
	[sflag:s22] =	ssyncset.done $0x0  }
0xa0: {  	[sflag:s22] =	ssyncadd.s32 s4;
	_ =	sdelay $0x1  }
0xa1: {  	s23 =	simm.s32 $0x1B8B  }
0xa2: {  	_ =	swait.ge [sflag:s23], $0x1  }
0xa3: {  	[sflag:s23] =	ssyncset.done $0x0  }
0xa4: {  	s25 =	simm.s32 $0x1B8E;
	s24 =	sld [smem:$0x3FFE];
	[sflag:s23] =	ssyncadd.s32 $0xFFFFFFFF  }
0xa5: {  	s26 =	simm.s32 $execute0_lowered;
	[smem:$0x3FD2] =	sst s25  }
0xa6: {  	s5 =	sshll.u32 s26, $0x1;
	_ =	strace $0x80000046;
	[dreg:$0x1] =	wrdreg $0xFFFFFFFF  }
0xa7: {  	s28 =	simm.s32 $_size_execute0_lowered;
	s3 =	sadd.s32 s3, s5;
	[dreg:$0x0] =	wrdreg $0x0  }
0xa8: {  	s5 =	sshll.u32 s28, $0x1;
	[dreg:$0x2] =	wrdreg s3  }
0xa9: {  	[dreg:$0x3] =	wrdreg s5  }
0xaa: {  	[dreg:$0x4] =	wrdreg $0xC0  }
0xab: {  	_ =	task [dreg:s7], $0x5FFFF  }
0xac: {  	[dreg:$0x1] =	wrdreg $0xFFFFFFFF  }
0xad: {  	[dreg:$0x0] =	wrdreg $0x60  }
0xae: {  	[dreg:$0x2] =	wrdreg s2  }
0xaf: {  	[dreg:$0x3] =	wrdreg s24  }
0xb0: {  	[dreg:$0x4] =	wrdreg $0x9  }
0xb1: {  	_ =	task.clear_ibuf [dreg:s7], $0x5FFFF;
	_ =	strace $0x90000046  }
0xb2: {  	s29 =	simm.s32 $0x9;
	_ =	strace $0x80000048  }
0xb3: {  	_ =	swait.ge [sflag:s29], $0x1  }
0xb4: {  	[sflag:s29] =	ssyncadd.s32 $0xFFFFFFFF  }
0xb5: {  	_ =	strace $0x90000048  }
0xb6: {  	_ =	sfence  }
0xb7: {  	s30 =	sld [smem:$0x0];
	_ =	sdelay $0x2  }
0xb8: {  	s31 =	sshll.u32 s1, $0xD;
	s1 =	sshrl.u32 s1, $0x2  }
0xb9: {  	s3 =	sand.u32 $0x4000, s31;
	s1 =	sadd.s32 s1, s30  }
0xba: {  	s0 =	sor.u32 s3, s0;
	s1 =	sshll.u32 s1, $0x11  }
0xbb: {  	s0 =	sor.u32 s1, s0  }
0xbc: {  	s0 =	sadd.s32 $0x8F2B, s0  }
0xbd: {  	[sflag:s0] =	ssyncadd.remote.s32 $0x1  }
0xbe: {  	_ =	sfence.sel $0xFFFF  }
0xbf: {  	[dreg:$0x0] =	wrdreg $0xFFFFFFFF;
	(pc) =	sbr.abs _section_cstart, $3  }
0xc0: {  	[dreg:$0x1] =	wrdreg $0xFFFFFFFF  }
0xc1: {  	_ =	task.clear_ibuf [dreg:s7], $0x2FFFF;
	_ =	strace $0x9FFFFFFF  }
0xc2: {  	(tm) =	ssettm $0x7FFFFFFF  }
0xc3: {  	_ =	shalt  }
tec
execute0_lowered:
.L_overlay_start_1:
0x0: {  	(tag) =	ssettag $0x1  }
0x1: {  	s2 =	rddreg [dreg:$0x0]  }
0x2: {  	s4 =	rddreg [dreg:$0x1]  }
0x3: {  	s0 =	rddreg [dreg:$0x2];
	s5 =	srdreg.scid  }
0x4: {  	s1 =	stileid.u32;
	s3 =	simm.s32 $0x0;
	s12 =	simm.s32 $0xC800  }
0x5: {  	s13 =	simm.s32 $0x1;
	s5 =	sand.u32 $0x1, s5;
	s6 =	sshll.u32 s1, $0x1  }
0x6: {  	s14 =	simm.s32 $0x19000;
	s15 =	simm.s32 $0x1A400;
	s6 =	sor.u32 s5, s6  }
0x7: {  	s16 =	simm.s32 $0x2;
	s17 =	simm.s32 $0x0;
	s7 =	smul.u32 $0xFA000, s6  }
0x8: {  	[smem:$0x7FF] =	sst s3;
	s5 =	ssub.s32 $0x2, s5;
	s9 =	smul.u32 $0x1F400, s6  }
.Ltmp0:
0x9: {  	s4 =	sadd.s32 $0x1400, s4;
	s8 =	sshrl.u32 s5, $0x1;
	(pc) =	sbr.rel .LBB2_1-.Ltmp0, $4  }
0xa: {  	_ =	strace $0x80000047;
	s10 =	smul.u32 $0x1F40, s6;
	s11 =	ssub.s32 s5, s8  }
0xb: {  	s5 =	smul.u32 $0x320, s6;
	s7 =	sshrl.u32 s7, $0x3;
	s6 =	sadd.s32 s2, s9  }
0xc: {  	s8 =	sadd.s32 $0x320, s10;
	s10 =	sadd.s32 $0x4B0, s10;
	s7 =	sadd.s32 s2, s7  }
0xd: {  	s11 =	smax.u32 s11, $0x1;
	s9 =	sadd.s32 $0x28, s5;
	s7 =	sadd.s32 $0x1900, s7  }
.LBB2_8:
0xe: {  	s17 =	sadd.s32 $0x1, s17  }
0xf: {  	_ =	swait.ge [sflag:s16], $0x1400;
	p0 =	sne.s32 s17, s11  }
.Ltmp1:
0x10: {  	[sflag:s16] =	ssyncset.done $0x0;
	(pc) =	sbr.rel @!p0 .LBB2_9-.Ltmp1, $4  }
0x11: {  	[sflag:s16] =	ssyncadd.s32 $0xFFFFEC00  }
0x12: {  	_ =	swait.ge [sflag:s16], $0x1400  }
0x13: {  	[sflag:s16] =	ssyncset.done $0x0  }
0x14: {  	[sflag:s16] =	ssyncadd.s32 $0xFFFFEC00  }
.LBB2_1:
0x15: {  	[tilespmem:s3], [sflag:$0x1] =	stream.linear.gather [hbm4b:s6+s3], $0xC800, $0x38;
	[tilespmem:$0x1B800] =	vst v63  }
0x16: {  	s18 =	simm.s32 $0x0  }
0x17: {  	[tilespmem:s12], [sflag:$0x1] =	stream.linear.gather [hbm4b:s7+s3], $0xC800, $0x38;
	[tilespmem:$0x1B800] =	vst v63  }
.LBB2_2:
0x18: {  	p0 =	seq.s32 s18, $0x0  }
0x19: {  	s19 =	simm.s32 @!p0 $0x2  }
0x1a: {  	_ =	swait.ge @!p0 [sflag:s19], $0x1400  }
0x1b: {  	[sflag:s19] =	ssyncset.done @!p0 $0x0  }
0x1c: {  	[sflag:s19] =	ssyncadd.s32 @!p0 $0xFFFFEC00  }
0x1d: {  	_ =	swait.ge [sflag:s13], $0xC800  }
0x1e: {  	[sflag:s13] =	ssyncset.done $0x0  }
0x1f: {  	s19 =	simm.s32 $0x280;
	[sflag:s13] =	ssyncadd.s32 $0xFFFF3800  }
0x20: {  	v0 =	vld [tilespmem:s19+$0xFFFFFE00]  }
0x21: {  	v1 =	vld [tilespmem:s19+$0xFFFFFD80];
	_ =	sdelay $0x1  }
0x22: {  	v2 =	vld [tilespmem:s19+$0xFFFFFE80];
	_ =	sdelay $0x1  }
0x23: {  	v3 =	vld [tilespmem:s19+$0xFFFFFF00]  }
0x24: {  	v0 =	vadd.f32 v0, v1  }
0x25: {  	v1 =	vld [tilespmem:s19+$0xFFFFFF80]  }
0x26: {  	v0 =	vadd.f32 v2, v0  }
0x27: {  	v2 =	vld [tilespmem:s19+$0x0]  }
0x28: {  	v0 =	vadd.f32 v3, v0  }
0x29: {  	v3 =	vld [tilespmem:s19+$0x80]  }
0x2a: {  	v0 =	vadd.f32 v1, v0  }
0x2b: {  	v1 =	vld [tilespmem:s19+$0x100]  }
0x2c: {  	v0 =	vadd.f32 v2, v0  }
0x2d: {  	v2 =	vld [tilespmem:s19+$0x180]  }
0x2e: {  	v0 =	vadd.f32 v3, v0  }
0x2f: {  	v3 =	vld [tilespmem:s19+$0x200]  }
0x30: {  	v0 =	vadd.f32 v1, v0;
	_ =	sdelay $0x1  }
0x31: {  	v0 =	vadd.f32 v2, v0;
	_ =	sdelay $0x1  }
0x32: {  	v0 =	vadd.f32 v3, v0;
	_ =	sdelay $0x1  }
0x33: {  	v0 =	vmul.f32 $1.000000010e-01, v0  }
0x34: {  	s20 =	simm.s32 $0x0  }
0x35: {  	[tilespmem:s20+$0x19000] =	vst v0  }
0x36: {  	v0 =	vld [tilespmem:s19+$0xFFFFFD90]  }
0x37: {  	v1 =	vld [tilespmem:s19+$0xFFFFFE10];
	_ =	sdelay $0x1  }
0x38: {  	v2 =	vld [tilespmem:s19+$0xFFFFFE90];
	_ =	sdelay $0x1  }
0x39: {  	v3 =	vld [tilespmem:s19+$0xFFFFFF10]  }
0x3a: {  	v0 =	vadd.f32 v1, v0  }
0x3b: {  	v1 =	vld [tilespmem:s19+$0xFFFFFF90]  }
0x3c: {  	v0 =	vadd.f32 v2, v0  }
0x3d: {  	v2 =	vld [tilespmem:s19+$0x10]  }
0x3e: {  	v0 =	vadd.f32 v3, v0  }
0x3f: {  	v3 =	vld [tilespmem:s19+$0x90]  }
0x40: {  	v0 =	vadd.f32 v1, v0  }
0x41: {  	v1 =	vld [tilespmem:s19+$0x110]  }
0x42: {  	v0 =	vadd.f32 v2, v0  }
0x43: {  	v2 =	vld [tilespmem:s19+$0x190]  }
0x44: {  	v0 =	vadd.f32 v3, v0  }
0x45: {  	v3 =	vld [tilespmem:s19+$0x210]  }
0x46: {  	v0 =	vadd.f32 v1, v0;
	_ =	sdelay $0x1  }
0x47: {  	v0 =	vadd.f32 v2, v0;
	_ =	sdelay $0x1  }
0x48: {  	v0 =	vadd.f32 v3, v0;
	_ =	sdelay $0x1  }
0x49: {  	v0 =	vmul.f32 $1.000000010e-01, v0;
	_ =	sdelay $0x1  }
0x4a: {  	[tilespmem:s20+$0x19010] =	vst v0  }
0x4b: {  	v0 =	vld [tilespmem:s19+$0xFFFFFDA0]  }
0x4c: {  	v1 =	vld [tilespmem:s19+$0xFFFFFE20];
	_ =	sdelay $0x1  }
0x4d: {  	v2 =	vld [tilespmem:s19+$0xFFFFFEA0];
	_ =	sdelay $0x1  }
0x4e: {  	v3 =	vld [tilespmem:s19+$0xFFFFFF20]  }
0x4f: {  	v0 =	vadd.f32 v1, v0  }
0x50: {  	v1 =	vld [tilespmem:s19+$0xFFFFFFA0]  }
0x51: {  	v0 =	vadd.f32 v2, v0  }
0x52: {  	v2 =	vld [tilespmem:s19+$0x20]  }
0x53: {  	v0 =	vadd.f32 v3, v0  }
0x54: {  	v3 =	vld [tilespmem:s19+$0xA0]  }
0x55: {  	v0 =	vadd.f32 v1, v0  }
0x56: {  	v1 =	vld [tilespmem:s19+$0x120]  }
0x57: {  	v0 =	vadd.f32 v2, v0  }
0x58: {  	v2 =	vld [tilespmem:s19+$0x1A0]  }
0x59: {  	v0 =	vadd.f32 v3, v0  }
0x5a: {  	v3 =	vld [tilespmem:s19+$0x220]  }
0x5b: {  	v0 =	vadd.f32 v1, v0;
	_ =	sdelay $0x1  }
0x5c: {  	v0 =	vadd.f32 v2, v0;
	_ =	sdelay $0x1  }
0x5d: {  	v0 =	vadd.f32 v3, v0;
	_ =	sdelay $0x1  }
0x5e: {  	v0 =	vmul.f32 $1.000000010e-01, v0;
	_ =	sdelay $0x1  }
0x5f: {  	[tilespmem:s20+$0x19020] =	vst v0  }
0x60: {  	v0 =	vld [tilespmem:s19+$0xFFFFFDB0]  }
0x61: {  	v1 =	vld [tilespmem:s19+$0xFFFFFE30];
	_ =	sdelay $0x1  }
0x62: {  	v2 =	vld [tilespmem:s19+$0xFFFFFEB0];
	_ =	sdelay $0x1  }
0x63: {  	v3 =	vld [tilespmem:s19+$0xFFFFFF30]  }
0x64: {  	v0 =	vadd.f32 v1, v0  }
0x65: {  	v1 =	vld [tilespmem:s19+$0xFFFFFFB0]  }
0x66: {  	v0 =	vadd.f32 v2, v0  }
0x67: {  	v2 =	vld [tilespmem:s19+$0x30]  }
0x68: {  	v0 =	vadd.f32 v3, v0  }
0x69: {  	v3 =	vld [tilespmem:s19+$0xB0]  }
0x6a: {  	v0 =	vadd.f32 v1, v0  }
0x6b: {  	v1 =	vld [tilespmem:s19+$0x130]  }
0x6c: {  	v0 =	vadd.f32 v2, v0  }
0x6d: {  	v2 =	vld [tilespmem:s19+$0x1B0]  }
0x6e: {  	v0 =	vadd.f32 v3, v0  }
0x6f: {  	v3 =	vld [tilespmem:s19+$0x230]  }
0x70: {  	v0 =	vadd.f32 v1, v0;
	_ =	sdelay $0x1  }
0x71: {  	v0 =	vadd.f32 v2, v0;
	_ =	sdelay $0x1  }
0x72: {  	v0 =	vadd.f32 v3, v0;
	_ =	sdelay $0x1  }
0x73: {  	v0 =	vmul.f32 $1.000000010e-01, v0;
	_ =	sdelay $0x1  }
0x74: {  	[tilespmem:s20+$0x19030] =	vst v0  }
0x75: {  	v0 =	vld [tilespmem:s19+$0xFFFFFDC0]  }
0x76: {  	v1 =	vld [tilespmem:s19+$0xFFFFFE40];
	_ =	sdelay $0x1  }
0x77: {  	v2 =	vld [tilespmem:s19+$0xFFFFFEC0];
	_ =	sdelay $0x1  }
0x78: {  	v3 =	vld [tilespmem:s19+$0xFFFFFF40]  }
0x79: {  	v0 =	vadd.f32 v1, v0  }
0x7a: {  	v1 =	vld [tilespmem:s19+$0xFFFFFFC0]  }
0x7b: {  	v0 =	vadd.f32 v2, v0  }
0x7c: {  	v2 =	vld [tilespmem:s19+$0x40]  }
0x7d: {  	v0 =	vadd.f32 v3, v0  }
0x7e: {  	v3 =	vld [tilespmem:s19+$0xC0]  }
0x7f: {  	v0 =	vadd.f32 v1, v0  }
0x80: {  	v1 =	vld [tilespmem:s19+$0x140]  }
0x81: {  	v0 =	vadd.f32 v2, v0  }
0x82: {  	v2 =	vld [tilespmem:s19+$0x1C0]  }
0x83: {  	v0 =	vadd.f32 v3, v0  }
0x84: {  	v3 =	vld [tilespmem:s19+$0x240]  }
0x85: {  	v0 =	vadd.f32 v1, v0;
	_ =	sdelay $0x1  }
0x86: {  	v0 =	vadd.f32 v2, v0;
	_ =	sdelay $0x1  }
0x87: {  	v0 =	vadd.f32 v3, v0;
	_ =	sdelay $0x1  }
0x88: {  	v0 =	vmul.f32 $1.000000010e-01, v0;
	_ =	sdelay $0x1  }
0x89: {  	[tilespmem:s20+$0x19040] =	vst v0  }
0x8a: {  	v0 =	vld [tilespmem:s19+$0xFFFFFDD0]  }
0x8b: {  	v1 =	vld [tilespmem:s19+$0xFFFFFE50];
	_ =	sdelay $0x1  }
0x8c: {  	v2 =	vld [tilespmem:s19+$0xFFFFFED0];
	_ =	sdelay $0x1  }
0x8d: {  	v3 =	vld [tilespmem:s19+$0xFFFFFF50]  }
0x8e: {  	v0 =	vadd.f32 v1, v0  }
0x8f: {  	v1 =	vld [tilespmem:s19+$0xFFFFFFD0]  }
0x90: {  	v0 =	vadd.f32 v2, v0  }
0x91: {  	v2 =	vld [tilespmem:s19+$0x50]  }
0x92: {  	v0 =	vadd.f32 v3, v0  }
0x93: {  	v3 =	vld [tilespmem:s19+$0xD0]  }
0x94: {  	v0 =	vadd.f32 v1, v0  }
0x95: {  	v1 =	vld [tilespmem:s19+$0x150]  }
0x96: {  	v0 =	vadd.f32 v2, v0  }
0x97: {  	v2 =	vld [tilespmem:s19+$0x1D0]  }
0x98: {  	v0 =	vadd.f32 v3, v0  }
0x99: {  	v3 =	vld [tilespmem:s19+$0x250]  }
0x9a: {  	v0 =	vadd.f32 v1, v0;
	_ =	sdelay $0x1  }
0x9b: {  	v0 =	vadd.f32 v2, v0;
	_ =	sdelay $0x1  }
0x9c: {  	v0 =	vadd.f32 v3, v0;
	_ =	sdelay $0x1  }
0x9d: {  	v0 =	vmul.f32 $1.000000010e-01, v0;
	_ =	sdelay $0x1  }
0x9e: {  	[tilespmem:s20+$0x19050] =	vst v0  }
0x9f: {  	v0 =	vld [tilespmem:s19+$0xFFFFFDE0]  }
0xa0: {  	v1 =	vld [tilespmem:s19+$0xFFFFFE60];
	_ =	sdelay $0x1  }
0xa1: {  	v2 =	vld [tilespmem:s19+$0xFFFFFEE0];
	_ =	sdelay $0x1  }
0xa2: {  	v3 =	vld [tilespmem:s19+$0xFFFFFF60]  }
0xa3: {  	v0 =	vadd.f32 v1, v0  }
0xa4: {  	v1 =	vld [tilespmem:s19+$0xFFFFFFE0]  }
0xa5: {  	v0 =	vadd.f32 v2, v0  }
0xa6: {  	v2 =	vld [tilespmem:s19+$0x60]  }
0xa7: {  	v0 =	vadd.f32 v3, v0  }
0xa8: {  	v3 =	vld [tilespmem:s19+$0xE0]  }
0xa9: {  	v0 =	vadd.f32 v1, v0  }
0xaa: {  	v1 =	vld [tilespmem:s19+$0x160]  }
0xab: {  	v0 =	vadd.f32 v2, v0  }
0xac: {  	v2 =	vld [tilespmem:s19+$0x1E0]  }
0xad: {  	v0 =	vadd.f32 v3, v0  }
0xae: {  	v3 =	vld [tilespmem:s19+$0x260]  }
0xaf: {  	v0 =	vadd.f32 v1, v0;
	_ =	sdelay $0x1  }
0xb0: {  	v0 =	vadd.f32 v2, v0;
	_ =	sdelay $0x1  }
0xb1: {  	v0 =	vadd.f32 v3, v0;
	_ =	sdelay $0x1  }
0xb2: {  	v0 =	vmul.f32 $1.000000010e-01, v0;
	_ =	sdelay $0x1  }
0xb3: {  	[tilespmem:s20+$0x19060] =	vst v0  }
0xb4: {  	v0 =	vld [tilespmem:s19+$0xFFFFFDF0]  }
0xb5: {  	v1 =	vld [tilespmem:s19+$0xFFFFFE70];
	_ =	sdelay $0x1  }
0xb6: {  	v2 =	vld [tilespmem:s19+$0xFFFFFEF0];
	_ =	sdelay $0x1  }
0xb7: {  	v3 =	vld [tilespmem:s19+$0xFFFFFF70]  }
0xb8: {  	v0 =	vadd.f32 v1, v0  }
0xb9: {  	v1 =	vld [tilespmem:s19+$0xFFFFFFF0]  }
0xba: {  	v0 =	vadd.f32 v2, v0  }
0xbb: {  	v4 =	vld [tilespmem:s19+$0x70]  }
0xbc: {  	v0 =	vadd.f32 v3, v0  }
0xbd: {  	v3 =	vld [tilespmem:s19+$0xF0]  }
0xbe: {  	v0 =	vadd.f32 v1, v0  }
0xbf: {  	v2 =	vld [tilespmem:s19+$0x170]  }
0xc0: {  	v4 =	vadd.f32 v4, v0  }
0xc1: {  	v0 =	vld [tilespmem:s19+$0x1F0]  }
0xc2: {  	s21 =	simm.s32 $0x200;
	v1 =	vld [tilespmem:s19+$0x270];
	v3 =	vadd.f32 v3, v4  }
.LBB2_3:
0xc3: {  	p0 =	sne.s32 s21, $0x4E00  }
0xc4: {  	s19 =	sadd.s32 $0x500, s19;
	s22 =	smov.u32 s21;
	s21 =	sadd.s32 $0x200, s21;
	v2 =	vadd.f32 v2, v3  }
0xc5: {  	_ = 	snop  }
0xc6: {  	v0 =	vadd.f32 v0, v2;
	_ =	sdelay $0x1  }
0xc7: {  	v0 =	vadd.f32 v1, v0;
	_ =	sdelay $0x1  }
0xc8: {  	v0 =	vmul.f32 $1.000000010e-01, v0;
	_ =	sdelay $0x1  }
0xc9: {  	[tilespmem:s20+$0x19070] =	vst v0  }
0xca: {  	v0 =	vld [tilespmem:s19+$0xFFFFFE00]  }
0xcb: {  	v1 =	vld [tilespmem:s19+$0xFFFFFD80]  }
0xcc: {  	v2 =	vld [tilespmem:s19+$0xFFFFFE80];
	_ =	sdelay $0x2  }
0xcd: {  	v3 =	vld [tilespmem:s19+$0xFFFFFF00]  }
0xce: {  	v0 =	vadd.f32 v0, v1  }
0xcf: {  	v1 =	vld [tilespmem:s19+$0xFFFFFF80]  }
0xd0: {  	v0 =	vadd.f32 v2, v0  }
0xd1: {  	v2 =	vld [tilespmem:s19+$0x0]  }
0xd2: {  	v0 =	vadd.f32 v3, v0  }
0xd3: {  	v3 =	vld [tilespmem:s19+$0x80]  }
0xd4: {  	v0 =	vadd.f32 v1, v0  }
0xd5: {  	v1 =	vld [tilespmem:s19+$0x100]  }
0xd6: {  	v0 =	vadd.f32 v2, v0  }
0xd7: {  	v2 =	vld [tilespmem:s19+$0x180]  }
0xd8: {  	v0 =	vadd.f32 v3, v0  }
0xd9: {  	v3 =	vld [tilespmem:s19+$0x200]  }
0xda: {  	v0 =	vadd.f32 v1, v0;
	_ =	sdelay $0x1  }
0xdb: {  	v0 =	vadd.f32 v2, v0;
	_ =	sdelay $0x1  }
0xdc: {  	v0 =	vadd.f32 v3, v0;
	_ =	sdelay $0x1  }
0xdd: {  	v0 =	vmul.f32 $1.000000010e-01, v0  }
0xde: {  	s20 =	sshra.s32 s22, $0x2  }
0xdf: {  	[tilespmem:s20+$0x19000] =	vst v0  }
0xe0: {  	v0 =	vld [tilespmem:s19+$0xFFFFFD90]  }
0xe1: {  	v1 =	vld [tilespmem:s19+$0xFFFFFE10];
	_ =	sdelay $0x1  }
0xe2: {  	v2 =	vld [tilespmem:s19+$0xFFFFFE90];
	_ =	sdelay $0x1  }
0xe3: {  	v3 =	vld [tilespmem:s19+$0xFFFFFF10]  }
0xe4: {  	v0 =	vadd.f32 v1, v0  }
0xe5: {  	v1 =	vld [tilespmem:s19+$0xFFFFFF90]  }
0xe6: {  	v0 =	vadd.f32 v2, v0  }
0xe7: {  	v2 =	vld [tilespmem:s19+$0x10]  }
0xe8: {  	v0 =	vadd.f32 v3, v0  }
0xe9: {  	v3 =	vld [tilespmem:s19+$0x90]  }
0xea: {  	v0 =	vadd.f32 v1, v0  }
0xeb: {  	v1 =	vld [tilespmem:s19+$0x110]  }
0xec: {  	v0 =	vadd.f32 v2, v0  }
0xed: {  	v2 =	vld [tilespmem:s19+$0x190]  }
0xee: {  	v0 =	vadd.f32 v3, v0  }
0xef: {  	v3 =	vld [tilespmem:s19+$0x210]  }
0xf0: {  	v0 =	vadd.f32 v1, v0;
	_ =	sdelay $0x1  }
0xf1: {  	v0 =	vadd.f32 v2, v0;
	_ =	sdelay $0x1  }
0xf2: {  	v0 =	vadd.f32 v3, v0;
	_ =	sdelay $0x1  }
0xf3: {  	v0 =	vmul.f32 $1.000000010e-01, v0;
	_ =	sdelay $0x1  }
0xf4: {  	[tilespmem:s20+$0x19010] =	vst v0  }
0xf5: {  	v0 =	vld [tilespmem:s19+$0xFFFFFDA0]  }
0xf6: {  	v1 =	vld [tilespmem:s19+$0xFFFFFE20];
	_ =	sdelay $0x1  }
0xf7: {  	v2 =	vld [tilespmem:s19+$0xFFFFFEA0];
	_ =	sdelay $0x1  }
0xf8: {  	v3 =	vld [tilespmem:s19+$0xFFFFFF20]  }
0xf9: {  	v0 =	vadd.f32 v1, v0  }
0xfa: {  	v1 =	vld [tilespmem:s19+$0xFFFFFFA0]  }
0xfb: {  	v0 =	vadd.f32 v2, v0  }
0xfc: {  	v2 =	vld [tilespmem:s19+$0x20]  }
0xfd: {  	v0 =	vadd.f32 v3, v0  }
0xfe: {  	v3 =	vld [tilespmem:s19+$0xA0]  }
0xff: {  	v0 =	vadd.f32 v1, v0  }
0x100: {  	v1 =	vld [tilespmem:s19+$0x120]  }
0x101: {  	v0 =	vadd.f32 v2, v0  }
0x102: {  	v2 =	vld [tilespmem:s19+$0x1A0]  }
0x103: {  	v0 =	vadd.f32 v3, v0  }
0x104: {  	v3 =	vld [tilespmem:s19+$0x220]  }
0x105: {  	v0 =	vadd.f32 v1, v0;
	_ =	sdelay $0x1  }
0x106: {  	v0 =	vadd.f32 v2, v0;
	_ =	sdelay $0x1  }
0x107: {  	v0 =	vadd.f32 v3, v0;
	_ =	sdelay $0x1  }
0x108: {  	v0 =	vmul.f32 $1.000000010e-01, v0;
	_ =	sdelay $0x1  }
0x109: {  	[tilespmem:s20+$0x19020] =	vst v0  }
0x10a: {  	v0 =	vld [tilespmem:s19+$0xFFFFFDB0]  }
0x10b: {  	v1 =	vld [tilespmem:s19+$0xFFFFFE30];
	_ =	sdelay $0x1  }
0x10c: {  	v2 =	vld [tilespmem:s19+$0xFFFFFEB0];
	_ =	sdelay $0x1  }
0x10d: {  	v3 =	vld [tilespmem:s19+$0xFFFFFF30]  }
0x10e: {  	v0 =	vadd.f32 v1, v0  }
0x10f: {  	v1 =	vld [tilespmem:s19+$0xFFFFFFB0]  }
0x110: {  	v0 =	vadd.f32 v2, v0  }
0x111: {  	v2 =	vld [tilespmem:s19+$0x30]  }
0x112: {  	v0 =	vadd.f32 v3, v0  }
0x113: {  	v3 =	vld [tilespmem:s19+$0xB0]  }
0x114: {  	v0 =	vadd.f32 v1, v0  }
0x115: {  	v1 =	vld [tilespmem:s19+$0x130]  }
0x116: {  	v0 =	vadd.f32 v2, v0  }
0x117: {  	v2 =	vld [tilespmem:s19+$0x1B0]  }
0x118: {  	v0 =	vadd.f32 v3, v0  }
0x119: {  	v3 =	vld [tilespmem:s19+$0x230]  }
0x11a: {  	v0 =	vadd.f32 v1, v0;
	_ =	sdelay $0x1  }
0x11b: {  	v0 =	vadd.f32 v2, v0;
	_ =	sdelay $0x1  }
0x11c: {  	v0 =	vadd.f32 v3, v0;
	_ =	sdelay $0x1  }
0x11d: {  	v0 =	vmul.f32 $1.000000010e-01, v0;
	_ =	sdelay $0x1  }
0x11e: {  	[tilespmem:s20+$0x19030] =	vst v0  }
0x11f: {  	v0 =	vld [tilespmem:s19+$0xFFFFFDC0]  }
0x120: {  	v1 =	vld [tilespmem:s19+$0xFFFFFE40];
	_ =	sdelay $0x1  }
0x121: {  	v2 =	vld [tilespmem:s19+$0xFFFFFEC0];
	_ =	sdelay $0x1  }
0x122: {  	v3 =	vld [tilespmem:s19+$0xFFFFFF40]  }
0x123: {  	v0 =	vadd.f32 v1, v0  }
0x124: {  	v1 =	vld [tilespmem:s19+$0xFFFFFFC0]  }
0x125: {  	v0 =	vadd.f32 v2, v0  }
0x126: {  	v2 =	vld [tilespmem:s19+$0x40]  }
0x127: {  	v0 =	vadd.f32 v3, v0  }
0x128: {  	v3 =	vld [tilespmem:s19+$0xC0]  }
0x129: {  	v0 =	vadd.f32 v1, v0  }
0x12a: {  	v1 =	vld [tilespmem:s19+$0x140]  }
0x12b: {  	v0 =	vadd.f32 v2, v0  }
0x12c: {  	v2 =	vld [tilespmem:s19+$0x1C0]  }
0x12d: {  	v0 =	vadd.f32 v3, v0  }
0x12e: {  	v3 =	vld [tilespmem:s19+$0x240]  }
0x12f: {  	v0 =	vadd.f32 v1, v0;
	_ =	sdelay $0x1  }
0x130: {  	v0 =	vadd.f32 v2, v0;
	_ =	sdelay $0x1  }
0x131: {  	v0 =	vadd.f32 v3, v0;
	_ =	sdelay $0x1  }
0x132: {  	v0 =	vmul.f32 $1.000000010e-01, v0;
	_ =	sdelay $0x1  }
0x133: {  	[tilespmem:s20+$0x19040] =	vst v0  }
0x134: {  	v0 =	vld [tilespmem:s19+$0xFFFFFDD0]  }
0x135: {  	v1 =	vld [tilespmem:s19+$0xFFFFFE50]  }
0x136: {  	v2 =	vld [tilespmem:s19+$0xFFFFFED0]  }
0x137: {  	v3 =	vld [tilespmem:s19+$0xFFFFFF50]  }
0x138: {  	v4 =	vld [tilespmem:s19+$0xFFFFFFD0]  }
0x139: {  	v5 =	vld [tilespmem:s19+$0x50]  }
0x13a: {  	v0 =	vadd.f32 v1, v0;
	v1 =	vld [tilespmem:s19+$0xD0]  }
0x13b: {  	v6 =	vld [tilespmem:s19+$0x150]  }
0x13c: {  	v0 =	vadd.f32 v2, v0;
	v2 =	vld [tilespmem:s19+$0x1D0]  }
0x13d: {  	v7 =	vld [tilespmem:s19+$0x250]  }
0x13e: {  	v0 =	vadd.f32 v3, v0;
	_ =	sdelay $0x1  }
0x13f: {  	v0 =	vadd.f32 v4, v0;
	_ =	sdelay $0x1  }
0x140: {  	v0 =	vadd.f32 v5, v0;
	_ =	sdelay $0x1  }
0x141: {  	v0 =	vadd.f32 v1, v0;
	_ =	sdelay $0x1  }
0x142: {  	v0 =	vadd.f32 v6, v0;
	_ =	sdelay $0x1  }
0x143: {  	v0 =	vadd.f32 v2, v0;
	_ =	sdelay $0x1  }
0x144: {  	v0 =	vadd.f32 v7, v0;
	_ =	sdelay $0x1  }
0x145: {  	v0 =	vmul.f32 $1.000000010e-01, v0;
	_ =	sdelay $0x1  }
0x146: {  	[tilespmem:s20+$0x19050] =	vst v0  }
0x147: {  	v0 =	vld [tilespmem:s19+$0xFFFFFDE0]  }
0x148: {  	v1 =	vld [tilespmem:s19+$0xFFFFFE60]  }
0x149: {  	v2 =	vld [tilespmem:s19+$0xFFFFFEE0]  }
0x14a: {  	v3 =	vld [tilespmem:s19+$0xFFFFFF60]  }
0x14b: {  	v4 =	vld [tilespmem:s19+$0xFFFFFFE0]  }
0x14c: {  	v5 =	vld [tilespmem:s19+$0x60]  }
0x14d: {  	v0 =	vadd.f32 v1, v0;
	v1 =	vld [tilespmem:s19+$0xE0]  }
0x14e: {  	v6 =	vld [tilespmem:s19+$0x160]  }
0x14f: {  	v0 =	vadd.f32 v2, v0;
	v2 =	vld [tilespmem:s19+$0x1E0]  }
0x150: {  	v7 =	vld [tilespmem:s19+$0x260]  }
0x151: {  	v0 =	vadd.f32 v3, v0;
	_ =	sdelay $0x1  }
0x152: {  	v0 =	vadd.f32 v4, v0;
	_ =	sdelay $0x1  }
0x153: {  	v0 =	vadd.f32 v5, v0;
	_ =	sdelay $0x1  }
0x154: {  	v0 =	vadd.f32 v1, v0;
	_ =	sdelay $0x1  }
0x155: {  	v0 =	vadd.f32 v6, v0;
	_ =	sdelay $0x1  }
0x156: {  	v0 =	vadd.f32 v2, v0;
	_ =	sdelay $0x1  }
0x157: {  	v0 =	vadd.f32 v7, v0;
	_ =	sdelay $0x1  }
0x158: {  	v0 =	vmul.f32 $1.000000010e-01, v0;
	_ =	sdelay $0x1  }
0x159: {  	[tilespmem:s20+$0x19060] =	vst v0  }
0x15a: {  	v0 =	vld [tilespmem:s19+$0xFFFFFDF0]  }
0x15b: {  	v1 =	vld [tilespmem:s19+$0xFFFFFE70]  }
0x15c: {  	v3 =	vld [tilespmem:s19+$0xFFFFFEF0]  }
0x15d: {  	v4 =	vld [tilespmem:s19+$0xFFFFFF70]  }
0x15e: {  	v5 =	vld [tilespmem:s19+$0xFFFFFFF0]  }
0x15f: {  	v6 =	vld [tilespmem:s19+$0x70]  }
0x160: {  	v0 =	vadd.f32 v1, v0;
	v7 =	vld [tilespmem:s19+$0xF0]  }
0x161: {  	v2 =	vld [tilespmem:s19+$0x170]  }
0x162: {  	v3 =	vadd.f32 v3, v0;
	v0 =	vld [tilespmem:s19+$0x1F0]  }
0x163: {  	v1 =	vld [tilespmem:s19+$0x270]  }
0x164: {  	v3 =	vadd.f32 v4, v3;
	_ =	sdelay $0x1  }
.Ltmp2:
0x165: {  	v3 =	vadd.f32 v5, v3;
	(pc) =	sbr.rel @p0 .LBB2_3-.Ltmp2, $3  }
0x166: {  	_ = 	snop  }
0x167: {  	v3 =	vadd.f32 v6, v3;
	_ =	sdelay $0x1  }
0x168: {  	v3 =	vadd.f32 v7, v3  }
0x169: {  	_ = 	snop  }
0x16a: {  	v2 =	vadd.f32 v2, v3;
	_ =	sdelay $0x1  }
0x16b: {  	s19 =	smul.u32 $0x50, s18;
	v0 =	vadd.f32 v0, v2;
	_ =	sdelay $0x1  }
0x16c: {  	s21 =	sadd.s32 s5, s19;
	v0 =	vadd.f32 v1, v0  }
0x16d: {  	p0 =	seq.s32 s18, $0x9;
	s21 =	sshll.u32 s21, $0x4  }
0x16e: {  	s30 =	sadd.s32 s4, s21;
	s21 =	smul.u32 @!p0 $0x320, s18;
	v0 =	vmul.f32 $1.000000010e-01, v0;
	_ =	sdelay $0x1  }
0x16f: {  	[tilespmem:s20+$0x19070] =	vst v0;
	s20 =	sadd.s32 @!p0 s21, s8  }
0x170: {  	[hbm4b:s30+s3] =	stream.linear.scatter [tilespmem:s14], [sflag:$0x2], $0x1400, $0x38;
	[tilespmem:$0x1B800] =	vst v63  }
0x171: {  	p1 =	seq.s32 @!p0 s18, $0x0;
	s20 =	sshll.u32 @!p0 s20, $0x4  }
0x172: {  	p1 =	por p0, !p1;
	s21 =	simm.s32 @!p0 $0x0;
	s20 =	sadd.s32 @!p0 s2, s20  }
0x173: {  	[tilespmem:s21], [sflag:$0x1] =	stream.linear.gather @!p0 [hbm4b:s20+s21], $0xC800, $0x38;
	[tilespmem:$0x1B800] =	vst v63  }
0x174: {  	_ =	swait.ge @p1 [sflag:s16], $0x1400  }
0x175: {  	[sflag:s16] =	ssyncset.done @p1 $0x0  }
0x176: {  	[sflag:s16] =	ssyncadd.s32 @p1 $0xFFFFEC00  }
0x177: {  	_ =	swait.ge [sflag:s13], $0xC800  }
0x178: {  	[sflag:s13] =	ssyncset.done $0x0  }
0x179: {  	s31 =	simm.s32 $0x0;
	[sflag:s13] =	ssyncadd.s32 $0xFFFF3800  }
0x17a: {  	v0 =	vld [tilespmem:s31+$0xC800]  }
0x17b: {  	v1 =	vld [tilespmem:s31+$0xC880];
	_ =	sdelay $0x1  }
0x17c: {  	v2 =	vld [tilespmem:s31+$0xC900];
	_ =	sdelay $0x1  }
0x17d: {  	v3 =	vld [tilespmem:s31+$0xC980]  }
0x17e: {  	v0 =	vadd.f32 v1, v0  }
0x17f: {  	v1 =	vld [tilespmem:s31+$0xCA00]  }
0x180: {  	v0 =	vadd.f32 v2, v0  }
0x181: {  	v2 =	vld [tilespmem:s31+$0xCA80]  }
0x182: {  	v0 =	vadd.f32 v3, v0  }
0x183: {  	v3 =	vld [tilespmem:s31+$0xCB00]  }
0x184: {  	v0 =	vadd.f32 v1, v0  }
0x185: {  	v1 =	vld [tilespmem:s31+$0xCB80]  }
0x186: {  	v0 =	vadd.f32 v2, v0  }
0x187: {  	v2 =	vld [tilespmem:s31+$0xCC00]  }
0x188: {  	v0 =	vadd.f32 v3, v0  }
0x189: {  	v3 =	vld [tilespmem:s31+$0xCC80]  }
0x18a: {  	v0 =	vadd.f32 v1, v0;
	_ =	sdelay $0x1  }
0x18b: {  	v0 =	vadd.f32 v2, v0;
	_ =	sdelay $0x1  }
0x18c: {  	v0 =	vadd.f32 v3, v0;
	_ =	sdelay $0x1  }
0x18d: {  	v0 =	vmul.f32 $1.000000010e-01, v0  }
0x18e: {  	s20 =	simm.s32 $0x1A470  }
0x18f: {  	[tilespmem:s20+$0xFFFFFF90] =	vst v0  }
0x190: {  	v0 =	vld [tilespmem:s31+$0xC810]  }
0x191: {  	v1 =	vld [tilespmem:s31+$0xC890];
	_ =	sdelay $0x1  }
0x192: {  	v2 =	vld [tilespmem:s31+$0xC910];
	_ =	sdelay $0x1  }
0x193: {  	v3 =	vld [tilespmem:s31+$0xC990]  }
0x194: {  	v0 =	vadd.f32 v1, v0  }
0x195: {  	v1 =	vld [tilespmem:s31+$0xCA10]  }
0x196: {  	v0 =	vadd.f32 v2, v0  }
0x197: {  	v2 =	vld [tilespmem:s31+$0xCA90]  }
0x198: {  	v0 =	vadd.f32 v3, v0  }
0x199: {  	v3 =	vld [tilespmem:s31+$0xCB10]  }
0x19a: {  	v0 =	vadd.f32 v1, v0  }
0x19b: {  	v1 =	vld [tilespmem:s31+$0xCB90]  }
0x19c: {  	v0 =	vadd.f32 v2, v0  }
0x19d: {  	v2 =	vld [tilespmem:s31+$0xCC10]  }
0x19e: {  	v0 =	vadd.f32 v3, v0  }
0x19f: {  	v3 =	vld [tilespmem:s31+$0xCC90]  }
0x1a0: {  	v0 =	vadd.f32 v1, v0;
	_ =	sdelay $0x1  }
0x1a1: {  	v0 =	vadd.f32 v2, v0;
	_ =	sdelay $0x1  }
0x1a2: {  	v0 =	vadd.f32 v3, v0;
	_ =	sdelay $0x1  }
0x1a3: {  	v0 =	vmul.f32 $1.000000010e-01, v0;
	_ =	sdelay $0x1  }
0x1a4: {  	[tilespmem:s20+$0xFFFFFFA0] =	vst v0  }
0x1a5: {  	v0 =	vld [tilespmem:s31+$0xC820]  }
0x1a6: {  	v1 =	vld [tilespmem:s31+$0xC8A0];
	_ =	sdelay $0x1  }
0x1a7: {  	v2 =	vld [tilespmem:s31+$0xC920];
	_ =	sdelay $0x1  }
0x1a8: {  	v3 =	vld [tilespmem:s31+$0xC9A0]  }
0x1a9: {  	v0 =	vadd.f32 v1, v0  }
0x1aa: {  	v1 =	vld [tilespmem:s31+$0xCA20]  }
0x1ab: {  	v0 =	vadd.f32 v2, v0  }
0x1ac: {  	v2 =	vld [tilespmem:s31+$0xCAA0]  }
0x1ad: {  	v0 =	vadd.f32 v3, v0  }
0x1ae: {  	v3 =	vld [tilespmem:s31+$0xCB20]  }
0x1af: {  	v0 =	vadd.f32 v1, v0  }
0x1b0: {  	v1 =	vld [tilespmem:s31+$0xCBA0]  }
0x1b1: {  	v0 =	vadd.f32 v2, v0  }
0x1b2: {  	v2 =	vld [tilespmem:s31+$0xCC20]  }
0x1b3: {  	v0 =	vadd.f32 v3, v0  }
0x1b4: {  	v3 =	vld [tilespmem:s31+$0xCCA0]  }
0x1b5: {  	v0 =	vadd.f32 v1, v0;
	_ =	sdelay $0x1  }
0x1b6: {  	v0 =	vadd.f32 v2, v0;
	_ =	sdelay $0x1  }
0x1b7: {  	v0 =	vadd.f32 v3, v0;
	_ =	sdelay $0x1  }
0x1b8: {  	v0 =	vmul.f32 $1.000000010e-01, v0;
	_ =	sdelay $0x1  }
0x1b9: {  	[tilespmem:s20+$0xFFFFFFB0] =	vst v0  }
0x1ba: {  	v0 =	vld [tilespmem:s31+$0xC830]  }
0x1bb: {  	v1 =	vld [tilespmem:s31+$0xC8B0];
	_ =	sdelay $0x1  }
0x1bc: {  	v2 =	vld [tilespmem:s31+$0xC930];
	_ =	sdelay $0x1  }
0x1bd: {  	v3 =	vld [tilespmem:s31+$0xC9B0]  }
0x1be: {  	v0 =	vadd.f32 v1, v0  }
0x1bf: {  	v1 =	vld [tilespmem:s31+$0xCA30]  }
0x1c0: {  	v0 =	vadd.f32 v2, v0  }
0x1c1: {  	v2 =	vld [tilespmem:s31+$0xCAB0]  }
0x1c2: {  	v0 =	vadd.f32 v3, v0  }
0x1c3: {  	v3 =	vld [tilespmem:s31+$0xCB30]  }
0x1c4: {  	v0 =	vadd.f32 v1, v0  }
0x1c5: {  	v1 =	vld [tilespmem:s31+$0xCBB0]  }
0x1c6: {  	v0 =	vadd.f32 v2, v0  }
0x1c7: {  	v2 =	vld [tilespmem:s31+$0xCC30]  }
0x1c8: {  	v0 =	vadd.f32 v3, v0  }
0x1c9: {  	v3 =	vld [tilespmem:s31+$0xCCB0]  }
0x1ca: {  	v0 =	vadd.f32 v1, v0;
	_ =	sdelay $0x1  }
0x1cb: {  	v0 =	vadd.f32 v2, v0;
	_ =	sdelay $0x1  }
0x1cc: {  	v0 =	vadd.f32 v3, v0;
	_ =	sdelay $0x1  }
0x1cd: {  	v0 =	vmul.f32 $1.000000010e-01, v0;
	_ =	sdelay $0x1  }
0x1ce: {  	[tilespmem:s20+$0xFFFFFFC0] =	vst v0  }
0x1cf: {  	v0 =	vld [tilespmem:s31+$0xC840]  }
0x1d0: {  	v1 =	vld [tilespmem:s31+$0xC8C0];
	_ =	sdelay $0x1  }
0x1d1: {  	v2 =	vld [tilespmem:s31+$0xC940];
	_ =	sdelay $0x1  }
0x1d2: {  	v3 =	vld [tilespmem:s31+$0xC9C0]  }
0x1d3: {  	v0 =	vadd.f32 v1, v0  }
0x1d4: {  	v1 =	vld [tilespmem:s31+$0xCA40]  }
0x1d5: {  	v0 =	vadd.f32 v2, v0  }
0x1d6: {  	v2 =	vld [tilespmem:s31+$0xCAC0]  }
0x1d7: {  	v0 =	vadd.f32 v3, v0  }
0x1d8: {  	v3 =	vld [tilespmem:s31+$0xCB40]  }
0x1d9: {  	v0 =	vadd.f32 v1, v0  }
0x1da: {  	v1 =	vld [tilespmem:s31+$0xCBC0]  }
0x1db: {  	v0 =	vadd.f32 v2, v0  }
0x1dc: {  	v2 =	vld [tilespmem:s31+$0xCC40]  }
0x1dd: {  	v0 =	vadd.f32 v3, v0  }
0x1de: {  	v3 =	vld [tilespmem:s31+$0xCCC0]  }
0x1df: {  	v0 =	vadd.f32 v1, v0;
	_ =	sdelay $0x1  }
0x1e0: {  	v0 =	vadd.f32 v2, v0;
	_ =	sdelay $0x1  }
0x1e1: {  	v0 =	vadd.f32 v3, v0;
	_ =	sdelay $0x1  }
0x1e2: {  	v0 =	vmul.f32 $1.000000010e-01, v0;
	_ =	sdelay $0x1  }
0x1e3: {  	[tilespmem:s20+$0xFFFFFFD0] =	vst v0  }
0x1e4: {  	v0 =	vld [tilespmem:s31+$0xC850]  }
0x1e5: {  	v1 =	vld [tilespmem:s31+$0xC8D0];
	_ =	sdelay $0x1  }
0x1e6: {  	v2 =	vld [tilespmem:s31+$0xC950];
	_ =	sdelay $0x1  }
0x1e7: {  	v3 =	vld [tilespmem:s31+$0xC9D0]  }
0x1e8: {  	v0 =	vadd.f32 v1, v0  }
0x1e9: {  	v1 =	vld [tilespmem:s31+$0xCA50]  }
0x1ea: {  	v0 =	vadd.f32 v2, v0  }
0x1eb: {  	v2 =	vld [tilespmem:s31+$0xCAD0]  }
0x1ec: {  	v0 =	vadd.f32 v3, v0  }
0x1ed: {  	v3 =	vld [tilespmem:s31+$0xCB50]  }
0x1ee: {  	v0 =	vadd.f32 v1, v0  }
0x1ef: {  	v1 =	vld [tilespmem:s31+$0xCBD0]  }
0x1f0: {  	v0 =	vadd.f32 v2, v0  }
0x1f1: {  	v2 =	vld [tilespmem:s31+$0xCC50]  }
0x1f2: {  	v0 =	vadd.f32 v3, v0  }
0x1f3: {  	v3 =	vld [tilespmem:s31+$0xCCD0]  }
0x1f4: {  	v0 =	vadd.f32 v1, v0;
	_ =	sdelay $0x1  }
0x1f5: {  	v0 =	vadd.f32 v2, v0;
	_ =	sdelay $0x1  }
0x1f6: {  	v0 =	vadd.f32 v3, v0;
	_ =	sdelay $0x1  }
0x1f7: {  	v0 =	vmul.f32 $1.000000010e-01, v0;
	_ =	sdelay $0x1  }
0x1f8: {  	[tilespmem:s20+$0xFFFFFFE0] =	vst v0  }
0x1f9: {  	v0 =	vld [tilespmem:s31+$0xC860]  }
0x1fa: {  	v1 =	vld [tilespmem:s31+$0xC8E0];
	_ =	sdelay $0x1  }
0x1fb: {  	v2 =	vld [tilespmem:s31+$0xC960];
	_ =	sdelay $0x1  }
0x1fc: {  	v3 =	vld [tilespmem:s31+$0xC9E0]  }
0x1fd: {  	v0 =	vadd.f32 v1, v0  }
0x1fe: {  	v1 =	vld [tilespmem:s31+$0xCA60]  }
0x1ff: {  	v0 =	vadd.f32 v2, v0  }
0x200: {  	v2 =	vld [tilespmem:s31+$0xCAE0]  }
0x201: {  	v0 =	vadd.f32 v3, v0  }
0x202: {  	v3 =	vld [tilespmem:s31+$0xCB60]  }
0x203: {  	v0 =	vadd.f32 v1, v0  }
0x204: {  	v1 =	vld [tilespmem:s31+$0xCBE0]  }
0x205: {  	v0 =	vadd.f32 v2, v0  }
0x206: {  	v2 =	vld [tilespmem:s31+$0xCC60]  }
0x207: {  	v0 =	vadd.f32 v3, v0  }
0x208: {  	v3 =	vld [tilespmem:s31+$0xCCE0]  }
0x209: {  	v0 =	vadd.f32 v1, v0;
	_ =	sdelay $0x1  }
0x20a: {  	v0 =	vadd.f32 v2, v0;
	_ =	sdelay $0x1  }
0x20b: {  	v0 =	vadd.f32 v3, v0;
	_ =	sdelay $0x1  }
0x20c: {  	v0 =	vmul.f32 $1.000000010e-01, v0;
	_ =	sdelay $0x1  }
0x20d: {  	[tilespmem:s20+$0xFFFFFFF0] =	vst v0  }
0x20e: {  	v0 =	vld [tilespmem:s31+$0xC870]  }
0x20f: {  	v1 =	vld [tilespmem:s31+$0xC8F0];
	_ =	sdelay $0x1  }
0x210: {  	v2 =	vld [tilespmem:s31+$0xC970];
	_ =	sdelay $0x1  }
0x211: {  	v3 =	vld [tilespmem:s31+$0xC9F0]  }
0x212: {  	v0 =	vadd.f32 v1, v0  }
0x213: {  	v1 =	vld [tilespmem:s31+$0xCA70]  }
0x214: {  	v0 =	vadd.f32 v2, v0  }
0x215: {  	v2 =	vld [tilespmem:s31+$0xCAF0]  }
0x216: {  	v0 =	vadd.f32 v3, v0  }
0x217: {  	v3 =	vld [tilespmem:s31+$0xCB70]  }
0x218: {  	v1 =	vadd.f32 v1, v0;
	_ =	sdelay $0x1  }
0x219: {  	v0 =	vld [tilespmem:s31+$0xCBF0];
	v4 =	vadd.f32 v2, v1  }
0x21a: {  	v1 =	vld [tilespmem:s31+$0xCC70]  }
0x21b: {  	s22 =	simm.s32 $0x1400;
	s21 =	simm.s32 $0x1A470;
	v2 =	vld [tilespmem:s31+$0xCCF0];
	v3 =	vadd.f32 v3, v4  }
.LBB2_5:
0x21c: {  	p1 =	sne.s32 s22, $0x30C00  }
0x21d: {  	s20 =	sadd.s32 $0x80, s20;
	s23 =	smov.u32 s22;
	s22 =	sadd.s32 $0x1400, s22  }
0x21e: {  	v0 =	vadd.f32 v0, v3;
	_ =	sdelay $0x1  }
0x21f: {  	v0 =	vadd.f32 v1, v0;
	_ =	sdelay $0x1  }
0x220: {  	v0 =	vadd.f32 v2, v0;
	_ =	sdelay $0x1  }
0x221: {  	v0 =	vmul.f32 $1.000000010e-01, v0  }
0x222: {  	s23 =	sshra.s32 s23, $0x2  }
0x223: {  	[tilespmem:s21+$0x0] =	vst v0;
	s21 =	smov.u32 s20  }
0x224: {  	v0 =	vld [tilespmem:s23+$0xC800]  }
0x225: {  	v1 =	vld [tilespmem:s23+$0xC880]  }
0x226: {  	v2 =	vld [tilespmem:s23+$0xC900];
	_ =	sdelay $0x1  }
0x227: {  	v3 =	vld [tilespmem:s23+$0xC980];
	_ =	sdelay $0x1  }
0x228: {  	v0 =	vadd.f32 v1, v0  }
0x229: {  	v1 =	vld [tilespmem:s23+$0xCA00]  }
0x22a: {  	v0 =	vadd.f32 v2, v0  }
0x22b: {  	v2 =	vld [tilespmem:s23+$0xCA80]  }
0x22c: {  	v0 =	vadd.f32 v3, v0  }
0x22d: {  	v3 =	vld [tilespmem:s23+$0xCB00]  }
0x22e: {  	v0 =	vadd.f32 v1, v0  }
0x22f: {  	v1 =	vld [tilespmem:s23+$0xCB80]  }
0x230: {  	v0 =	vadd.f32 v2, v0  }
0x231: {  	v2 =	vld [tilespmem:s23+$0xCC00]  }
0x232: {  	v0 =	vadd.f32 v3, v0  }
0x233: {  	v3 =	vld [tilespmem:s23+$0xCC80]  }
0x234: {  	v0 =	vadd.f32 v1, v0;
	_ =	sdelay $0x1  }
0x235: {  	v0 =	vadd.f32 v2, v0;
	_ =	sdelay $0x1  }
0x236: {  	v0 =	vadd.f32 v3, v0;
	_ =	sdelay $0x1  }
0x237: {  	v0 =	vmul.f32 $1.000000010e-01, v0;
	_ =	sdelay $0x1  }
0x238: {  	[tilespmem:s20+$0xFFFFFF90] =	vst v0  }
0x239: {  	v0 =	vld [tilespmem:s23+$0xC810]  }
0x23a: {  	v1 =	vld [tilespmem:s23+$0xC890];
	_ =	sdelay $0x1  }
0x23b: {  	v2 =	vld [tilespmem:s23+$0xC910];
	_ =	sdelay $0x1  }
0x23c: {  	v3 =	vld [tilespmem:s23+$0xC990]  }
0x23d: {  	v0 =	vadd.f32 v1, v0  }
0x23e: {  	v1 =	vld [tilespmem:s23+$0xCA10]  }
0x23f: {  	v0 =	vadd.f32 v2, v0  }
0x240: {  	v2 =	vld [tilespmem:s23+$0xCA90]  }
0x241: {  	v0 =	vadd.f32 v3, v0  }
0x242: {  	v3 =	vld [tilespmem:s23+$0xCB10]  }
0x243: {  	v0 =	vadd.f32 v1, v0  }
0x244: {  	v1 =	vld [tilespmem:s23+$0xCB90]  }
0x245: {  	v0 =	vadd.f32 v2, v0  }
0x246: {  	v2 =	vld [tilespmem:s23+$0xCC10]  }
0x247: {  	v0 =	vadd.f32 v3, v0  }
0x248: {  	v3 =	vld [tilespmem:s23+$0xCC90]  }
0x249: {  	v0 =	vadd.f32 v1, v0;
	_ =	sdelay $0x1  }
0x24a: {  	v0 =	vadd.f32 v2, v0;
	_ =	sdelay $0x1  }
0x24b: {  	v0 =	vadd.f32 v3, v0;
	_ =	sdelay $0x1  }
0x24c: {  	v0 =	vmul.f32 $1.000000010e-01, v0;
	_ =	sdelay $0x1  }
0x24d: {  	[tilespmem:s20+$0xFFFFFFA0] =	vst v0  }
0x24e: {  	v0 =	vld [tilespmem:s23+$0xC820]  }
0x24f: {  	v1 =	vld [tilespmem:s23+$0xC8A0];
	_ =	sdelay $0x1  }
0x250: {  	v2 =	vld [tilespmem:s23+$0xC920];
	_ =	sdelay $0x1  }
0x251: {  	v3 =	vld [tilespmem:s23+$0xC9A0]  }
0x252: {  	v0 =	vadd.f32 v1, v0  }
0x253: {  	v1 =	vld [tilespmem:s23+$0xCA20]  }
0x254: {  	v0 =	vadd.f32 v2, v0  }
0x255: {  	v2 =	vld [tilespmem:s23+$0xCAA0]  }
0x256: {  	v0 =	vadd.f32 v3, v0  }
0x257: {  	v3 =	vld [tilespmem:s23+$0xCB20]  }
0x258: {  	v0 =	vadd.f32 v1, v0  }
0x259: {  	v1 =	vld [tilespmem:s23+$0xCBA0]  }
0x25a: {  	v0 =	vadd.f32 v2, v0  }
0x25b: {  	v2 =	vld [tilespmem:s23+$0xCC20]  }
0x25c: {  	v0 =	vadd.f32 v3, v0  }
0x25d: {  	v3 =	vld [tilespmem:s23+$0xCCA0]  }
0x25e: {  	v0 =	vadd.f32 v1, v0;
	_ =	sdelay $0x1  }
0x25f: {  	v0 =	vadd.f32 v2, v0;
	_ =	sdelay $0x1  }
0x260: {  	v0 =	vadd.f32 v3, v0;
	_ =	sdelay $0x1  }
0x261: {  	v0 =	vmul.f32 $1.000000010e-01, v0;
	_ =	sdelay $0x1  }
0x262: {  	[tilespmem:s20+$0xFFFFFFB0] =	vst v0  }
0x263: {  	v0 =	vld [tilespmem:s23+$0xC830]  }
0x264: {  	v1 =	vld [tilespmem:s23+$0xC8B0]  }
0x265: {  	v2 =	vld [tilespmem:s23+$0xC930];
	_ =	sdelay $0x2  }
0x266: {  	v3 =	vld [tilespmem:s23+$0xC9B0]  }
0x267: {  	v0 =	vadd.f32 v1, v0  }
0x268: {  	v1 =	vld [tilespmem:s23+$0xCA30]  }
0x269: {  	v0 =	vadd.f32 v2, v0  }
0x26a: {  	v2 =	vld [tilespmem:s23+$0xCAB0]  }
0x26b: {  	v0 =	vadd.f32 v3, v0  }
0x26c: {  	v3 =	vld [tilespmem:s23+$0xCB30]  }
0x26d: {  	v0 =	vadd.f32 v1, v0  }
0x26e: {  	v1 =	vld [tilespmem:s23+$0xCBB0]  }
0x26f: {  	v0 =	vadd.f32 v2, v0  }
0x270: {  	v2 =	vld [tilespmem:s23+$0xCC30]  }
0x271: {  	v0 =	vadd.f32 v3, v0  }
0x272: {  	v3 =	vld [tilespmem:s23+$0xCCB0]  }
0x273: {  	v0 =	vadd.f32 v1, v0;
	_ =	sdelay $0x1  }
0x274: {  	v0 =	vadd.f32 v2, v0;
	_ =	sdelay $0x1  }
0x275: {  	v0 =	vadd.f32 v3, v0;
	_ =	sdelay $0x1  }
0x276: {  	v0 =	vmul.f32 $1.000000010e-01, v0;
	_ =	sdelay $0x1  }
0x277: {  	[tilespmem:s20+$0xFFFFFFC0] =	vst v0  }
0x278: {  	v0 =	vld [tilespmem:s23+$0xC840]  }
0x279: {  	v1 =	vld [tilespmem:s23+$0xC8C0];
	_ =	sdelay $0x1  }
0x27a: {  	v2 =	vld [tilespmem:s23+$0xC940];
	_ =	sdelay $0x1  }
0x27b: {  	v3 =	vld [tilespmem:s23+$0xC9C0]  }
0x27c: {  	v0 =	vadd.f32 v1, v0  }
0x27d: {  	v1 =	vld [tilespmem:s23+$0xCA40]  }
0x27e: {  	v0 =	vadd.f32 v2, v0  }
0x27f: {  	v2 =	vld [tilespmem:s23+$0xCAC0]  }
0x280: {  	v0 =	vadd.f32 v3, v0  }
0x281: {  	v3 =	vld [tilespmem:s23+$0xCB40]  }
0x282: {  	v0 =	vadd.f32 v1, v0  }
0x283: {  	v1 =	vld [tilespmem:s23+$0xCBC0]  }
0x284: {  	v0 =	vadd.f32 v2, v0  }
0x285: {  	v2 =	vld [tilespmem:s23+$0xCC40]  }
0x286: {  	v0 =	vadd.f32 v3, v0  }
0x287: {  	v3 =	vld [tilespmem:s23+$0xCCC0]  }
0x288: {  	v0 =	vadd.f32 v1, v0;
	_ =	sdelay $0x1  }
0x289: {  	v0 =	vadd.f32 v2, v0;
	_ =	sdelay $0x1  }
0x28a: {  	v0 =	vadd.f32 v3, v0;
	_ =	sdelay $0x1  }
0x28b: {  	v0 =	vmul.f32 $1.000000010e-01, v0;
	_ =	sdelay $0x1  }
0x28c: {  	[tilespmem:s20+$0xFFFFFFD0] =	vst v0  }
0x28d: {  	v0 =	vld [tilespmem:s23+$0xC850]  }
0x28e: {  	v1 =	vld [tilespmem:s23+$0xC8D0]  }
0x28f: {  	v2 =	vld [tilespmem:s23+$0xC950]  }
0x290: {  	v3 =	vld [tilespmem:s23+$0xC9D0]  }
0x291: {  	v4 =	vld [tilespmem:s23+$0xCA50]  }
0x292: {  	v5 =	vld [tilespmem:s23+$0xCAD0]  }
0x293: {  	v0 =	vadd.f32 v1, v0;
	v1 =	vld [tilespmem:s23+$0xCB50]  }
0x294: {  	v6 =	vld [tilespmem:s23+$0xCBD0]  }
0x295: {  	v0 =	vadd.f32 v2, v0;
	v2 =	vld [tilespmem:s23+$0xCC50]  }
0x296: {  	v7 =	vld [tilespmem:s23+$0xCCD0]  }
0x297: {  	v0 =	vadd.f32 v3, v0;
	_ =	sdelay $0x1  }
0x298: {  	v0 =	vadd.f32 v4, v0;
	_ =	sdelay $0x1  }
0x299: {  	v0 =	vadd.f32 v5, v0;
	_ =	sdelay $0x1  }
0x29a: {  	v0 =	vadd.f32 v1, v0;
	_ =	sdelay $0x1  }
0x29b: {  	v0 =	vadd.f32 v6, v0;
	_ =	sdelay $0x1  }
0x29c: {  	v0 =	vadd.f32 v2, v0;
	_ =	sdelay $0x1  }
0x29d: {  	v0 =	vadd.f32 v7, v0;
	_ =	sdelay $0x1  }
0x29e: {  	v0 =	vmul.f32 $1.000000010e-01, v0;
	_ =	sdelay $0x1  }
0x29f: {  	[tilespmem:s20+$0xFFFFFFE0] =	vst v0  }
0x2a0: {  	v0 =	vld [tilespmem:s23+$0xC860]  }
0x2a1: {  	v1 =	vld [tilespmem:s23+$0xC8E0]  }
0x2a2: {  	v2 =	vld [tilespmem:s23+$0xC960]  }
0x2a3: {  	v3 =	vld [tilespmem:s23+$0xC9E0]  }
0x2a4: {  	v4 =	vld [tilespmem:s23+$0xCA60]  }
0x2a5: {  	v5 =	vld [tilespmem:s23+$0xCAE0]  }
0x2a6: {  	v0 =	vadd.f32 v1, v0;
	v1 =	vld [tilespmem:s23+$0xCB60]  }
0x2a7: {  	v6 =	vld [tilespmem:s23+$0xCBE0]  }
0x2a8: {  	v0 =	vadd.f32 v2, v0;
	v2 =	vld [tilespmem:s23+$0xCC60]  }
0x2a9: {  	v7 =	vld [tilespmem:s23+$0xCCE0]  }
0x2aa: {  	v0 =	vadd.f32 v3, v0;
	_ =	sdelay $0x1  }
0x2ab: {  	v0 =	vadd.f32 v4, v0;
	_ =	sdelay $0x1  }
0x2ac: {  	v0 =	vadd.f32 v5, v0;
	_ =	sdelay $0x1  }
0x2ad: {  	v0 =	vadd.f32 v1, v0;
	_ =	sdelay $0x1  }
0x2ae: {  	v0 =	vadd.f32 v6, v0;
	_ =	sdelay $0x1  }
0x2af: {  	v0 =	vadd.f32 v2, v0;
	_ =	sdelay $0x1  }
0x2b0: {  	v0 =	vadd.f32 v7, v0;
	_ =	sdelay $0x1  }
0x2b1: {  	v0 =	vmul.f32 $1.000000010e-01, v0;
	_ =	sdelay $0x1  }
0x2b2: {  	[tilespmem:s20+$0xFFFFFFF0] =	vst v0  }
0x2b3: {  	v0 =	vld [tilespmem:s23+$0xC870]  }
0x2b4: {  	v1 =	vld [tilespmem:s23+$0xC8F0]  }
0x2b5: {  	v2 =	vld [tilespmem:s23+$0xC970]  }
0x2b6: {  	v3 =	vld [tilespmem:s23+$0xC9F0]  }
0x2b7: {  	v4 =	vld [tilespmem:s23+$0xCA70]  }
0x2b8: {  	v5 =	vld [tilespmem:s23+$0xCAF0]  }
0x2b9: {  	v1 =	vadd.f32 v1, v0;
	v6 =	vld [tilespmem:s23+$0xCB70]  }
0x2ba: {  	v0 =	vld [tilespmem:s23+$0xCBF0]  }
0x2bb: {  	v7 =	vadd.f32 v2, v1;
	v1 =	vld [tilespmem:s23+$0xCC70]  }
0x2bc: {  	v2 =	vld [tilespmem:s23+$0xCCF0]  }
0x2bd: {  	v3 =	vadd.f32 v3, v7;
	_ =	sdelay $0x1  }
.Ltmp3:
0x2be: {  	v3 =	vadd.f32 v4, v3;
	(pc) =	sbr.rel @p1 .LBB2_5-.Ltmp3, $3  }
0x2bf: {  	_ = 	snop  }
0x2c0: {  	v3 =	vadd.f32 v5, v3;
	_ =	sdelay $0x1  }
0x2c1: {  	v3 =	vadd.f32 v6, v3  }
0x2c2: {  	_ = 	snop  }
0x2c3: {  	v0 =	vadd.f32 v0, v3;
	_ =	sdelay $0x1  }
0x2c4: {  	v0 =	vadd.f32 v1, v0;
	_ =	sdelay $0x1  }
0x2c5: {  	v0 =	vadd.f32 v2, v0  }
.Ltmp4:
0x2c6: {  	_ = 	snop;
	(pc) =	sbr.rel @p0 .LBB2_8-.Ltmp4, $4  }
0x2c7: {  	s19 =	sadd.s32 s19, s9;
	v0 =	vmul.f32 $1.000000010e-01, v0  }
0x2c8: {  	s19 =	sshll.u32 s19, $0x4  }
0x2c9: {  	s19 =	sadd.s32 s4, s19;
	[tilespmem:s21+$0x0] =	vst v0  }
0x2ca: {  	[hbm4b:s19+s3] =	stream.linear.scatter [tilespmem:s15], [sflag:$0x2], $0x1400, $0x38;
	[tilespmem:$0x1B800] =	vst v63  }
0x2cb: {  	s19 =	smul.u32 $0x320, s18  }
.Ltmp5:
0x2cc: {  	_ = 	snop;
	(pc) =	sbr.rel .LBB2_2-.Ltmp5, $4  }
0x2cd: {  	s19 =	sadd.s32 s19, s10  }
0x2ce: {  	s19 =	sshll.u32 s19, $0x4  }
0x2cf: {  	s18 =	sadd.s32 $0x1, s18;
	s19 =	sadd.s32 s2, s19  }
0x2d0: {  	[tilespmem:s12], [sflag:$0x1] =	stream.linear.gather [hbm4b:s19+s3], $0xC800, $0x38;
	[tilespmem:$0x1B800] =	vst v63  }
.LBB2_9:
0x2d1: {  	_ =	sfence.sel $0x180000  }
0x2d2: {  	[bflag:$0x0] =	sbarrier.arrive $0xFFFF  }
0x2d3: {  	p0 =	sne.s32 s1, $0x0;
	_ =	strace $0x90000047  }
0x2d4: {  	s0 =	sadd.s32 @!p0 $0x100000, s0;
	[bflag:$0x2] =	sbarrier.arrive $0xFFFF  }
0x2d5: {  	[sflag:s0] =	ssyncadd.tile.s32 @!p0 $0x1;
	_ =	shalt  }
.Lfunc_end2:
_tile_overlayer_lowered:
.L_overlay_start_2:
0x2d6: {  	(tag) =	ssettag $0x2  }
0x2d7: {  	s0 =	rddreg [dreg:$0x0];
	s2 =	stileid.u32  }
0x2d8: {  	s1 =	rddreg [dreg:$0x1];
	p0 =	sne.s32 s2, $0x0  }
0x2d9: {  	s3 =	rddreg [dreg:$0x2];
	[bflag:$0x3] =	sbarrier.arrive $0xFFFF;
	s2 =	simm.s32 @!p0 $0x1C03  }
0x2da: {  	[timem:s3], [sflag:s2] =	dma.local @!p0 [hbm:s0], s1  }
0x2db: {  	s0 =	simm.s32 @!p0 $0x3  }
0x2dc: {  	_ =	swait.ge @!p0 [sflag:s0], s1  }
0x2dd: {  	s1 =	ssub.s32 @!p0 $0x0, s1;
	[sflag:s0] =	ssyncset.done @!p0 $0x0  }
0x2de: {  	[sflag:s0] =	ssyncadd.s32 @!p0 s1  }
0x2df: {  	[bflag:$0x3] =	sbarrier.arrive $0xFFFF  }
0x2e0: {  	_ =	shalt  }

</sc_bundles>
